<compile_context>
chip_gen: v7x
topology: tpu7x:2x2x1
jax: 0.10.2.dev20260603
libtpu: 0.0.44.dev20260713+nightly
codegen_flags: <defaults>
</compile_context>

<pallas_src>
import jax
import jax.numpy as jnp
from jax import lax
from jax.experimental import pallas as pl
from jax.experimental.pallas import tpu as pltpu
from jax.experimental.pallas import tpu_sc as plsc

N = 10000
NPAD = 10240
E = 320000
D = 128
P = 4096

NC = 2
NS = 16
NW = NC * NS
L = 16

EPT = E // NW
CH = 80
Q = 3
NCHUNK = EPT // CH + 1
WAVES = NCHUNK // Q
RPT = NPAD // NS
PPT = P // NW
BR = 2048

_F32 = jnp.float32


def _mk_mesh():
    return plsc.VectorSubcoreMesh(
        core_axis_name="c", subcore_axis_name="s", num_cores=NC, num_subcores=NS
    )


def _agg_body(with_counts):

    def body(feat, src3, dst3, *rest):
        if with_counts:
            psum, cnts, acc = rest[:3]
            rest = rest[3:]
        else:
            psum, acc = rest[:2]
            rest = rest[2:]
        sidx = rest[0:Q]
        didx = rest[Q:2 * Q]
        rows = rest[2 * Q:3 * Q]
        rest = rest[3 * Q:]
        if with_counts:
            cnt_v = rest[0]
            rest = rest[1:]
        sg = rest[0:Q]
        ss = rest[Q:2 * Q]
        c = lax.axis_index("c")
        s = lax.axis_index("s")
        wid = s * NC + c

        z16 = jnp.zeros((L,), _F32)
        if with_counts:

            def zloop(i, carry):
                cnt_v[pl.ds(i * L, L)] = z16
                return carry

            lax.fori_loop(0, NPAD // L, zloop, 0)

        def zrow(i, carry):
            for j in range(D // L):
                rows[0][i, pl.ds(j * L, L)] = z16
            return carry

        lax.fori_loop(0, CH, zrow, 0)
        for q in range(RPT // CH):
            pltpu.sync_copy(rows[0], acc.at[pl.ds(s * RPT + q * CH, CH)])
        plsc.subcore_barrier()

        ones16 = jnp.ones((L,), _F32)

        def hist(dbuf):
            if with_counts:
                for j in range(CH // L):
                    idx = dbuf[pl.ds(j * L, L)]
                    plsc.addupdate_scatter(cnt_v, [idx], ones16)

        def wave(w, carry):
            i0 = w * Q
            for b in range(Q):
                @pl.when(w > 0)
                def _drain():
                    pltpu.make_async_copy(rows[b], acc.at[didx[b]],
                                          ss[b]).wait()

                pltpu.sync_copy(src3.at[wid, i0 + b], sidx[b])
                pltpu.sync_copy(dst3.at[wid, i0 + b], didx[b])
                pltpu.async_copy(feat.at[sidx[b]], rows[b], sg[b])
                hist(didx[b])
            for b in range(Q):
                pltpu.make_async_copy(feat.at[sidx[b]], rows[b], sg[b]).wait()
                pltpu.async_copy(rows[b], acc.at[didx[b]], ss[b], add=True)
            return carry

        lax.fori_loop(0, WAVES, wave, 0)
        for b in range(Q):
            pltpu.make_async_copy(rows[b], acc.at[didx[b]], ss[b]).wait()

        if with_counts:
            pltpu.sync_copy(cnt_v, cnts.at[wid])
        plsc.subcore_barrier()

        pltpu.sync_copy(acc.at[pl.ds(s * RPT, RPT)], psum.at[c, pl.ds(s * RPT, RPT)])

    return body


def _make_agg(with_counts):
    out_type = [jax.ShapeDtypeStruct((NC, NPAD, D), _F32)]
    if with_counts:
        out_type.append(jax.ShapeDtypeStruct((NW, NPAD), _F32))
    scratch = [pltpu.VMEM_SHARED((NPAD, D), _F32)]
    scratch += [pltpu.VMEM((CH,), jnp.int32) for _ in range(2 * Q)]
    scratch += [pltpu.VMEM((CH, D), _F32) for _ in range(Q)]
    if with_counts:
        scratch.append(pltpu.VMEM((NPAD,), _F32))
    scratch += [pltpu.SemaphoreType.DMA for _ in range(2 * Q)]
    return pl.kernel(
        _agg_body(with_counts),
        out_type=out_type,
        mesh=_mk_mesh(),
        compiler_params=pltpu.CompilerParams(needs_layout_passes=False),
        scratch_types=scratch,
    )


def _tc_layer1(ps, cb, ft, wl, wr, bl, oh, orc):
    ssum = ps[0] + ps[1]
    cnt = jnp.sum(cb[...], axis=0).reshape(BR, 1)
    recip = 1.0 / jnp.maximum(cnt, 1.0)
    mean = ssum * recip
    acc = lax.dot_general(mean, wl[...], (((1,), (1,)), ((), ())),
                          preferred_element_type=_F32)
    acc += lax.dot_general(ft[...], wr[...], (((1,), (1,)), ((), ())),
                           preferred_element_type=_F32)
    acc += bl[...]
    oh[...] = jnp.maximum(acc, 0.0)
    orc[...] = jnp.broadcast_to(recip, (BR, 8))


def _tc_layer2(ps, rc, ft, wl, wr, bl, wuv, buv, o):
    mean = (ps[0] + ps[1]) * rc[:, :1]
    h2 = lax.dot_general(mean, wl[...], (((1,), (1,)), ((), ())),
                         preferred_element_type=_F32)
    h2 += lax.dot_general(ft[...], wr[...], (((1,), (1,)), ((), ())),
                          preferred_element_type=_F32)
    h2 += bl[...]
    o[...] = lax.dot_general(h2, wuv[...], (((1,), (0,)), ((), ())),
                             preferred_element_type=_F32) + buv[...]


def _pairs_body(uh, vh, p0, p1, out, u_v, v_v, p0_v, p1_v, out_v):
    c = lax.axis_index("c")
    s = lax.axis_index("s")
    wid = s * NC + c
    pltpu.sync_copy(uh, u_v)
    pltpu.sync_copy(vh, v_v)
    pltpu.sync_copy(p0.at[pl.ds(wid * PPT, PPT)], p0_v)
    pltpu.sync_copy(p1.at[pl.ds(wid * PPT, PPT)], p1_v)
    for j in range(PPT // L):
        i0 = p0_v[pl.ds(j * L, L)]
        i1 = p1_v[pl.ds(j * L, L)]
        u = plsc.load_gather(u_v, [i0])
        v = plsc.load_gather(v_v, [i1])
        z = u + v
        out_v[pl.ds(j * L, L)] = 1.0 / (1.0 + jnp.exp(-z))
    pltpu.sync_copy(out_v, out.at[pl.ds(wid * PPT, PPT)])


def kernel(x, edge_index, pairs, W1l, b1l, W1r, W2l, b2l, W2r, Wlp, blp):
    src = edge_index[0].astype(jnp.int32)
    dst = edge_index[1].astype(jnp.int32)
    p0 = pairs[:, 0].astype(jnp.int32)
    p1 = pairs[:, 1].astype(jnp.int32)

    src3 = jnp.pad(src.reshape(NW, EPT // CH, CH), ((0, 0), (0, 1), (0, 0)))
    dst3 = jnp.pad(dst.reshape(NW, EPT // CH, CH), ((0, 0), (0, 1), (0, 0)),
                   constant_values=NPAD - 1)

    xp = jnp.pad(x, ((0, NPAD - N), (0, 0)))

    psum1, cnts = _make_agg(True)(xp, src3, dst3)

    wspec = pl.BlockSpec((D, D), lambda i: (0, 0))
    bspec = pl.BlockSpec((1, D), lambda i: (0, 0))
    h, rec = pl.pallas_call(
        _tc_layer1,
        grid=(NPAD // BR,),
        in_specs=[
            pl.BlockSpec((NC, BR, D), lambda i: (0, i, 0)),
            pl.BlockSpec((NW, BR), lambda i: (0, i)),
            pl.BlockSpec((BR, D), lambda i: (i, 0)),
            wspec, wspec, bspec,
        ],
        out_specs=[
            pl.BlockSpec((BR, D), lambda i: (i, 0)),
            pl.BlockSpec((BR, 8), lambda i: (i, 0)),
        ],
        out_shape=[
            jax.ShapeDtypeStruct((NPAD, D), _F32),
            jax.ShapeDtypeStruct((NPAD, 8), _F32),
        ],
    )(psum1, cnts, xp, W1l, W1r, b1l.reshape(1, D))

    (psum2,) = _make_agg(False)(h, src3, dst3)

    wuv = Wlp.reshape(2, D).T
    buv = jnp.concatenate([blp, jnp.zeros((1,), _F32)]).reshape(1, 2)
    uv = pl.pallas_call(
        _tc_layer2,
        grid=(NPAD // BR,),
        in_specs=[
            pl.BlockSpec((NC, BR, D), lambda i: (0, i, 0)),
            pl.BlockSpec((BR, 8), lambda i: (i, 0)),
            pl.BlockSpec((BR, D), lambda i: (i, 0)),
            wspec, wspec, bspec,
            pl.BlockSpec((D, 2), lambda i: (0, 0)),
            pl.BlockSpec((1, 2), lambda i: (0, 0)),
        ],
        out_specs=pl.BlockSpec((BR, 2), lambda i: (i, 0)),
        out_shape=jax.ShapeDtypeStruct((NPAD, 2), _F32),
    )(psum2, rec, h, W2l, W2r, b2l.reshape(1, D), wuv, buv)

    pairk = pl.kernel(
        _pairs_body,
        out_type=jax.ShapeDtypeStruct((P,), _F32),
        mesh=_mk_mesh(),
        compiler_params=pltpu.CompilerParams(needs_layout_passes=False),
        scratch_types=[
            pltpu.VMEM((NPAD,), _F32),
            pltpu.VMEM((NPAD,), _F32),
            pltpu.VMEM((PPT,), jnp.int32),
            pltpu.VMEM((PPT,), jnp.int32),
            pltpu.VMEM((PPT,), _F32),
        ],
    )
    return pairk(uv[:, 0], uv[:, 1], p0, p1)

# --- scband reference (transcript-rebuilt; emitter-appended) ---
"""Pipeline reference for scband-graph-sagerecommender-53360673685665 (READ-ONLY COPY).

The authoritative reference and input builder live on the scoring server;
editing this copy changes nothing except your own understanding.
"""

import jax, jax.numpy as jnp
import numpy as np

N = 10000
E = 320000
DIN = 128
DH = 128
DOUT = 128
P = 4096


def setup_inputs(seed: int = 0) -> dict:
    key = jax.random.key(seed)
    ks = jax.random.split(key, 12)
    x = jax.random.normal(ks[0], (N, DIN), dtype=jnp.float32)
    edge_index = jax.random.randint(ks[1], (2, E), 0, N)
    pairs = jax.random.randint(ks[2], (P, 2), 0, N)
    W1l = jax.random.normal(ks[3], (DH, DIN), dtype=jnp.float32) * (1.0 / np.sqrt(DIN))
    b1l = jnp.zeros((DH,), dtype=jnp.float32)
    W1r = jax.random.normal(ks[4], (DH, DIN), dtype=jnp.float32) * (1.0 / np.sqrt(DIN))
    W2l = jax.random.normal(ks[5], (DOUT, DH), dtype=jnp.float32) * (1.0 / np.sqrt(DH))
    b2l = jnp.zeros((DOUT,), dtype=jnp.float32)
    W2r = jax.random.normal(ks[6], (DOUT, DH), dtype=jnp.float32) * (1.0 / np.sqrt(DH))
    Wlp = jax.random.normal(ks[7], (1, 2 * DOUT), dtype=jnp.float32) * (1.0 / np.sqrt(2 * DOUT))
    blp = jnp.zeros((1,), dtype=jnp.float32)
    return {"x": x, "edge_index": edge_index, "pairs": pairs,
            "W1l": W1l, "b1l": b1l, "W1r": W1r,
            "W2l": W2l, "b2l": b2l, "W2r": W2r,
            "Wlp": Wlp, "blp": blp}


def _sage_conv(x, edge_index, Wl, bl, Wr, num_nodes):
    # PyG SAGEConv (mean aggregation): out = lin_l(mean_{j in N(i)} x_j) + lin_r(x_i)
    src = edge_index[0]
    dst = edge_index[1]
    msgs = x[src]
    summed = jax.ops.segment_sum(msgs, dst, num_segments=num_nodes)
    cnt = jax.ops.segment_sum(jnp.ones((msgs.shape[0],), dtype=x.dtype), dst, num_segments=num_nodes)
    mean = summed / jnp.clip(cnt, 1.0)[:, None]
    return mean @ Wl.T + bl + x @ Wr.T


def reference(x, edge_index, pairs, W1l, b1l, W1r, W2l, b2l, W2r, Wlp, blp):
    h = _sage_conv(x, edge_index, W1l, b1l, W1r, x.shape[0])
    h = jax.nn.relu(h)
    h = _sage_conv(h, edge_index, W2l, b2l, W2r, x.shape[0])
    src_emb = h[pairs[:, 0]]
    dst_emb = h[pairs[:, 1]]
    edge_emb = jnp.concatenate([src_emb, dst_emb], axis=1)
    link_probs = jax.nn.sigmoid(edge_emb @ Wlp.T + blp).squeeze()
    return link_probs

if __name__ == "__main__":
    import jax
    _d = setup_inputs()
    print(jax.jit(kernel)(*tuple(_d.values())))

</pallas_src>

<mosaic_0001>
#map = affine_map<(d0, d1) -> (0, 0)>
#map1 = affine_map<(d0, d1) -> (0, 0, 0)>
module attributes {stable_mosaic.version = 14 : i64} {
  func.func @body(%arg0: i32, %arg1: i32, %arg2: memref<10240x128xf32, #tpu.memory_space<hbm>>, %arg3: memref<32x126x80xi32, #tpu.memory_space<hbm>>, %arg4: memref<32x126x80xi32, #tpu.memory_space<hbm>>, %arg5: memref<2x10240x128xf32, #tpu.memory_space<hbm>>, %arg6: memref<32x10240xf32, #tpu.memory_space<hbm>>, %arg7: memref<10240x128xf32, #tpu.memory_space<vmem_shared>>, %arg8: memref<80xi32, #tpu.memory_space<vmem>>, %arg9: memref<80xi32, #tpu.memory_space<vmem>>, %arg10: memref<80xi32, #tpu.memory_space<vmem>>, %arg11: memref<80xi32, #tpu.memory_space<vmem>>, %arg12: memref<80xi32, #tpu.memory_space<vmem>>, %arg13: memref<80xi32, #tpu.memory_space<vmem>>, %arg14: memref<80x128xf32, #tpu.memory_space<vmem>>, %arg15: memref<80x128xf32, #tpu.memory_space<vmem>>, %arg16: memref<80x128xf32, #tpu.memory_space<vmem>>, %arg17: memref<10240xf32, #tpu.memory_space<vmem>>, %arg18: memref<!tpu.dma_semaphore, #tpu.memory_space<semaphore_mem>>, %arg19: memref<!tpu.dma_semaphore, #tpu.memory_space<semaphore_mem>>, %arg20: memref<!tpu.dma_semaphore, #tpu.memory_space<semaphore_mem>>, %arg21: memref<!tpu.dma_semaphore, #tpu.memory_space<semaphore_mem>>, %arg22: memref<!tpu.dma_semaphore, #tpu.memory_space<semaphore_mem>>, %arg23: memref<!tpu.dma_semaphore, #tpu.memory_space<semaphore_mem>>) attributes {dimension_semantics = [#tpu.dimension_semantics<core_parallel>, #tpu.dimension_semantics<subcore_parallel>], iteration_bounds = array<i64: 2, 16>, scalar_prefetch = 0 : i64, scratch_operands = 17 : i64, tpu.core_type = #tpu.core_type<sc_vector_subcore>, window_params = [{transform_indices = #map}, {transform_indices = #map1}, {transform_indices = #map1}, {transform_indices = #map1}, {transform_indices = #map}]} {
    %mul3A = arith.constant 2 : i32
    %mul3A_0 = arith.muli %arg1, %mul3A : i32
    %add3A = arith.addi %mul3A_0, %arg0 : i32
    %broadcast_in_dim3A = arith.constant 0.000000e+00 : f32
    %broadcast_in_dim3A_1 = vector.broadcast %broadcast_in_dim3A : f32 to vector<16xf32>
    %scan3A = arith.constant 0 : i32
    %scan3A_2 = arith.constant 0 : i32
    %scan3A_3 = arith.constant 640 : i32
    %scan3A_4 = arith.addi %scan3A_2, %scan3A_3 : i32
    %scan3A_5 = arith.constant 1 : i32
    scf.for %scan3A_66 = %scan3A_2 to %scan3A_4 step %scan3A_5  : i32 {
      %mul3A_67 = arith.constant 16 : i32
      %mul3A_68 = arith.muli %scan3A_66, %mul3A_67 : i32
      %swap3A = arith.index_cast %mul3A_68 : i32 to index
      %swap3A_69 = tpu.vector_load %arg17[%swap3A] {strides = array<i32>} : memref<10240xf32, #tpu.memory_space<vmem>>, vector<16xf32>,
      tpu.vector_store %arg17[%swap3A], %broadcast_in_dim3A_1 {strides = array<i32>} : memref<10240xf32, #tpu.memory_space<vmem>>, vector<16xf32>,
    }
    %scan3A_6 = arith.constant 640 : i32
    %scan3A_7 = arith.constant 0 : i32
    %scan3A_8 = arith.constant 0 : i32
    %scan3A_9 = arith.constant 80 : i32
    %scan3A_10 = arith.addi %scan3A_8, %scan3A_9 : i32
    %scan3A_11 = arith.constant 1 : i32
    scf.for %scan3A_66 = %scan3A_8 to %scan3A_10 step %scan3A_11  : i32 {
      %swap3A = arith.index_cast %scan3A_66 : i32 to index
      %swap3A_67 = arith.constant 0 : index
      %swap3A_68 = tpu.vector_load %arg14[%swap3A, %swap3A_67] {strides = array<i32>} : memref<80x128xf32, #tpu.memory_space<vmem>>, vector<16xf32>,
      tpu.vector_store %arg14[%swap3A, %swap3A_67], %broadcast_in_dim3A_1 {strides = array<i32>} : memref<80x128xf32, #tpu.memory_space<vmem>>, vector<16xf32>,
      %swap3A_69 = arith.index_cast %scan3A_66 : i32 to index
      %swap3A_70 = arith.constant 16 : index
      %swap3A_71 = tpu.vector_load %arg14[%swap3A_69, %swap3A_70] {strides = array<i32>} : memref<80x128xf32, #tpu.memory_space<vmem>>, vector<16xf32>,
      tpu.vector_store %arg14[%swap3A_69, %swap3A_70], %broadcast_in_dim3A_1 {strides = array<i32>} : memref<80x128xf32, #tpu.memory_space<vmem>>, vector<16xf32>,
      %swap3A_72 = arith.index_cast %scan3A_66 : i32 to index
      %swap3A_73 = arith.constant 32 : index
      %swap3A_74 = tpu.vector_load %arg14[%swap3A_72, %swap3A_73] {strides = array<i32>} : memref<80x128xf32, #tpu.memory_space<vmem>>, vector<16xf32>,
      tpu.vector_store %arg14[%swap3A_72, %swap3A_73], %broadcast_in_dim3A_1 {strides = array<i32>} : memref<80x128xf32, #tpu.memory_space<vmem>>, vector<16xf32>,
      %swap3A_75 = arith.index_cast %scan3A_66 : i32 to index
      %swap3A_76 = arith.constant 48 : index
      %swap3A_77 = tpu.vector_load %arg14[%swap3A_75, %swap3A_76] {strides = array<i32>} : memref<80x128xf32, #tpu.memory_space<vmem>>, vector<16xf32>,
      tpu.vector_store %arg14[%swap3A_75, %swap3A_76], %broadcast_in_dim3A_1 {strides = array<i32>} : memref<80x128xf32, #tpu.memory_space<vmem>>, vector<16xf32>,
      %swap3A_78 = arith.index_cast %scan3A_66 : i32 to index
      %swap3A_79 = arith.constant 64 : index
      %swap3A_80 = tpu.vector_load %arg14[%swap3A_78, %swap3A_79] {strides = array<i32>} : memref<80x128xf32, #tpu.memory_space<vmem>>, vector<16xf32>,
      tpu.vector_store %arg14[%swap3A_78, %swap3A_79], %broadcast_in_dim3A_1 {strides = array<i32>} : memref<80x128xf32, #tpu.memory_space<vmem>>, vector<16xf32>,
      %swap3A_81 = arith.index_cast %scan3A_66 : i32 to index
      %swap3A_82 = arith.constant 80 : index
      %swap3A_83 = tpu.vector_load %arg14[%swap3A_81, %swap3A_82] {strides = array<i32>} : memref<80x128xf32, #tpu.memory_space<vmem>>, vector<16xf32>,
      tpu.vector_store %arg14[%swap3A_81, %swap3A_82], %broadcast_in_dim3A_1 {strides = array<i32>} : memref<80x128xf32, #tpu.memory_space<vmem>>, vector<16xf32>,
      %swap3A_84 = arith.index_cast %scan3A_66 : i32 to index
      %swap3A_85 = arith.constant 96 : index
      %swap3A_86 = tpu.vector_load %arg14[%swap3A_84, %swap3A_85] {strides = array<i32>} : memref<80x128xf32, #tpu.memory_space<vmem>>, vector<16xf32>,
      tpu.vector_store %arg14[%swap3A_84, %swap3A_85], %broadcast_in_dim3A_1 {strides = array<i32>} : memref<80x128xf32, #tpu.memory_space<vmem>>, vector<16xf32>,
      %swap3A_87 = arith.index_cast %scan3A_66 : i32 to index
      %swap3A_88 = arith.constant 112 : index
      %swap3A_89 = tpu.vector_load %arg14[%swap3A_87, %swap3A_88] {strides = array<i32>} : memref<80x128xf32, #tpu.memory_space<vmem>>, vector<16xf32>,
      tpu.vector_store %arg14[%swap3A_87, %swap3A_88], %broadcast_in_dim3A_1 {strides = array<i32>} : memref<80x128xf32, #tpu.memory_space<vmem>>, vector<16xf32>,
    }
    %scan3A_12 = arith.constant 80 : i32
    %mul3A_13 = arith.constant 640 : i32
    %mul3A_14 = arith.muli %arg1, %mul3A_13 : i32
    %add3A_15 = arith.constant 0 : i32
    %add3A_16 = arith.addi %mul3A_14, %add3A_15 : i32
    "tpu.region"() ({
      %run_scoped3A = tpu.sem_alloc : memref<!tpu.dma_semaphore, #tpu.memory_space<semaphore_mem>>
      %dma_start3A = arith.constant 0 : i32
      %dma_start3A_66 = tpu.memref_slice %arg7[%add3A_16, %dma_start3A] : memref<10240x128xf32, #tpu.memory_space<vmem_shared>> -> memref<80x128xf32, #tpu.memory_space<vmem_shared>>
      %dma_start3A_67 = arith.constant 0 : i32
      %dma_start3A_68 = tpu.memref_slice %arg7[%add3A_16, %dma_start3A_67] : memref<10240x128xf32, #tpu.memory_space<vmem_shared>> -> memref<80x128xf32, #tpu.memory_space<vmem_shared>>
      tpu.enqueue_dma source(%arg14 : memref<80x128xf32, #tpu.memory_space<vmem>>) target(%dma_start3A_68 : memref<80x128xf32, #tpu.memory_space<vmem_shared>>) target_semaphore(%run_scoped3A : memref<!tpu.dma_semaphore, #tpu.memory_space<semaphore_mem>>)
      %dma_wait3A_69 = arith.constant 0 : i32
      %dma_wait3A_70 = tpu.memref_slice %arg7[%add3A_16, %dma_wait3A_69] : memref<10240x128xf32, #tpu.memory_space<vmem_shared>> -> memref<80x128xf32, #tpu.memory_space<vmem_shared>>
      %dma_wait3A_71 = arith.constant 0 : i32
      %dma_wait3A_72 = tpu.memref_slice %arg7[%add3A_16, %dma_wait3A_71] : memref<10240x128xf32, #tpu.memory_space<vmem_shared>> -> memref<80x128xf32, #tpu.memory_space<vmem_shared>>
      tpu.wait_dma2 semaphore(%run_scoped3A : memref<!tpu.dma_semaphore, #tpu.memory_space<semaphore_mem>>) src(%arg14 : memref<80x128xf32, #tpu.memory_space<vmem>>) dst(%dma_wait3A_72 : memref<80x128xf32, #tpu.memory_space<vmem_shared>>)
      tpu.yield
    }) : () -> ()
    %mul3A_17 = arith.constant 640 : i32
    %mul3A_18 = arith.muli %arg1, %mul3A_17 : i32
    %add3A_19 = arith.constant 80 : i32
    %add3A_20 = arith.addi %mul3A_18, %add3A_19 : i32
    "tpu.region"() ({
      %run_scoped3A = tpu.sem_alloc : memref<!tpu.dma_semaphore, #tpu.memory_space<semaphore_mem>>
      %dma_start3A = arith.constant 0 : i32
      %dma_start3A_66 = tpu.memref_slice %arg7[%add3A_20, %dma_start3A] : memref<10240x128xf32, #tpu.memory_space<vmem_shared>> -> memref<80x128xf32, #tpu.memory_space<vmem_shared>>
      %dma_start3A_67 = arith.constant 0 : i32
      %dma_start3A_68 = tpu.memref_slice %arg7[%add3A_20, %dma_start3A_67] : memref<10240x128xf32, #tpu.memory_space<vmem_shared>> -> memref<80x128xf32, #tpu.memory_space<vmem_shared>>
      tpu.enqueue_dma source(%arg14 : memref<80x128xf32, #tpu.memory_space<vmem>>) target(%dma_start3A_68 : memref<80x128xf32, #tpu.memory_space<vmem_shared>>) target_semaphore(%run_scoped3A : memref<!tpu.dma_semaphore, #tpu.memory_space<semaphore_mem>>)
      %dma_wait3A_69 = arith.constant 0 : i32
      %dma_wait3A_70 = tpu.memref_slice %arg7[%add3A_20, %dma_wait3A_69] : memref<10240x128xf32, #tpu.memory_space<vmem_shared>> -> memref<80x128xf32, #tpu.memory_space<vmem_shared>>
      %dma_wait3A_71 = arith.constant 0 : i32
      %dma_wait3A_72 = tpu.memref_slice %arg7[%add3A_20, %dma_wait3A_71] : memref<10240x128xf32, #tpu.memory_space<vmem_shared>> -> memref<80x128xf32, #tpu.memory_space<vmem_shared>>
      tpu.wait_dma2 semaphore(%run_scoped3A : memref<!tpu.dma_semaphore, #tpu.memory_space<semaphore_mem>>) src(%arg14 : memref<80x128xf32, #tpu.memory_space<vmem>>) dst(%dma_wait3A_72 : memref<80x128xf32, #tpu.memory_space<vmem_shared>>)
      tpu.yield
    }) : () -> ()
    %mul3A_21 = arith.constant 640 : i32
    %mul3A_22 = arith.muli %arg1, %mul3A_21 : i32
    %add3A_23 = arith.constant 160 : i32
    %add3A_24 = arith.addi %mul3A_22, %add3A_23 : i32
    "tpu.region"() ({
      %run_scoped3A = tpu.sem_alloc : memref<!tpu.dma_semaphore, #tpu.memory_space<semaphore_mem>>
      %dma_start3A = arith.constant 0 : i32
      %dma_start3A_66 = tpu.memref_slice %arg7[%add3A_24, %dma_start3A] : memref<10240x128xf32, #tpu.memory_space<vmem_shared>> -> memref<80x128xf32, #tpu.memory_space<vmem_shared>>
      %dma_start3A_67 = arith.constant 0 : i32
      %dma_start3A_68 = tpu.memref_slice %arg7[%add3A_24, %dma_start3A_67] : memref<10240x128xf32, #tpu.memory_space<vmem_shared>> -> memref<80x128xf32, #tpu.memory_space<vmem_shared>>
      tpu.enqueue_dma source(%arg14 : memref<80x128xf32, #tpu.memory_space<vmem>>) target(%dma_start3A_68 : memref<80x128xf32, #tpu.memory_space<vmem_shared>>) target_semaphore(%run_scoped3A : memref<!tpu.dma_semaphore, #tpu.memory_space<semaphore_mem>>)
      %dma_wait3A_69 = arith.constant 0 : i32
      %dma_wait3A_70 = tpu.memref_slice %arg7[%add3A_24, %dma_wait3A_69] : memref<10240x128xf32, #tpu.memory_space<vmem_shared>> -> memref<80x128xf32, #tpu.memory_space<vmem_shared>>
      %dma_wait3A_71 = arith.constant 0 : i32
      %dma_wait3A_72 = tpu.memref_slice %arg7[%add3A_24, %dma_wait3A_71] : memref<10240x128xf32, #tpu.memory_space<vmem_shared>> -> memref<80x128xf32, #tpu.memory_space<vmem_shared>>
      tpu.wait_dma2 semaphore(%run_scoped3A : memref<!tpu.dma_semaphore, #tpu.memory_space<semaphore_mem>>) src(%arg14 : memref<80x128xf32, #tpu.memory_space<vmem>>) dst(%dma_wait3A_72 : memref<80x128xf32, #tpu.memory_space<vmem_shared>>)
      tpu.yield
    }) : () -> ()
    %mul3A_25 = arith.constant 640 : i32
    %mul3A_26 = arith.muli %arg1, %mul3A_25 : i32
    %add3A_27 = arith.constant 240 : i32
    %add3A_28 = arith.addi %mul3A_26, %add3A_27 : i32
    "tpu.region"() ({
      %run_scoped3A = tpu.sem_alloc : memref<!tpu.dma_semaphore, #tpu.memory_space<semaphore_mem>>
      %dma_start3A = arith.constant 0 : i32
      %dma_start3A_66 = tpu.memref_slice %arg7[%add3A_28, %dma_start3A] : memref<10240x128xf32, #tpu.memory_space<vmem_shared>> -> memref<80x128xf32, #tpu.memory_space<vmem_shared>>
      %dma_start3A_67 = arith.constant 0 : i32
      %dma_start3A_68 = tpu.memref_slice %arg7[%add3A_28, %dma_start3A_67] : memref<10240x128xf32, #tpu.memory_space<vmem_shared>> -> memref<80x128xf32, #tpu.memory_space<vmem_shared>>
      tpu.enqueue_dma source(%arg14 : memref<80x128xf32, #tpu.memory_space<vmem>>) target(%dma_start3A_68 : memref<80x128xf32, #tpu.memory_space<vmem_shared>>) target_semaphore(%run_scoped3A : memref<!tpu.dma_semaphore, #tpu.memory_space<semaphore_mem>>)
      %dma_wait3A_69 = arith.constant 0 : i32
      %dma_wait3A_70 = tpu.memref_slice %arg7[%add3A_28, %dma_wait3A_69] : memref<10240x128xf32, #tpu.memory_space<vmem_shared>> -> memref<80x128xf32, #tpu.memory_space<vmem_shared>>
      %dma_wait3A_71 = arith.constant 0 : i32
      %dma_wait3A_72 = tpu.memref_slice %arg7[%add3A_28, %dma_wait3A_71] : memref<10240x128xf32, #tpu.memory_space<vmem_shared>> -> memref<80x128xf32, #tpu.memory_space<vmem_shared>>
      tpu.wait_dma2 semaphore(%run_scoped3A : memref<!tpu.dma_semaphore, #tpu.memory_space<semaphore_mem>>) src(%arg14 : memref<80x128xf32, #tpu.memory_space<vmem>>) dst(%dma_wait3A_72 : memref<80x128xf32, #tpu.memory_space<vmem_shared>>)
      tpu.yield
    }) : () -> ()
    %mul3A_29 = arith.constant 640 : i32
    %mul3A_30 = arith.muli %arg1, %mul3A_29 : i32
    %add3A_31 = arith.constant 320 : i32
    %add3A_32 = arith.addi %mul3A_30, %add3A_31 : i32
    "tpu.region"() ({
      %run_scoped3A = tpu.sem_alloc : memref<!tpu.dma_semaphore, #tpu.memory_space<semaphore_mem>>
      %dma_start3A = arith.constant 0 : i32
      %dma_start3A_66 = tpu.memref_slice %arg7[%add3A_32, %dma_start3A] : memref<10240x128xf32, #tpu.memory_space<vmem_shared>> -> memref<80x128xf32, #tpu.memory_space<vmem_shared>>
      %dma_start3A_67 = arith.constant 0 : i32
      %dma_start3A_68 = tpu.memref_slice %arg7[%add3A_32, %dma_start3A_67] : memref<10240x128xf32, #tpu.memory_space<vmem_shared>> -> memref<80x128xf32, #tpu.memory_space<vmem_shared>>
      tpu.enqueue_dma source(%arg14 : memref<80x128xf32, #tpu.memory_space<vmem>>) target(%dma_start3A_68 : memref<80x128xf32, #tpu.memory_space<vmem_shared>>) target_semaphore(%run_scoped3A : memref<!tpu.dma_semaphore, #tpu.memory_space<semaphore_mem>>)
      %dma_wait3A_69 = arith.constant 0 : i32
      %dma_wait3A_70 = tpu.memref_slice %arg7[%add3A_32, %dma_wait3A_69] : memref<10240x128xf32, #tpu.memory_space<vmem_shared>> -> memref<80x128xf32, #tpu.memory_space<vmem_shared>>
      %dma_wait3A_71 = arith.constant 0 : i32
      %dma_wait3A_72 = tpu.memref_slice %arg7[%add3A_32, %dma_wait3A_71] : memref<10240x128xf32, #tpu.memory_space<vmem_shared>> -> memref<80x128xf32, #tpu.memory_space<vmem_shared>>
      tpu.wait_dma2 semaphore(%run_scoped3A : memref<!tpu.dma_semaphore, #tpu.memory_space<semaphore_mem>>) src(%arg14 : memref<80x128xf32, #tpu.memory_space<vmem>>) dst(%dma_wait3A_72 : memref<80x128xf32, #tpu.memory_space<vmem_shared>>)
      tpu.yield
    }) : () -> ()
    %mul3A_33 = arith.constant 640 : i32
    %mul3A_34 = arith.muli %arg1, %mul3A_33 : i32
    %add3A_35 = arith.constant 400 : i32
    %add3A_36 = arith.addi %mul3A_34, %add3A_35 : i32
    "tpu.region"() ({
      %run_scoped3A = tpu.sem_alloc : memref<!tpu.dma_semaphore, #tpu.memory_space<semaphore_mem>>
      %dma_start3A = arith.constant 0 : i32
      %dma_start3A_66 = tpu.memref_slice %arg7[%add3A_36, %dma_start3A] : memref<10240x128xf32, #tpu.memory_space<vmem_shared>> -> memref<80x128xf32, #tpu.memory_space<vmem_shared>>
      %dma_start3A_67 = arith.constant 0 : i32
      %dma_start3A_68 = tpu.memref_slice %arg7[%add3A_36, %dma_start3A_67] : memref<10240x128xf32, #tpu.memory_space<vmem_shared>> -> memref<80x128xf32, #tpu.memory_space<vmem_shared>>
      tpu.enqueue_dma source(%arg14 : memref<80x128xf32, #tpu.memory_space<vmem>>) target(%dma_start3A_68 : memref<80x128xf32, #tpu.memory_space<vmem_shared>>) target_semaphore(%run_scoped3A : memref<!tpu.dma_semaphore, #tpu.memory_space<semaphore_mem>>)
      %dma_wait3A_69 = arith.constant 0 : i32
      %dma_wait3A_70 = tpu.memref_slice %arg7[%add3A_36, %dma_wait3A_69] : memref<10240x128xf32, #tpu.memory_space<vmem_shared>> -> memref<80x128xf32, #tpu.memory_space<vmem_shared>>
      %dma_wait3A_71 = arith.constant 0 : i32
      %dma_wait3A_72 = tpu.memref_slice %arg7[%add3A_36, %dma_wait3A_71] : memref<10240x128xf32, #tpu.memory_space<vmem_shared>> -> memref<80x128xf32, #tpu.memory_space<vmem_shared>>
      tpu.wait_dma2 semaphore(%run_scoped3A : memref<!tpu.dma_semaphore, #tpu.memory_space<semaphore_mem>>) src(%arg14 : memref<80x128xf32, #tpu.memory_space<vmem>>) dst(%dma_wait3A_72 : memref<80x128xf32, #tpu.memory_space<vmem_shared>>)
      tpu.yield
    }) : () -> ()
    %mul3A_37 = arith.constant 640 : i32
    %mul3A_38 = arith.muli %arg1, %mul3A_37 : i32
    %add3A_39 = arith.constant 480 : i32
    %add3A_40 = arith.addi %mul3A_38, %add3A_39 : i32
    "tpu.region"() ({
      %run_scoped3A = tpu.sem_alloc : memref<!tpu.dma_semaphore, #tpu.memory_space<semaphore_mem>>
      %dma_start3A = arith.constant 0 : i32
      %dma_start3A_66 = tpu.memref_slice %arg7[%add3A_40, %dma_start3A] : memref<10240x128xf32, #tpu.memory_space<vmem_shared>> -> memref<80x128xf32, #tpu.memory_space<vmem_shared>>
      %dma_start3A_67 = arith.constant 0 : i32
      %dma_start3A_68 = tpu.memref_slice %arg7[%add3A_40, %dma_start3A_67] : memref<10240x128xf32, #tpu.memory_space<vmem_shared>> -> memref<80x128xf32, #tpu.memory_space<vmem_shared>>
      tpu.enqueue_dma source(%arg14 : memref<80x128xf32, #tpu.memory_space<vmem>>) target(%dma_start3A_68 : memref<80x128xf32, #tpu.memory_space<vmem_shared>>) target_semaphore(%run_scoped3A : memref<!tpu.dma_semaphore, #tpu.memory_space<semaphore_mem>>)
      %dma_wait3A_69 = arith.constant 0 : i32
      %dma_wait3A_70 = tpu.memref_slice %arg7[%add3A_40, %dma_wait3A_69] : memref<10240x128xf32, #tpu.memory_space<vmem_shared>> -> memref<80x128xf32, #tpu.memory_space<vmem_shared>>
      %dma_wait3A_71 = arith.constant 0 : i32
      %dma_wait3A_72 = tpu.memref_slice %arg7[%add3A_40, %dma_wait3A_71] : memref<10240x128xf32, #tpu.memory_space<vmem_shared>> -> memref<80x128xf32, #tpu.memory_space<vmem_shared>>
      tpu.wait_dma2 semaphore(%run_scoped3A : memref<!tpu.dma_semaphore, #tpu.memory_space<semaphore_mem>>) src(%arg14 : memref<80x128xf32, #tpu.memory_space<vmem>>) dst(%dma_wait3A_72 : memref<80x128xf32, #tpu.memory_space<vmem_shared>>)
      tpu.yield
    }) : () -> ()
    %mul3A_41 = arith.constant 640 : i32
    %mul3A_42 = arith.muli %arg1, %mul3A_41 : i32
    %add3A_43 = arith.constant 560 : i32
    %add3A_44 = arith.addi %mul3A_42, %add3A_43 : i32
    "tpu.region"() ({
      %run_scoped3A = tpu.sem_alloc : memref<!tpu.dma_semaphore, #tpu.memory_space<semaphore_mem>>
      %dma_start3A = arith.constant 0 : i32
      %dma_start3A_66 = tpu.memref_slice %arg7[%add3A_44, %dma_start3A] : memref<10240x128xf32, #tpu.memory_space<vmem_shared>> -> memref<80x128xf32, #tpu.memory_space<vmem_shared>>
      %dma_start3A_67 = arith.constant 0 : i32
      %dma_start3A_68 = tpu.memref_slice %arg7[%add3A_44, %dma_start3A_67] : memref<10240x128xf32, #tpu.memory_space<vmem_shared>> -> memref<80x128xf32, #tpu.memory_space<vmem_shared>>
      tpu.enqueue_dma source(%arg14 : memref<80x128xf32, #tpu.memory_space<vmem>>) target(%dma_start3A_68 : memref<80x128xf32, #tpu.memory_space<vmem_shared>>) target_semaphore(%run_scoped3A : memref<!tpu.dma_semaphore, #tpu.memory_space<semaphore_mem>>)
      %dma_wait3A_69 = arith.constant 0 : i32
      %dma_wait3A_70 = tpu.memref_slice %arg7[%add3A_44, %dma_wait3A_69] : memref<10240x128xf32, #tpu.memory_space<vmem_shared>> -> memref<80x128xf32, #tpu.memory_space<vmem_shared>>
      %dma_wait3A_71 = arith.constant 0 : i32
      %dma_wait3A_72 = tpu.memref_slice %arg7[%add3A_44, %dma_wait3A_71] : memref<10240x128xf32, #tpu.memory_space<vmem_shared>> -> memref<80x128xf32, #tpu.memory_space<vmem_shared>>
      tpu.wait_dma2 semaphore(%run_scoped3A : memref<!tpu.dma_semaphore, #tpu.memory_space<semaphore_mem>>) src(%arg14 : memref<80x128xf32, #tpu.memory_space<vmem>>) dst(%dma_wait3A_72 : memref<80x128xf32, #tpu.memory_space<vmem_shared>>)
      tpu.yield
    }) : () -> ()
    %barrier3A = arith.constant 0 : index
    tpu.barrier barrier_id(%barrier3A)
    %broadcast_in_dim3A_45 = arith.constant 1.000000e+00 : f32
    %broadcast_in_dim3A_46 = vector.broadcast %broadcast_in_dim3A_45 : f32 to vector<16xf32>
    %scan3A_47 = arith.constant 0 : i32
    %scan3A_48 = arith.constant 0 : i32
    %scan3A_49 = arith.constant 42 : i32
    %scan3A_50 = arith.addi %scan3A_48, %scan3A_49 : i32
    %scan3A_51 = arith.constant 1 : i32
    scf.for %scan3A_66 = %scan3A_48 to %scan3A_50 step %scan3A_51  : i32 {
      %mul3A_67 = arith.constant 3 : i32
      %mul3A_68 = arith.muli %scan3A_66, %mul3A_67 : i32
      %gt3A = arith.constant 0 : i32
      %gt3A_69 = arith.cmpi sgt, %scan3A_66, %gt3A : i32
      %convert_element_type3A = arith.extui %gt3A_69 : i1 to i32
      %cond3A = arith.constant 0 : i32
      %cond3A_70 = arith.cmpi ne, %convert_element_type3A, %cond3A : i32
      scf.if %cond3A_70 {
        %dma_wait3A_148 = arith.constant 0 : i32
        %dma_wait3A_149 = arith.constant 0 : i32
        %dma_wait3A_150 = tpu.memref_slice %arg7[%dma_wait3A_148, %dma_wait3A_149] : memref<10240x128xf32, #tpu.memory_space<vmem_shared>> -> memref<10240x128xf32, #tpu.memory_space<vmem_shared>>
        tpu.wait_indirect_dma semaphore(%arg21 : memref<!tpu.dma_semaphore, #tpu.memory_space<semaphore_mem>>) src(%arg14 : memref<80x128xf32, #tpu.memory_space<vmem>>) dst(%dma_wait3A_150 : memref<10240x128xf32, #tpu.memory_space<vmem_shared>>)
      } else {
      }
      %add3A_71 = arith.constant 0 : i32
      %add3A_72 = arith.addi %mul3A_68, %add3A_71 : i32
      "tpu.region"() ({
        %run_scoped3A = tpu.sem_alloc : memref<!tpu.dma_semaphore, #tpu.memory_space<semaphore_mem>>
        %dma_start3A_148 = arith.constant 0 : i32
        %dma_start3A_149 = tpu.memref_slice %arg3[%add3A, %add3A_72, %dma_start3A_148] : memref<32x126x80xi32, #tpu.memory_space<hbm>> -> memref<1x1x80xi32, #tpu.memory_space<hbm>>
        %dma_start3A_150 = tpu.memref_squeeze %dma_start3A_149 : memref<1x1x80xi32, #tpu.memory_space<hbm>> -> memref<80xi32, #tpu.memory_space<hbm>>
        %dma_start3A_151 = arith.constant 0 : i32
        %dma_start3A_152 = tpu.memref_slice %arg3[%add3A, %add3A_72, %dma_start3A_151] : memref<32x126x80xi32, #tpu.memory_space<hbm>> -> memref<1x1x80xi32, #tpu.memory_space<hbm>>
        %dma_start3A_153 = tpu.memref_squeeze %dma_start3A_152 : memref<1x1x80xi32, #tpu.memory_space<hbm>> -> memref<80xi32, #tpu.memory_space<hbm>>
        tpu.enqueue_dma source(%dma_start3A_153 : memref<80xi32, #tpu.memory_space<hbm>>) target(%arg8 : memref<80xi32, #tpu.memory_space<vmem>>) target_semaphore(%run_scoped3A : memref<!tpu.dma_semaphore, #tpu.memory_space<semaphore_mem>>)
        %dma_wait3A_154 = arith.constant 0 : i32
        %dma_wait3A_155 = tpu.memref_slice %arg3[%add3A, %add3A_72, %dma_wait3A_154] : memref<32x126x80xi32, #tpu.memory_space<hbm>> -> memref<1x1x80xi32, #tpu.memory_space<hbm>>
        %dma_wait3A_156 = tpu.memref_squeeze %dma_wait3A_155 : memref<1x1x80xi32, #tpu.memory_space<hbm>> -> memref<80xi32, #tpu.memory_space<hbm>>
        %dma_wait3A_157 = arith.constant 0 : i32
        %dma_wait3A_158 = tpu.memref_slice %arg3[%add3A, %add3A_72, %dma_wait3A_157] : memref<32x126x80xi32, #tpu.memory_space<hbm>> -> memref<1x1x80xi32, #tpu.memory_space<hbm>>
        %dma_wait3A_159 = tpu.memref_squeeze %dma_wait3A_158 : memref<1x1x80xi32, #tpu.memory_space<hbm>> -> memref<80xi32, #tpu.memory_space<hbm>>
        tpu.wait_dma2 semaphore(%run_scoped3A : memref<!tpu.dma_semaphore, #tpu.memory_space<semaphore_mem>>) src(%dma_wait3A_159 : memref<80xi32, #tpu.memory_space<hbm>>) dst(%arg8 : memref<80xi32, #tpu.memory_space<vmem>>)
        tpu.yield
      }) : () -> ()
      %add3A_73 = arith.constant 0 : i32
      %add3A_74 = arith.addi %mul3A_68, %add3A_73 : i32
      "tpu.region"() ({
        %run_scoped3A = tpu.sem_alloc : memref<!tpu.dma_semaphore, #tpu.memory_space<semaphore_mem>>
        %dma_start3A_148 = arith.constant 0 : i32
        %dma_start3A_149 = tpu.memref_slice %arg4[%add3A, %add3A_74, %dma_start3A_148] : memref<32x126x80xi32, #tpu.memory_space<hbm>> -> memref<1x1x80xi32, #tpu.memory_space<hbm>>
        %dma_start3A_150 = tpu.memref_squeeze %dma_start3A_149 : memref<1x1x80xi32, #tpu.memory_space<hbm>> -> memref<80xi32, #tpu.memory_space<hbm>>
        %dma_start3A_151 = arith.constant 0 : i32
        %dma_start3A_152 = tpu.memref_slice %arg4[%add3A, %add3A_74, %dma_start3A_151] : memref<32x126x80xi32, #tpu.memory_space<hbm>> -> memref<1x1x80xi32, #tpu.memory_space<hbm>>
        %dma_start3A_153 = tpu.memref_squeeze %dma_start3A_152 : memref<1x1x80xi32, #tpu.memory_space<hbm>> -> memref<80xi32, #tpu.memory_space<hbm>>
        tpu.enqueue_dma source(%dma_start3A_153 : memref<80xi32, #tpu.memory_space<hbm>>) target(%arg11 : memref<80xi32, #tpu.memory_space<vmem>>) target_semaphore(%run_scoped3A : memref<!tpu.dma_semaphore, #tpu.memory_space<semaphore_mem>>)
        %dma_wait3A_154 = arith.constant 0 : i32
        %dma_wait3A_155 = tpu.memref_slice %arg4[%add3A, %add3A_74, %dma_wait3A_154] : memref<32x126x80xi32, #tpu.memory_space<hbm>> -> memref<1x1x80xi32, #tpu.memory_space<hbm>>
        %dma_wait3A_156 = tpu.memref_squeeze %dma_wait3A_155 : memref<1x1x80xi32, #tpu.memory_space<hbm>> -> memref<80xi32, #tpu.memory_space<hbm>>
        %dma_wait3A_157 = arith.constant 0 : i32
        %dma_wait3A_158 = tpu.memref_slice %arg4[%add3A, %add3A_74, %dma_wait3A_157] : memref<32x126x80xi32, #tpu.memory_space<hbm>> -> memref<1x1x80xi32, #tpu.memory_space<hbm>>
        %dma_wait3A_159 = tpu.memref_squeeze %dma_wait3A_158 : memref<1x1x80xi32, #tpu.memory_space<hbm>> -> memref<80xi32, #tpu.memory_space<hbm>>
        tpu.wait_dma2 semaphore(%run_scoped3A : memref<!tpu.dma_semaphore, #tpu.memory_space<semaphore_mem>>) src(%dma_wait3A_159 : memref<80xi32, #tpu.memory_space<hbm>>) dst(%arg11 : memref<80xi32, #tpu.memory_space<vmem>>)
        tpu.yield
      }) : () -> ()
      %dma_start3A = arith.constant 0 : i32
      %dma_start3A_75 = arith.constant 0 : i32
      %dma_start3A_76 = tpu.memref_slice %arg2[%dma_start3A, %dma_start3A_75] : memref<10240x128xf32, #tpu.memory_space<hbm>> -> memref<10240x128xf32, #tpu.memory_space<hbm>>
      tpu.enqueue_indirect_dma source(%dma_start3A_76 : memref<10240x128xf32, #tpu.memory_space<hbm>>) target(%arg14 : memref<80x128xf32, #tpu.memory_space<vmem>>) offsets(%arg8 : memref<80xi32, #tpu.memory_space<vmem>>) semaphore(%arg18 : memref<!tpu.dma_semaphore, #tpu.memory_space<semaphore_mem>>)
      %get3A = arith.constant 0 : index
      %get3A_77 = tpu.vector_load %arg11[%get3A] {strides = array<i32>} : memref<80xi32, #tpu.memory_space<vmem>>, vector<16xi32>,
      tpu.vector_store_idx %arg17[%get3A_77], %broadcast_in_dim3A_46 {add = true} : memref<10240xf32, #tpu.memory_space<vmem>>[vector<16xi32>], vector<16xf32>,
      %get3A_78 = arith.constant 16 : index
      %get3A_79 = tpu.vector_load %arg11[%get3A_78] {strides = array<i32>} : memref<80xi32, #tpu.memory_space<vmem>>, vector<16xi32>,
      tpu.vector_store_idx %arg17[%get3A_79], %broadcast_in_dim3A_46 {add = true} : memref<10240xf32, #tpu.memory_space<vmem>>[vector<16xi32>], vector<16xf32>,
      %get3A_80 = arith.constant 32 : index
      %get3A_81 = tpu.vector_load %arg11[%get3A_80] {strides = array<i32>} : memref<80xi32, #tpu.memory_space<vmem>>, vector<16xi32>,
      tpu.vector_store_idx %arg17[%get3A_81], %broadcast_in_dim3A_46 {add = true} : memref<10240xf32, #tpu.memory_space<vmem>>[vector<16xi32>], vector<16xf32>,
      %get3A_82 = arith.constant 48 : index
      %get3A_83 = tpu.vector_load %arg11[%get3A_82] {strides = array<i32>} : memref<80xi32, #tpu.memory_space<vmem>>, vector<16xi32>,
      tpu.vector_store_idx %arg17[%get3A_83], %broadcast_in_dim3A_46 {add = true} : memref<10240xf32, #tpu.memory_space<vmem>>[vector<16xi32>], vector<16xf32>,
      %get3A_84 = arith.constant 64 : index
      %get3A_85 = tpu.vector_load %arg11[%get3A_84] {strides = array<i32>} : memref<80xi32, #tpu.memory_space<vmem>>, vector<16xi32>,
      tpu.vector_store_idx %arg17[%get3A_85], %broadcast_in_dim3A_46 {add = true} : memref<10240xf32, #tpu.memory_space<vmem>>[vector<16xi32>], vector<16xf32>,
      %gt3A_86 = arith.constant 0 : i32
      %gt3A_87 = arith.cmpi sgt, %scan3A_66, %gt3A_86 : i32
      %convert_element_type3A_88 = arith.extui %gt3A_87 : i1 to i32
      %cond3A_89 = arith.constant 0 : i32
      %cond3A_90 = arith.cmpi ne, %convert_element_type3A_88, %cond3A_89 : i32
      scf.if %cond3A_90 {
        %dma_wait3A_148 = arith.constant 0 : i32
        %dma_wait3A_149 = arith.constant 0 : i32
        %dma_wait3A_150 = tpu.memref_slice %arg7[%dma_wait3A_148, %dma_wait3A_149] : memref<10240x128xf32, #tpu.memory_space<vmem_shared>> -> memref<10240x128xf32, #tpu.memory_space<vmem_shared>>
        tpu.wait_indirect_dma semaphore(%arg22 : memref<!tpu.dma_semaphore, #tpu.memory_space<semaphore_mem>>) src(%arg15 : memref<80x128xf32, #tpu.memory_space<vmem>>) dst(%dma_wait3A_150 : memref<10240x128xf32, #tpu.memory_space<vmem_shared>>)
      } else {
      }
      %add3A_91 = arith.constant 1 : i32
      %add3A_92 = arith.addi %mul3A_68, %add3A_91 : i32
      "tpu.region"() ({
        %run_scoped3A = tpu.sem_alloc : memref<!tpu.dma_semaphore, #tpu.memory_space<semaphore_mem>>
        %dma_start3A_148 = arith.constant 0 : i32
        %dma_start3A_149 = tpu.memref_slice %arg3[%add3A, %add3A_92, %dma_start3A_148] : memref<32x126x80xi32, #tpu.memory_space<hbm>> -> memref<1x1x80xi32, #tpu.memory_space<hbm>>
        %dma_start3A_150 = tpu.memref_squeeze %dma_start3A_149 : memref<1x1x80xi32, #tpu.memory_space<hbm>> -> memref<80xi32, #tpu.memory_space<hbm>>
        %dma_start3A_151 = arith.constant 0 : i32
        %dma_start3A_152 = tpu.memref_slice %arg3[%add3A, %add3A_92, %dma_start3A_151] : memref<32x126x80xi32, #tpu.memory_space<hbm>> -> memref<1x1x80xi32, #tpu.memory_space<hbm>>
        %dma_start3A_153 = tpu.memref_squeeze %dma_start3A_152 : memref<1x1x80xi32, #tpu.memory_space<hbm>> -> memref<80xi32, #tpu.memory_space<hbm>>
        tpu.enqueue_dma source(%dma_start3A_153 : memref<80xi32, #tpu.memory_space<hbm>>) target(%arg9 : memref<80xi32, #tpu.memory_space<vmem>>) target_semaphore(%run_scoped3A : memref<!tpu.dma_semaphore, #tpu.memory_space<semaphore_mem>>)
        %dma_wait3A_154 = arith.constant 0 : i32
        %dma_wait3A_155 = tpu.memref_slice %arg3[%add3A, %add3A_92, %dma_wait3A_154] : memref<32x126x80xi32, #tpu.memory_space<hbm>> -> memref<1x1x80xi32, #tpu.memory_space<hbm>>
        %dma_wait3A_156 = tpu.memref_squeeze %dma_wait3A_155 : memref<1x1x80xi32, #tpu.memory_space<hbm>> -> memref<80xi32, #tpu.memory_space<hbm>>
        %dma_wait3A_157 = arith.constant 0 : i32
        %dma_wait3A_158 = tpu.memref_slice %arg3[%add3A, %add3A_92, %dma_wait3A_157] : memref<32x126x80xi32, #tpu.memory_space<hbm>> -> memref<1x1x80xi32, #tpu.memory_space<hbm>>
        %dma_wait3A_159 = tpu.memref_squeeze %dma_wait3A_158 : memref<1x1x80xi32, #tpu.memory_space<hbm>> -> memref<80xi32, #tpu.memory_space<hbm>>
        tpu.wait_dma2 semaphore(%run_scoped3A : memref<!tpu.dma_semaphore, #tpu.memory_space<semaphore_mem>>) src(%dma_wait3A_159 : memref<80xi32, #tpu.memory_space<hbm>>) dst(%arg9 : memref<80xi32, #tpu.memory_space<vmem>>)
        tpu.yield
      }) : () -> ()
      %add3A_93 = arith.constant 1 : i32
      %add3A_94 = arith.addi %mul3A_68, %add3A_93 : i32
      "tpu.region"() ({
        %run_scoped3A = tpu.sem_alloc : memref<!tpu.dma_semaphore, #tpu.memory_space<semaphore_mem>>
        %dma_start3A_148 = arith.constant 0 : i32
        %dma_start3A_149 = tpu.memref_slice %arg4[%add3A, %add3A_94, %dma_start3A_148] : memref<32x126x80xi32, #tpu.memory_space<hbm>> -> memref<1x1x80xi32, #tpu.memory_space<hbm>>
        %dma_start3A_150 = tpu.memref_squeeze %dma_start3A_149 : memref<1x1x80xi32, #tpu.memory_space<hbm>> -> memref<80xi32, #tpu.memory_space<hbm>>
        %dma_start3A_151 = arith.constant 0 : i32
        %dma_start3A_152 = tpu.memref_slice %arg4[%add3A, %add3A_94, %dma_start3A_151] : memref<32x126x80xi32, #tpu.memory_space<hbm>> -> memref<1x1x80xi32, #tpu.memory_space<hbm>>
        %dma_start3A_153 = tpu.memref_squeeze %dma_start3A_152 : memref<1x1x80xi32, #tpu.memory_space<hbm>> -> memref<80xi32, #tpu.memory_space<hbm>>
        tpu.enqueue_dma source(%dma_start3A_153 : memref<80xi32, #tpu.memory_space<hbm>>) target(%arg12 : memref<80xi32, #tpu.memory_space<vmem>>) target_semaphore(%run_scoped3A : memref<!tpu.dma_semaphore, #tpu.memory_space<semaphore_mem>>)
        %dma_wait3A_154 = arith.constant 0 : i32
        %dma_wait3A_155 = tpu.memref_slice %arg4[%add3A, %add3A_94, %dma_wait3A_154] : memref<32x126x80xi32, #tpu.memory_space<hbm>> -> memref<1x1x80xi32, #tpu.memory_space<hbm>>
        %dma_wait3A_156 = tpu.memref_squeeze %dma_wait3A_155 : memref<1x1x80xi32, #tpu.memory_space<hbm>> -> memref<80xi32, #tpu.memory_space<hbm>>
        %dma_wait3A_157 = arith.constant 0 : i32
        %dma_wait3A_158 = tpu.memref_slice %arg4[%add3A, %add3A_94, %dma_wait3A_157] : memref<32x126x80xi32, #tpu.memory_space<hbm>> -> memref<1x1x80xi32, #tpu.memory_space<hbm>>
        %dma_wait3A_159 = tpu.memref_squeeze %dma_wait3A_158 : memref<1x1x80xi32, #tpu.memory_space<hbm>> -> memref<80xi32, #tpu.memory_space<hbm>>
        tpu.wait_dma2 semaphore(%run_scoped3A : memref<!tpu.dma_semaphore, #tpu.memory_space<semaphore_mem>>) src(%dma_wait3A_159 : memref<80xi32, #tpu.memory_space<hbm>>) dst(%arg12 : memref<80xi32, #tpu.memory_space<vmem>>)
        tpu.yield
      }) : () -> ()
      %dma_start3A_95 = arith.constant 0 : i32
      %dma_start3A_96 = arith.constant 0 : i32
      %dma_start3A_97 = tpu.memref_slice %arg2[%dma_start3A_95, %dma_start3A_96] : memref<10240x128xf32, #tpu.memory_space<hbm>> -> memref<10240x128xf32, #tpu.memory_space<hbm>>
      tpu.enqueue_indirect_dma source(%dma_start3A_97 : memref<10240x128xf32, #tpu.memory_space<hbm>>) target(%arg15 : memref<80x128xf32, #tpu.memory_space<vmem>>) offsets(%arg9 : memref<80xi32, #tpu.memory_space<vmem>>) semaphore(%arg19 : memref<!tpu.dma_semaphore, #tpu.memory_space<semaphore_mem>>)
      %get3A_98 = arith.constant 0 : index
      %get3A_99 = tpu.vector_load %arg12[%get3A_98] {strides = array<i32>} : memref<80xi32, #tpu.memory_space<vmem>>, vector<16xi32>,
      tpu.vector_store_idx %arg17[%get3A_99], %broadcast_in_dim3A_46 {add = true} : memref<10240xf32, #tpu.memory_space<vmem>>[vector<16xi32>], vector<16xf32>,
      %get3A_100 = arith.constant 16 : index
      %get3A_101 = tpu.vector_load %arg12[%get3A_100] {strides = array<i32>} : memref<80xi32, #tpu.memory_space<vmem>>, vector<16xi32>,
      tpu.vector_store_idx %arg17[%get3A_101], %broadcast_in_dim3A_46 {add = true} : memref<10240xf32, #tpu.memory_space<vmem>>[vector<16xi32>], vector<16xf32>,
      %get3A_102 = arith.constant 32 : index
      %get3A_103 = tpu.vector_load %arg12[%get3A_102] {strides = array<i32>} : memref<80xi32, #tpu.memory_space<vmem>>, vector<16xi32>,
      tpu.vector_store_idx %arg17[%get3A_103], %broadcast_in_dim3A_46 {add = true} : memref<10240xf32, #tpu.memory_space<vmem>>[vector<16xi32>], vector<16xf32>,
      %get3A_104 = arith.constant 48 : index
      %get3A_105 = tpu.vector_load %arg12[%get3A_104] {strides = array<i32>} : memref<80xi32, #tpu.memory_space<vmem>>, vector<16xi32>,
      tpu.vector_store_idx %arg17[%get3A_105], %broadcast_in_dim3A_46 {add = true} : memref<10240xf32, #tpu.memory_space<vmem>>[vector<16xi32>], vector<16xf32>,
      %get3A_106 = arith.constant 64 : index
      %get3A_107 = tpu.vector_load %arg12[%get3A_106] {strides = array<i32>} : memref<80xi32, #tpu.memory_space<vmem>>, vector<16xi32>,
      tpu.vector_store_idx %arg17[%get3A_107], %broadcast_in_dim3A_46 {add = true} : memref<10240xf32, #tpu.memory_space<vmem>>[vector<16xi32>], vector<16xf32>,
      %gt3A_108 = arith.constant 0 : i32
      %gt3A_109 = arith.cmpi sgt, %scan3A_66, %gt3A_108 : i32
      %convert_element_type3A_110 = arith.extui %gt3A_109 : i1 to i32
      %cond3A_111 = arith.constant 0 : i32
      %cond3A_112 = arith.cmpi ne, %convert_element_type3A_110, %cond3A_111 : i32
      scf.if %cond3A_112 {
        %dma_wait3A_148 = arith.constant 0 : i32
        %dma_wait3A_149 = arith.constant 0 : i32
        %dma_wait3A_150 = tpu.memref_slice %arg7[%dma_wait3A_148, %dma_wait3A_149] : memref<10240x128xf32, #tpu.memory_space<vmem_shared>> -> memref<10240x128xf32, #tpu.memory_space<vmem_shared>>
        tpu.wait_indirect_dma semaphore(%arg23 : memref<!tpu.dma_semaphore, #tpu.memory_space<semaphore_mem>>) src(%arg16 : memref<80x128xf32, #tpu.memory_space<vmem>>) dst(%dma_wait3A_150 : memref<10240x128xf32, #tpu.memory_space<vmem_shared>>)
      } else {
      }
      %add3A_113 = arith.constant 2 : i32
      %add3A_114 = arith.addi %mul3A_68, %add3A_113 : i32
      "tpu.region"() ({
        %run_scoped3A = tpu.sem_alloc : memref<!tpu.dma_semaphore, #tpu.memory_space<semaphore_mem>>
        %dma_start3A_148 = arith.constant 0 : i32
        %dma_start3A_149 = tpu.memref_slice %arg3[%add3A, %add3A_114, %dma_start3A_148] : memref<32x126x80xi32, #tpu.memory_space<hbm>> -> memref<1x1x80xi32, #tpu.memory_space<hbm>>
        %dma_start3A_150 = tpu.memref_squeeze %dma_start3A_149 : memref<1x1x80xi32, #tpu.memory_space<hbm>> -> memref<80xi32, #tpu.memory_space<hbm>>
        %dma_start3A_151 = arith.constant 0 : i32
        %dma_start3A_152 = tpu.memref_slice %arg3[%add3A, %add3A_114, %dma_start3A_151] : memref<32x126x80xi32, #tpu.memory_space<hbm>> -> memref<1x1x80xi32, #tpu.memory_space<hbm>>
        %dma_start3A_153 = tpu.memref_squeeze %dma_start3A_152 : memref<1x1x80xi32, #tpu.memory_space<hbm>> -> memref<80xi32, #tpu.memory_space<hbm>>
        tpu.enqueue_dma source(%dma_start3A_153 : memref<80xi32, #tpu.memory_space<hbm>>) target(%arg10 : memref<80xi32, #tpu.memory_space<vmem>>) target_semaphore(%run_scoped3A : memref<!tpu.dma_semaphore, #tpu.memory_space<semaphore_mem>>)
        %dma_wait3A_154 = arith.constant 0 : i32
        %dma_wait3A_155 = tpu.memref_slice %arg3[%add3A, %add3A_114, %dma_wait3A_154] : memref<32x126x80xi32, #tpu.memory_space<hbm>> -> memref<1x1x80xi32, #tpu.memory_space<hbm>>
        %dma_wait3A_156 = tpu.memref_squeeze %dma_wait3A_155 : memref<1x1x80xi32, #tpu.memory_space<hbm>> -> memref<80xi32, #tpu.memory_space<hbm>>
        %dma_wait3A_157 = arith.constant 0 : i32
        %dma_wait3A_158 = tpu.memref_slice %arg3[%add3A, %add3A_114, %dma_wait3A_157] : memref<32x126x80xi32, #tpu.memory_space<hbm>> -> memref<1x1x80xi32, #tpu.memory_space<hbm>>
        %dma_wait3A_159 = tpu.memref_squeeze %dma_wait3A_158 : memref<1x1x80xi32, #tpu.memory_space<hbm>> -> memref<80xi32, #tpu.memory_space<hbm>>
        tpu.wait_dma2 semaphore(%run_scoped3A : memref<!tpu.dma_semaphore, #tpu.memory_space<semaphore_mem>>) src(%dma_wait3A_159 : memref<80xi32, #tpu.memory_space<hbm>>) dst(%arg10 : memref<80xi32, #tpu.memory_space<vmem>>)
        tpu.yield
      }) : () -> ()
      %add3A_115 = arith.constant 2 : i32
      %add3A_116 = arith.addi %mul3A_68, %add3A_115 : i32
      "tpu.region"() ({
        %run_scoped3A = tpu.sem_alloc : memref<!tpu.dma_semaphore, #tpu.memory_space<semaphore_mem>>
        %dma_start3A_148 = arith.constant 0 : i32
        %dma_start3A_149 = tpu.memref_slice %arg4[%add3A, %add3A_116, %dma_start3A_148] : memref<32x126x80xi32, #tpu.memory_space<hbm>> -> memref<1x1x80xi32, #tpu.memory_space<hbm>>
        %dma_start3A_150 = tpu.memref_squeeze %dma_start3A_149 : memref<1x1x80xi32, #tpu.memory_space<hbm>> -> memref<80xi32, #tpu.memory_space<hbm>>
        %dma_start3A_151 = arith.constant 0 : i32
        %dma_start3A_152 = tpu.memref_slice %arg4[%add3A, %add3A_116, %dma_start3A_151] : memref<32x126x80xi32, #tpu.memory_space<hbm>> -> memref<1x1x80xi32, #tpu.memory_space<hbm>>
        %dma_start3A_153 = tpu.memref_squeeze %dma_start3A_152 : memref<1x1x80xi32, #tpu.memory_space<hbm>> -> memref<80xi32, #tpu.memory_space<hbm>>
        tpu.enqueue_dma source(%dma_start3A_153 : memref<80xi32, #tpu.memory_space<hbm>>) target(%arg13 : memref<80xi32, #tpu.memory_space<vmem>>) target_semaphore(%run_scoped3A : memref<!tpu.dma_semaphore, #tpu.memory_space<semaphore_mem>>)
        %dma_wait3A_154 = arith.constant 0 : i32
        %dma_wait3A_155 = tpu.memref_slice %arg4[%add3A, %add3A_116, %dma_wait3A_154] : memref<32x126x80xi32, #tpu.memory_space<hbm>> -> memref<1x1x80xi32, #tpu.memory_space<hbm>>
        %dma_wait3A_156 = tpu.memref_squeeze %dma_wait3A_155 : memref<1x1x80xi32, #tpu.memory_space<hbm>> -> memref<80xi32, #tpu.memory_space<hbm>>
        %dma_wait3A_157 = arith.constant 0 : i32
        %dma_wait3A_158 = tpu.memref_slice %arg4[%add3A, %add3A_116, %dma_wait3A_157] : memref<32x126x80xi32, #tpu.memory_space<hbm>> -> memref<1x1x80xi32, #tpu.memory_space<hbm>>
        %dma_wait3A_159 = tpu.memref_squeeze %dma_wait3A_158 : memref<1x1x80xi32, #tpu.memory_space<hbm>> -> memref<80xi32, #tpu.memory_space<hbm>>
        tpu.wait_dma2 semaphore(%run_scoped3A : memref<!tpu.dma_semaphore, #tpu.memory_space<semaphore_mem>>) src(%dma_wait3A_159 : memref<80xi32, #tpu.memory_space<hbm>>) dst(%arg13 : memref<80xi32, #tpu.memory_space<vmem>>)
        tpu.yield
      }) : () -> ()
      %dma_start3A_117 = arith.constant 0 : i32
      %dma_start3A_118 = arith.constant 0 : i32
      %dma_start3A_119 = tpu.memref_slice %arg2[%dma_start3A_117, %dma_start3A_118] : memref<10240x128xf32, #tpu.memory_space<hbm>> -> memref<10240x128xf32, #tpu.memory_space<hbm>>
      tpu.enqueue_indirect_dma source(%dma_start3A_119 : memref<10240x128xf32, #tpu.memory_space<hbm>>) target(%arg16 : memref<80x128xf32, #tpu.memory_space<vmem>>) offsets(%arg10 : memref<80xi32, #tpu.memory_space<vmem>>) semaphore(%arg20 : memref<!tpu.dma_semaphore, #tpu.memory_space<semaphore_mem>>)
      %get3A_120 = arith.constant 0 : index
      %get3A_121 = tpu.vector_load %arg13[%get3A_120] {strides = array<i32>} : memref<80xi32, #tpu.memory_space<vmem>>, vector<16xi32>,
      tpu.vector_store_idx %arg17[%get3A_121], %broadcast_in_dim3A_46 {add = true} : memref<10240xf32, #tpu.memory_space<vmem>>[vector<16xi32>], vector<16xf32>,
      %get3A_122 = arith.constant 16 : index
      %get3A_123 = tpu.vector_load %arg13[%get3A_122] {strides = array<i32>} : memref<80xi32, #tpu.memory_space<vmem>>, vector<16xi32>,
      tpu.vector_store_idx %arg17[%get3A_123], %broadcast_in_dim3A_46 {add = true} : memref<10240xf32, #tpu.memory_space<vmem>>[vector<16xi32>], vector<16xf32>,
      %get3A_124 = arith.constant 32 : index
      %get3A_125 = tpu.vector_load %arg13[%get3A_124] {strides = array<i32>} : memref<80xi32, #tpu.memory_space<vmem>>, vector<16xi32>,
      tpu.vector_store_idx %arg17[%get3A_125], %broadcast_in_dim3A_46 {add = true} : memref<10240xf32, #tpu.memory_space<vmem>>[vector<16xi32>], vector<16xf32>,
      %get3A_126 = arith.constant 48 : index
      %get3A_127 = tpu.vector_load %arg13[%get3A_126] {strides = array<i32>} : memref<80xi32, #tpu.memory_space<vmem>>, vector<16xi32>,
      tpu.vector_store_idx %arg17[%get3A_127], %broadcast_in_dim3A_46 {add = true} : memref<10240xf32, #tpu.memory_space<vmem>>[vector<16xi32>], vector<16xf32>,
      %get3A_128 = arith.constant 64 : index
      %get3A_129 = tpu.vector_load %arg13[%get3A_128] {strides = array<i32>} : memref<80xi32, #tpu.memory_space<vmem>>, vector<16xi32>,
      tpu.vector_store_idx %arg17[%get3A_129], %broadcast_in_dim3A_46 {add = true} : memref<10240xf32, #tpu.memory_space<vmem>>[vector<16xi32>], vector<16xf32>,
      %dma_wait3A_130 = arith.constant 0 : i32
      %dma_wait3A_131 = arith.constant 0 : i32
      %dma_wait3A_132 = tpu.memref_slice %arg2[%dma_wait3A_130, %dma_wait3A_131] : memref<10240x128xf32, #tpu.memory_space<hbm>> -> memref<10240x128xf32, #tpu.memory_space<hbm>>
      tpu.wait_indirect_dma semaphore(%arg18 : memref<!tpu.dma_semaphore, #tpu.memory_space<semaphore_mem>>) src(%dma_wait3A_132 : memref<10240x128xf32, #tpu.memory_space<hbm>>) dst(%arg14 : memref<80x128xf32, #tpu.memory_space<vmem>>)
      %dma_start3A_133 = arith.constant 0 : i32
      %dma_start3A_134 = arith.constant 0 : i32
      %dma_start3A_135 = tpu.memref_slice %arg7[%dma_start3A_133, %dma_start3A_134] : memref<10240x128xf32, #tpu.memory_space<vmem_shared>> -> memref<10240x128xf32, #tpu.memory_space<vmem_shared>>
      tpu.enqueue_indirect_dma source(%arg14 : memref<80x128xf32, #tpu.memory_space<vmem>>) target(%dma_start3A_135 : memref<10240x128xf32, #tpu.memory_space<vmem_shared>>) offsets(%arg11 : memref<80xi32, #tpu.memory_space<vmem>>) semaphore(%arg21 : memref<!tpu.dma_semaphore, #tpu.memory_space<semaphore_mem>>) {add = true}
      %dma_wait3A_136 = arith.constant 0 : i32
      %dma_wait3A_137 = arith.constant 0 : i32
      %dma_wait3A_138 = tpu.memref_slice %arg2[%dma_wait3A_136, %dma_wait3A_137] : memref<10240x128xf32, #tpu.memory_space<hbm>> -> memref<10240x128xf32, #tpu.memory_space<hbm>>
      tpu.wait_indirect_dma semaphore(%arg19 : memref<!tpu.dma_semaphore, #tpu.memory_space<semaphore_mem>>) src(%dma_wait3A_138 : memref<10240x128xf32, #tpu.memory_space<hbm>>) dst(%arg15 : memref<80x128xf32, #tpu.memory_space<vmem>>)
      %dma_start3A_139 = arith.constant 0 : i32
      %dma_start3A_140 = arith.constant 0 : i32
      %dma_start3A_141 = tpu.memref_slice %arg7[%dma_start3A_139, %dma_start3A_140] : memref<10240x128xf32, #tpu.memory_space<vmem_shared>> -> memref<10240x128xf32, #tpu.memory_space<vmem_shared>>
      tpu.enqueue_indirect_dma source(%arg15 : memref<80x128xf32, #tpu.memory_space<vmem>>) target(%dma_start3A_141 : memref<10240x128xf32, #tpu.memory_space<vmem_shared>>) offsets(%arg12 : memref<80xi32, #tpu.memory_space<vmem>>) semaphore(%arg22 : memref<!tpu.dma_semaphore, #tpu.memory_space<semaphore_mem>>) {add = true}
      %dma_wait3A_142 = arith.constant 0 : i32
      %dma_wait3A_143 = arith.constant 0 : i32
      %dma_wait3A_144 = tpu.memref_slice %arg2[%dma_wait3A_142, %dma_wait3A_143] : memref<10240x128xf32, #tpu.memory_space<hbm>> -> memref<10240x128xf32, #tpu.memory_space<hbm>>
      tpu.wait_indirect_dma semaphore(%arg20 : memref<!tpu.dma_semaphore, #tpu.memory_space<semaphore_mem>>) src(%dma_wait3A_144 : memref<10240x128xf32, #tpu.memory_space<hbm>>) dst(%arg16 : memref<80x128xf32, #tpu.memory_space<vmem>>)
      %dma_start3A_145 = arith.constant 0 : i32
      %dma_start3A_146 = arith.constant 0 : i32
      %dma_start3A_147 = tpu.memref_slice %arg7[%dma_start3A_145, %dma_start3A_146] : memref<10240x128xf32, #tpu.memory_space<vmem_shared>> -> memref<10240x128xf32, #tpu.memory_space<vmem_shared>>
      tpu.enqueue_indirect_dma source(%arg16 : memref<80x128xf32, #tpu.memory_space<vmem>>) target(%dma_start3A_147 : memref<10240x128xf32, #tpu.memory_space<vmem_shared>>) offsets(%arg13 : memref<80xi32, #tpu.memory_space<vmem>>) semaphore(%arg23 : memref<!tpu.dma_semaphore, #tpu.memory_space<semaphore_mem>>) {add = true}
    }
    %scan3A_52 = arith.constant 42 : i32
    %dma_wait3A = arith.constant 0 : i32
    %dma_wait3A_53 = arith.constant 0 : i32
    %dma_wait3A_54 = tpu.memref_slice %arg7[%dma_wait3A, %dma_wait3A_53] : memref<10240x128xf32, #tpu.memory_space<vmem_shared>> -> memref<10240x128xf32, #tpu.memory_space<vmem_shared>>
    tpu.wait_indirect_dma semaphore(%arg21 : memref<!tpu.dma_semaphore, #tpu.memory_space<semaphore_mem>>) src(%arg14 : memref<80x128xf32, #tpu.memory_space<vmem>>) dst(%dma_wait3A_54 : memref<10240x128xf32, #tpu.memory_space<vmem_shared>>)
    %dma_wait3A_55 = arith.constant 0 : i32
    %dma_wait3A_56 = arith.constant 0 : i32
    %dma_wait3A_57 = tpu.memref_slice %arg7[%dma_wait3A_55, %dma_wait3A_56] : memref<10240x128xf32, #tpu.memory_space<vmem_shared>> -> memref<10240x128xf32, #tpu.memory_space<vmem_shared>>
    tpu.wait_indirect_dma semaphore(%arg22 : memref<!tpu.dma_semaphore, #tpu.memory_space<semaphore_mem>>) src(%arg15 : memref<80x128xf32, #tpu.memory_space<vmem>>) dst(%dma_wait3A_57 : memref<10240x128xf32, #tpu.memory_space<vmem_shared>>)
    %dma_wait3A_58 = arith.constant 0 : i32
    %dma_wait3A_59 = arith.constant 0 : i32
    %dma_wait3A_60 = tpu.memref_slice %arg7[%dma_wait3A_58, %dma_wait3A_59] : memref<10240x128xf32, #tpu.memory_space<vmem_shared>> -> memref<10240x128xf32, #tpu.memory_space<vmem_shared>>
    tpu.wait_indirect_dma semaphore(%arg23 : memref<!tpu.dma_semaphore, #tpu.memory_space<semaphore_mem>>) src(%arg16 : memref<80x128xf32, #tpu.memory_space<vmem>>) dst(%dma_wait3A_60 : memref<10240x128xf32, #tpu.memory_space<vmem_shared>>)
    "tpu.region"() ({
      %run_scoped3A = tpu.sem_alloc : memref<!tpu.dma_semaphore, #tpu.memory_space<semaphore_mem>>
      %dma_start3A = arith.constant 0 : i32
      %dma_start3A_66 = tpu.memref_slice %arg6[%add3A, %dma_start3A] : memref<32x10240xf32, #tpu.memory_space<hbm>> -> memref<1x10240xf32, #tpu.memory_space<hbm>>
      %dma_start3A_67 = tpu.memref_squeeze %dma_start3A_66 : memref<1x10240xf32, #tpu.memory_space<hbm>> -> memref<10240xf32, #tpu.memory_space<hbm>>
      %dma_start3A_68 = arith.constant 0 : i32
      %dma_start3A_69 = tpu.memref_slice %arg6[%add3A, %dma_start3A_68] : memref<32x10240xf32, #tpu.memory_space<hbm>> -> memref<1x10240xf32, #tpu.memory_space<hbm>>
      %dma_start3A_70 = tpu.memref_squeeze %dma_start3A_69 : memref<1x10240xf32, #tpu.memory_space<hbm>> -> memref<10240xf32, #tpu.memory_space<hbm>>
      tpu.enqueue_dma source(%arg17 : memref<10240xf32, #tpu.memory_space<vmem>>) target(%dma_start3A_70 : memref<10240xf32, #tpu.memory_space<hbm>>) target_semaphore(%run_scoped3A : memref<!tpu.dma_semaphore, #tpu.memory_space<semaphore_mem>>)
      %dma_wait3A_71 = arith.constant 0 : i32
      %dma_wait3A_72 = tpu.memref_slice %arg6[%add3A, %dma_wait3A_71] : memref<32x10240xf32, #tpu.memory_space<hbm>> -> memref<1x10240xf32, #tpu.memory_space<hbm>>
      %dma_wait3A_73 = tpu.memref_squeeze %dma_wait3A_72 : memref<1x10240xf32, #tpu.memory_space<hbm>> -> memref<10240xf32, #tpu.memory_space<hbm>>
      %dma_wait3A_74 = arith.constant 0 : i32
      %dma_wait3A_75 = tpu.memref_slice %arg6[%add3A, %dma_wait3A_74] : memref<32x10240xf32, #tpu.memory_space<hbm>> -> memref<1x10240xf32, #tpu.memory_space<hbm>>
      %dma_wait3A_76 = tpu.memref_squeeze %dma_wait3A_75 : memref<1x10240xf32, #tpu.memory_space<hbm>> -> memref<10240xf32, #tpu.memory_space<hbm>>
      tpu.wait_dma2 semaphore(%run_scoped3A : memref<!tpu.dma_semaphore, #tpu.memory_space<semaphore_mem>>) src(%arg17 : memref<10240xf32, #tpu.memory_space<vmem>>) dst(%dma_wait3A_76 : memref<10240xf32, #tpu.memory_space<hbm>>)
      tpu.yield
    }) : () -> ()
    %barrier3A_61 = arith.constant 0 : index
    tpu.barrier barrier_id(%barrier3A_61)
    %mul3A_62 = arith.constant 640 : i32
    %mul3A_63 = arith.muli %arg1, %mul3A_62 : i32
    %mul3A_64 = arith.constant 640 : i32
    %mul3A_65 = arith.muli %arg1, %mul3A_64 : i32
    "tpu.region"() ({
      %run_scoped3A = tpu.sem_alloc : memref<!tpu.dma_semaphore, #tpu.memory_space<semaphore_mem>>
      %dma_start3A = arith.constant 0 : i32
      %dma_start3A_66 = tpu.memref_slice %arg5[%arg0, %mul3A_65, %dma_start3A] : memref<2x10240x128xf32, #tpu.memory_space<hbm>> -> memref<1x640x128xf32, #tpu.memory_space<hbm>>
      %dma_start3A_67 = tpu.memref_squeeze %dma_start3A_66 : memref<1x640x128xf32, #tpu.memory_space<hbm>> -> memref<640x128xf32, #tpu.memory_space<hbm>>
      %dma_start3A_68 = arith.constant 0 : i32
      %dma_start3A_69 = tpu.memref_slice %arg7[%mul3A_63, %dma_start3A_68] : memref<10240x128xf32, #tpu.memory_space<vmem_shared>> -> memref<640x128xf32, #tpu.memory_space<vmem_shared>>
      tpu.enqueue_dma source(%dma_start3A_69 : memref<640x128xf32, #tpu.memory_space<vmem_shared>>) target(%dma_start3A_67 : memref<640x128xf32, #tpu.memory_space<hbm>>) target_semaphore(%run_scoped3A : memref<!tpu.dma_semaphore, #tpu.memory_space<semaphore_mem>>)
      %dma_wait3A_70 = arith.constant 0 : i32
      %dma_wait3A_71 = tpu.memref_slice %arg5[%arg0, %mul3A_65, %dma_wait3A_70] : memref<2x10240x128xf32, #tpu.memory_space<hbm>> -> memref<1x640x128xf32, #tpu.memory_space<hbm>>
      %dma_wait3A_72 = tpu.memref_squeeze %dma_wait3A_71 : memref<1x640x128xf32, #tpu.memory_space<hbm>> -> memref<640x128xf32, #tpu.memory_space<hbm>>
      %dma_wait3A_73 = arith.constant 0 : i32
      %dma_wait3A_74 = tpu.memref_slice %arg7[%mul3A_63, %dma_wait3A_73] : memref<10240x128xf32, #tpu.memory_space<vmem_shared>> -> memref<640x128xf32, #tpu.memory_space<vmem_shared>>
      tpu.wait_dma2 semaphore(%run_scoped3A : memref<!tpu.dma_semaphore, #tpu.memory_space<semaphore_mem>>) src(%dma_wait3A_74 : memref<640x128xf32, #tpu.memory_space<vmem_shared>>) dst(%dma_wait3A_72 : memref<640x128xf32, #tpu.memory_space<hbm>>)
      tpu.yield
    }) : () -> ()
    return
  }
}

#map = affine_map<(d0, d1) -> (0)>
module attributes {stable_mosaic.version = 14 : i64} {
  func.func @_pairs_body(%arg0: i32, %arg1: i32, %arg2: memref<10240xf32, #tpu.memory_space<hbm>>, %arg3: memref<10240xf32, #tpu.memory_space<hbm>>, %arg4: memref<4096xi32, #tpu.memory_space<hbm>>, %arg5: memref<4096xi32, #tpu.memory_space<hbm>>, %arg6: memref<4096xf32, #tpu.memory_space<hbm>>, %arg7: memref<10240xf32, #tpu.memory_space<vmem>>, %arg8: memref<10240xf32, #tpu.memory_space<vmem>>, %arg9: memref<128xi32, #tpu.memory_space<vmem>>, %arg10: memref<128xi32, #tpu.memory_space<vmem>>, %arg11: memref<128xf32, #tpu.memory_space<vmem>>) attributes {dimension_semantics = [#tpu.dimension_semantics<core_parallel>, #tpu.dimension_semantics<subcore_parallel>], iteration_bounds = array<i64: 2, 16>, scalar_prefetch = 0 : i64, scratch_operands = 5 : i64, tpu.core_type = #tpu.core_type<sc_vector_subcore>, window_params = [{transform_indices = #map}, {transform_indices = #map}, {transform_indices = #map}, {transform_indices = #map}, {transform_indices = #map}]} {
    %mul3A = arith.constant 2 : i32
    %mul3A_0 = arith.muli %arg1, %mul3A : i32
    %add3A = arith.addi %mul3A_0, %arg0 : i32
    "tpu.region"() ({
      %run_scoped3A = tpu.sem_alloc : memref<!tpu.dma_semaphore, #tpu.memory_space<semaphore_mem>>
      tpu.enqueue_dma source(%arg2 : memref<10240xf32, #tpu.memory_space<hbm>>) target(%arg7 : memref<10240xf32, #tpu.memory_space<vmem>>) target_semaphore(%run_scoped3A : memref<!tpu.dma_semaphore, #tpu.memory_space<semaphore_mem>>)
      tpu.wait_dma2 semaphore(%run_scoped3A : memref<!tpu.dma_semaphore, #tpu.memory_space<semaphore_mem>>) src(%arg2 : memref<10240xf32, #tpu.memory_space<hbm>>) dst(%arg7 : memref<10240xf32, #tpu.memory_space<vmem>>)
      tpu.yield
    }) : () -> ()
    "tpu.region"() ({
      %run_scoped3A = tpu.sem_alloc : memref<!tpu.dma_semaphore, #tpu.memory_space<semaphore_mem>>
      tpu.enqueue_dma source(%arg3 : memref<10240xf32, #tpu.memory_space<hbm>>) target(%arg8 : memref<10240xf32, #tpu.memory_space<vmem>>) target_semaphore(%run_scoped3A : memref<!tpu.dma_semaphore, #tpu.memory_space<semaphore_mem>>)
      tpu.wait_dma2 semaphore(%run_scoped3A : memref<!tpu.dma_semaphore, #tpu.memory_space<semaphore_mem>>) src(%arg3 : memref<10240xf32, #tpu.memory_space<hbm>>) dst(%arg8 : memref<10240xf32, #tpu.memory_space<vmem>>)
      tpu.yield
    }) : () -> ()
    %mul3A_1 = arith.constant 128 : i32
    %mul3A_2 = arith.muli %add3A, %mul3A_1 : i32
    "tpu.region"() ({
      %run_scoped3A = tpu.sem_alloc : memref<!tpu.dma_semaphore, #tpu.memory_space<semaphore_mem>>
      %dma_start3A = tpu.memref_slice %arg4[%mul3A_2] : memref<4096xi32, #tpu.memory_space<hbm>> -> memref<128xi32, #tpu.memory_space<hbm>>
      %dma_start3A_153 = tpu.memref_slice %arg4[%mul3A_2] : memref<4096xi32, #tpu.memory_space<hbm>> -> memref<128xi32, #tpu.memory_space<hbm>>
      tpu.enqueue_dma source(%dma_start3A_153 : memref<128xi32, #tpu.memory_space<hbm>>) target(%arg9 : memref<128xi32, #tpu.memory_space<vmem>>) target_semaphore(%run_scoped3A : memref<!tpu.dma_semaphore, #tpu.memory_space<semaphore_mem>>)
      %dma_wait3A = tpu.memref_slice %arg4[%mul3A_2] : memref<4096xi32, #tpu.memory_space<hbm>> -> memref<128xi32, #tpu.memory_space<hbm>>
      %dma_wait3A_154 = tpu.memref_slice %arg4[%mul3A_2] : memref<4096xi32, #tpu.memory_space<hbm>> -> memref<128xi32, #tpu.memory_space<hbm>>
      tpu.wait_dma2 semaphore(%run_scoped3A : memref<!tpu.dma_semaphore, #tpu.memory_space<semaphore_mem>>) src(%dma_wait3A_154 : memref<128xi32, #tpu.memory_space<hbm>>) dst(%arg9 : memref<128xi32, #tpu.memory_space<vmem>>)
      tpu.yield
    }) : () -> ()
    %mul3A_3 = arith.constant 128 : i32
    %mul3A_4 = arith.muli %add3A, %mul3A_3 : i32
    "tpu.region"() ({
      %run_scoped3A = tpu.sem_alloc : memref<!tpu.dma_semaphore, #tpu.memory_space<semaphore_mem>>
      %dma_start3A = tpu.memref_slice %arg5[%mul3A_4] : memref<4096xi32, #tpu.memory_space<hbm>> -> memref<128xi32, #tpu.memory_space<hbm>>
      %dma_start3A_153 = tpu.memref_slice %arg5[%mul3A_4] : memref<4096xi32, #tpu.memory_space<hbm>> -> memref<128xi32, #tpu.memory_space<hbm>>
      tpu.enqueue_dma source(%dma_start3A_153 : memref<128xi32, #tpu.memory_space<hbm>>) target(%arg10 : memref<128xi32, #tpu.memory_space<vmem>>) target_semaphore(%run_scoped3A : memref<!tpu.dma_semaphore, #tpu.memory_space<semaphore_mem>>)
      %dma_wait3A = tpu.memref_slice %arg5[%mul3A_4] : memref<4096xi32, #tpu.memory_space<hbm>> -> memref<128xi32, #tpu.memory_space<hbm>>
      %dma_wait3A_154 = tpu.memref_slice %arg5[%mul3A_4] : memref<4096xi32, #tpu.memory_space<hbm>> -> memref<128xi32, #tpu.memory_space<hbm>>
      tpu.wait_dma2 semaphore(%run_scoped3A : memref<!tpu.dma_semaphore, #tpu.memory_space<semaphore_mem>>) src(%dma_wait3A_154 : memref<128xi32, #tpu.memory_space<hbm>>) dst(%arg10 : memref<128xi32, #tpu.memory_space<vmem>>)
      tpu.yield
    }) : () -> ()
    %get3A = arith.constant 0 : index
    %get3A_5 = tpu.vector_load %arg9[%get3A] {strides = array<i32>} : memref<128xi32, #tpu.memory_space<vmem>>, vector<16xi32>,
    %get3A_6 = arith.constant 0 : index
    %get3A_7 = tpu.vector_load %arg10[%get3A_6] {strides = array<i32>} : memref<128xi32, #tpu.memory_space<vmem>>, vector<16xi32>,
    %gather3A = tpu.vector_load_idx %arg7[%get3A_5] : memref<10240xf32, #tpu.memory_space<vmem>>[vector<16xi32>], vector<16xf32>,
    %gather3A_8 = tpu.vector_load_idx %arg8[%get3A_7] : memref<10240xf32, #tpu.memory_space<vmem>>[vector<16xi32>], vector<16xf32>,
    %add3A_9 = arith.addf %gather3A, %gather3A_8 : vector<16xf32>
    %neg3A = arith.constant 0.000000e+00 : f32
    %neg3A_10 = vector.broadcast %neg3A : f32 to vector<16xf32>
    %neg3A_11 = arith.subf %neg3A_10, %add3A_9 : vector<16xf32>
    %exp3A = math.exp %neg3A_11 : vector<16xf32>
    %add3A_12 = arith.constant 1.000000e+00 : f32
    %add3A_13 = vector.broadcast %add3A_12 : f32 to vector<16xf32>
    %add3A_14 = arith.addf %add3A_13, %exp3A : vector<16xf32>
    %div3A = arith.constant 1.000000e+00 : f32
    %div3A_15 = vector.broadcast %div3A : f32 to vector<16xf32>
    %div3A_16 = arith.divf %div3A_15, %add3A_14 : vector<16xf32>
    %swap3A = arith.constant 0 : index
    %swap3A_17 = tpu.vector_load %arg11[%swap3A] {strides = array<i32>} : memref<128xf32, #tpu.memory_space<vmem>>, vector<16xf32>,
    tpu.vector_store %arg11[%swap3A], %div3A_16 {strides = array<i32>} : memref<128xf32, #tpu.memory_space<vmem>>, vector<16xf32>,
    %get3A_18 = arith.constant 16 : index
    %get3A_19 = tpu.vector_load %arg9[%get3A_18] {strides = array<i32>} : memref<128xi32, #tpu.memory_space<vmem>>, vector<16xi32>,
    %get3A_20 = arith.constant 16 : index
    %get3A_21 = tpu.vector_load %arg10[%get3A_20] {strides = array<i32>} : memref<128xi32, #tpu.memory_space<vmem>>, vector<16xi32>,
    %gather3A_22 = tpu.vector_load_idx %arg7[%get3A_19] : memref<10240xf32, #tpu.memory_space<vmem>>[vector<16xi32>], vector<16xf32>,
    %gather3A_23 = tpu.vector_load_idx %arg8[%get3A_21] : memref<10240xf32, #tpu.memory_space<vmem>>[vector<16xi32>], vector<16xf32>,
    %add3A_24 = arith.addf %gather3A_22, %gather3A_23 : vector<16xf32>
    %neg3A_25 = arith.constant 0.000000e+00 : f32
    %neg3A_26 = vector.broadcast %neg3A_25 : f32 to vector<16xf32>
    %neg3A_27 = arith.subf %neg3A_26, %add3A_24 : vector<16xf32>
    %exp3A_28 = math.exp %neg3A_27 : vector<16xf32>
    %add3A_29 = arith.constant 1.000000e+00 : f32
    %add3A_30 = vector.broadcast %add3A_29 : f32 to vector<16xf32>
    %add3A_31 = arith.addf %add3A_30, %exp3A_28 : vector<16xf32>
    %div3A_32 = arith.constant 1.000000e+00 : f32
    %div3A_33 = vector.broadcast %div3A_32 : f32 to vector<16xf32>
    %div3A_34 = arith.divf %div3A_33, %add3A_31 : vector<16xf32>
    %swap3A_35 = arith.constant 16 : index
    %swap3A_36 = tpu.vector_load %arg11[%swap3A_35] {strides = array<i32>} : memref<128xf32, #tpu.memory_space<vmem>>, vector<16xf32>,
    tpu.vector_store %arg11[%swap3A_35], %div3A_34 {strides = array<i32>} : memref<128xf32, #tpu.memory_space<vmem>>, vector<16xf32>,
    %get3A_37 = arith.constant 32 : index
    %get3A_38 = tpu.vector_load %arg9[%get3A_37] {strides = array<i32>} : memref<128xi32, #tpu.memory_space<vmem>>, vector<16xi32>,
    %get3A_39 = arith.constant 32 : index
    %get3A_40 = tpu.vector_load %arg10[%get3A_39] {strides = array<i32>} : memref<128xi32, #tpu.memory_space<vmem>>, vector<16xi32>,
    %gather3A_41 = tpu.vector_load_idx %arg7[%get3A_38] : memref<10240xf32, #tpu.memory_space<vmem>>[vector<16xi32>], vector<16xf32>,
    %gather3A_42 = tpu.vector_load_idx %arg8[%get3A_40] : memref<10240xf32, #tpu.memory_space<vmem>>[vector<16xi32>], vector<16xf32>,
    %add3A_43 = arith.addf %gather3A_41, %gather3A_42 : vector<16xf32>
    %neg3A_44 = arith.constant 0.000000e+00 : f32
    %neg3A_45 = vector.broadcast %neg3A_44 : f32 to vector<16xf32>
    %neg3A_46 = arith.subf %neg3A_45, %add3A_43 : vector<16xf32>
    %exp3A_47 = math.exp %neg3A_46 : vector<16xf32>
    %add3A_48 = arith.constant 1.000000e+00 : f32
    %add3A_49 = vector.broadcast %add3A_48 : f32 to vector<16xf32>
    %add3A_50 = arith.addf %add3A_49, %exp3A_47 : vector<16xf32>
    %div3A_51 = arith.constant 1.000000e+00 : f32
    %div3A_52 = vector.broadcast %div3A_51 : f32 to vector<16xf32>
    %div3A_53 = arith.divf %div3A_52, %add3A_50 : vector<16xf32>
    %swap3A_54 = arith.constant 32 : index
    %swap3A_55 = tpu.vector_load %arg11[%swap3A_54] {strides = array<i32>} : memref<128xf32, #tpu.memory_space<vmem>>, vector<16xf32>,
    tpu.vector_store %arg11[%swap3A_54], %div3A_53 {strides = array<i32>} : memref<128xf32, #tpu.memory_space<vmem>>, vector<16xf32>,
    %get3A_56 = arith.constant 48 : index
    %get3A_57 = tpu.vector_load %arg9[%get3A_56] {strides = array<i32>} : memref<128xi32, #tpu.memory_space<vmem>>, vector<16xi32>,
    %get3A_58 = arith.constant 48 : index
    %get3A_59 = tpu.vector_load %arg10[%get3A_58] {strides = array<i32>} : memref<128xi32, #tpu.memory_space<vmem>>, vector<16xi32>,
    %gather3A_60 = tpu.vector_load_idx %arg7[%get3A_57] : memref<10240xf32, #tpu.memory_space<vmem>>[vector<16xi32>], vector<16xf32>,
    %gather3A_61 = tpu.vector_load_idx %arg8[%get3A_59] : memref<10240xf32, #tpu.memory_space<vmem>>[vector<16xi32>], vector<16xf32>,
    %add3A_62 = arith.addf %gather3A_60, %gather3A_61 : vector<16xf32>
    %neg3A_63 = arith.constant 0.000000e+00 : f32
    %neg3A_64 = vector.broadcast %neg3A_63 : f32 to vector<16xf32>
    %neg3A_65 = arith.subf %neg3A_64, %add3A_62 : vector<16xf32>
    %exp3A_66 = math.exp %neg3A_65 : vector<16xf32>
    %add3A_67 = arith.constant 1.000000e+00 : f32
    %add3A_68 = vector.broadcast %add3A_67 : f32 to vector<16xf32>
    %add3A_69 = arith.addf %add3A_68, %exp3A_66 : vector<16xf32>
    %div3A_70 = arith.constant 1.000000e+00 : f32
    %div3A_71 = vector.broadcast %div3A_70 : f32 to vector<16xf32>
    %div3A_72 = arith.divf %div3A_71, %add3A_69 : vector<16xf32>
    %swap3A_73 = arith.constant 48 : index
    %swap3A_74 = tpu.vector_load %arg11[%swap3A_73] {strides = array<i32>} : memref<128xf32, #tpu.memory_space<vmem>>, vector<16xf32>,
    tpu.vector_store %arg11[%swap3A_73], %div3A_72 {strides = array<i32>} : memref<128xf32, #tpu.memory_space<vmem>>, vector<16xf32>,
    %get3A_75 = arith.constant 64 : index
    %get3A_76 = tpu.vector_load %arg9[%get3A_75] {strides = array<i32>} : memref<128xi32, #tpu.memory_space<vmem>>, vector<16xi32>,
    %get3A_77 = arith.constant 64 : index
    %get3A_78 = tpu.vector_load %arg10[%get3A_77] {strides = array<i32>} : memref<128xi32, #tpu.memory_space<vmem>>, vector<16xi32>,
    %gather3A_79 = tpu.vector_load_idx %arg7[%get3A_76] : memref<10240xf32, #tpu.memory_space<vmem>>[vector<16xi32>], vector<16xf32>,
    %gather3A_80 = tpu.vector_load_idx %arg8[%get3A_78] : memref<10240xf32, #tpu.memory_space<vmem>>[vector<16xi32>], vector<16xf32>,
    %add3A_81 = arith.addf %gather3A_79, %gather3A_80 : vector<16xf32>
    %neg3A_82 = arith.constant 0.000000e+00 : f32
    %neg3A_83 = vector.broadcast %neg3A_82 : f32 to vector<16xf32>
    %neg3A_84 = arith.subf %neg3A_83, %add3A_81 : vector<16xf32>
    %exp3A_85 = math.exp %neg3A_84 : vector<16xf32>
    %add3A_86 = arith.constant 1.000000e+00 : f32
    %add3A_87 = vector.broadcast %add3A_86 : f32 to vector<16xf32>
    %add3A_88 = arith.addf %add3A_87, %exp3A_85 : vector<16xf32>
    %div3A_89 = arith.constant 1.000000e+00 : f32
    %div3A_90 = vector.broadcast %div3A_89 : f32 to vector<16xf32>
    %div3A_91 = arith.divf %div3A_90, %add3A_88 : vector<16xf32>
    %swap3A_92 = arith.constant 64 : index
    %swap3A_93 = tpu.vector_load %arg11[%swap3A_92] {strides = array<i32>} : memref<128xf32, #tpu.memory_space<vmem>>, vector<16xf32>,
    tpu.vector_store %arg11[%swap3A_92], %div3A_91 {strides = array<i32>} : memref<128xf32, #tpu.memory_space<vmem>>, vector<16xf32>,
    %get3A_94 = arith.constant 80 : index
    %get3A_95 = tpu.vector_load %arg9[%get3A_94] {strides = array<i32>} : memref<128xi32, #tpu.memory_space<vmem>>, vector<16xi32>,
    %get3A_96 = arith.constant 80 : index
    %get3A_97 = tpu.vector_load %arg10[%get3A_96] {strides = array<i32>} : memref<128xi32, #tpu.memory_space<vmem>>, vector<16xi32>,
    %gather3A_98 = tpu.vector_load_idx %arg7[%get3A_95] : memref<10240xf32, #tpu.memory_space<vmem>>[vector<16xi32>], vector<16xf32>,
    %gather3A_99 = tpu.vector_load_idx %arg8[%get3A_97] : memref<10240xf32, #tpu.memory_space<vmem>>[vector<16xi32>], vector<16xf32>,
    %add3A_100 = arith.addf %gather3A_98, %gather3A_99 : vector<16xf32>
    %neg3A_101 = arith.constant 0.000000e+00 : f32
    %neg3A_102 = vector.broadcast %neg3A_101 : f32 to vector<16xf32>
    %neg3A_103 = arith.subf %neg3A_102, %add3A_100 : vector<16xf32>
    %exp3A_104 = math.exp %neg3A_103 : vector<16xf32>
    %add3A_105 = arith.constant 1.000000e+00 : f32
    %add3A_106 = vector.broadcast %add3A_105 : f32 to vector<16xf32>
    %add3A_107 = arith.addf %add3A_106, %exp3A_104 : vector<16xf32>
    %div3A_108 = arith.constant 1.000000e+00 : f32
    %div3A_109 = vector.broadcast %div3A_108 : f32 to vector<16xf32>
    %div3A_110 = arith.divf %div3A_109, %add3A_107 : vector<16xf32>
    %swap3A_111 = arith.constant 80 : index
    %swap3A_112 = tpu.vector_load %arg11[%swap3A_111] {strides = array<i32>} : memref<128xf32, #tpu.memory_space<vmem>>, vector<16xf32>,
    tpu.vector_store %arg11[%swap3A_111], %div3A_110 {strides = array<i32>} : memref<128xf32, #tpu.memory_space<vmem>>, vector<16xf32>,
    %get3A_113 = arith.constant 96 : index
    %get3A_114 = tpu.vector_load %arg9[%get3A_113] {strides = array<i32>} : memref<128xi32, #tpu.memory_space<vmem>>, vector<16xi32>,
    %get3A_115 = arith.constant 96 : index
    %get3A_116 = tpu.vector_load %arg10[%get3A_115] {strides = array<i32>} : memref<128xi32, #tpu.memory_space<vmem>>, vector<16xi32>,
    %gather3A_117 = tpu.vector_load_idx %arg7[%get3A_114] : memref<10240xf32, #tpu.memory_space<vmem>>[vector<16xi32>], vector<16xf32>,
    %gather3A_118 = tpu.vector_load_idx %arg8[%get3A_116] : memref<10240xf32, #tpu.memory_space<vmem>>[vector<16xi32>], vector<16xf32>,
    %add3A_119 = arith.addf %gather3A_117, %gather3A_118 : vector<16xf32>
    %neg3A_120 = arith.constant 0.000000e+00 : f32
    %neg3A_121 = vector.broadcast %neg3A_120 : f32 to vector<16xf32>
    %neg3A_122 = arith.subf %neg3A_121, %add3A_119 : vector<16xf32>
    %exp3A_123 = math.exp %neg3A_122 : vector<16xf32>
    %add3A_124 = arith.constant 1.000000e+00 : f32
    %add3A_125 = vector.broadcast %add3A_124 : f32 to vector<16xf32>
    %add3A_126 = arith.addf %add3A_125, %exp3A_123 : vector<16xf32>
    %div3A_127 = arith.constant 1.000000e+00 : f32
    %div3A_128 = vector.broadcast %div3A_127 : f32 to vector<16xf32>
    %div3A_129 = arith.divf %div3A_128, %add3A_126 : vector<16xf32>
    %swap3A_130 = arith.constant 96 : index
    %swap3A_131 = tpu.vector_load %arg11[%swap3A_130] {strides = array<i32>} : memref<128xf32, #tpu.memory_space<vmem>>, vector<16xf32>,
    tpu.vector_store %arg11[%swap3A_130], %div3A_129 {strides = array<i32>} : memref<128xf32, #tpu.memory_space<vmem>>, vector<16xf32>,
    %get3A_132 = arith.constant 112 : index
    %get3A_133 = tpu.vector_load %arg9[%get3A_132] {strides = array<i32>} : memref<128xi32, #tpu.memory_space<vmem>>, vector<16xi32>,
    %get3A_134 = arith.constant 112 : index
    %get3A_135 = tpu.vector_load %arg10[%get3A_134] {strides = array<i32>} : memref<128xi32, #tpu.memory_space<vmem>>, vector<16xi32>,
    %gather3A_136 = tpu.vector_load_idx %arg7[%get3A_133] : memref<10240xf32, #tpu.memory_space<vmem>>[vector<16xi32>], vector<16xf32>,
    %gather3A_137 = tpu.vector_load_idx %arg8[%get3A_135] : memref<10240xf32, #tpu.memory_space<vmem>>[vector<16xi32>], vector<16xf32>,
    %add3A_138 = arith.addf %gather3A_136, %gather3A_137 : vector<16xf32>
    %neg3A_139 = arith.constant 0.000000e+00 : f32
    %neg3A_140 = vector.broadcast %neg3A_139 : f32 to vector<16xf32>
    %neg3A_141 = arith.subf %neg3A_140, %add3A_138 : vector<16xf32>
    %exp3A_142 = math.exp %neg3A_141 : vector<16xf32>
    %add3A_143 = arith.constant 1.000000e+00 : f32
    %add3A_144 = vector.broadcast %add3A_143 : f32 to vector<16xf32>
    %add3A_145 = arith.addf %add3A_144, %exp3A_142 : vector<16xf32>
    %div3A_146 = arith.constant 1.000000e+00 : f32
    %div3A_147 = vector.broadcast %div3A_146 : f32 to vector<16xf32>
    %div3A_148 = arith.divf %div3A_147, %add3A_145 : vector<16xf32>
    %swap3A_149 = arith.constant 112 : index
    %swap3A_150 = tpu.vector_load %arg11[%swap3A_149] {strides = array<i32>} : memref<128xf32, #tpu.memory_space<vmem>>, vector<16xf32>,
    tpu.vector_store %arg11[%swap3A_149], %div3A_148 {strides = array<i32>} : memref<128xf32, #tpu.memory_space<vmem>>, vector<16xf32>,
    %mul3A_151 = arith.constant 128 : i32
    %mul3A_152 = arith.muli %add3A, %mul3A_151 : i32
    "tpu.region"() ({
      %run_scoped3A = tpu.sem_alloc : memref<!tpu.dma_semaphore, #tpu.memory_space<semaphore_mem>>
      %dma_start3A = tpu.memref_slice %arg6[%mul3A_152] : memref<4096xf32, #tpu.memory_space<hbm>> -> memref<128xf32, #tpu.memory_space<hbm>>
      %dma_start3A_153 = tpu.memref_slice %arg6[%mul3A_152] : memref<4096xf32, #tpu.memory_space<hbm>> -> memref<128xf32, #tpu.memory_space<hbm>>
      tpu.enqueue_dma source(%arg11 : memref<128xf32, #tpu.memory_space<vmem>>) target(%dma_start3A_153 : memref<128xf32, #tpu.memory_space<hbm>>) target_semaphore(%run_scoped3A : memref<!tpu.dma_semaphore, #tpu.memory_space<semaphore_mem>>)
      %dma_wait3A = tpu.memref_slice %arg6[%mul3A_152] : memref<4096xf32, #tpu.memory_space<hbm>> -> memref<128xf32, #tpu.memory_space<hbm>>
      %dma_wait3A_154 = tpu.memref_slice %arg6[%mul3A_152] : memref<4096xf32, #tpu.memory_space<hbm>> -> memref<128xf32, #tpu.memory_space<hbm>>
      tpu.wait_dma2 semaphore(%run_scoped3A : memref<!tpu.dma_semaphore, #tpu.memory_space<semaphore_mem>>) src(%arg11 : memref<128xf32, #tpu.memory_space<vmem>>) dst(%dma_wait3A_154 : memref<128xf32, #tpu.memory_space<hbm>>)
      tpu.yield
    }) : () -> ()
    return
  }
}

#map = affine_map<(d0, d1) -> (0, 0)>
#map1 = affine_map<(d0, d1) -> (0, 0, 0)>
module attributes {stable_mosaic.version = 14 : i64} {
  func.func @body(%arg0: i32, %arg1: i32, %arg2: memref<10240x128xf32, #tpu.memory_space<hbm>>, %arg3: memref<32x126x80xi32, #tpu.memory_space<hbm>>, %arg4: memref<32x126x80xi32, #tpu.memory_space<hbm>>, %arg5: memref<2x10240x128xf32, #tpu.memory_space<hbm>>, %arg6: memref<10240x128xf32, #tpu.memory_space<vmem_shared>>, %arg7: memref<80xi32, #tpu.memory_space<vmem>>, %arg8: memref<80xi32, #tpu.memory_space<vmem>>, %arg9: memref<80xi32, #tpu.memory_space<vmem>>, %arg10: memref<80xi32, #tpu.memory_space<vmem>>, %arg11: memref<80xi32, #tpu.memory_space<vmem>>, %arg12: memref<80xi32, #tpu.memory_space<vmem>>, %arg13: memref<80x128xf32, #tpu.memory_space<vmem>>, %arg14: memref<80x128xf32, #tpu.memory_space<vmem>>, %arg15: memref<80x128xf32, #tpu.memory_space<vmem>>, %arg16: memref<!tpu.dma_semaphore, #tpu.memory_space<semaphore_mem>>, %arg17: memref<!tpu.dma_semaphore, #tpu.memory_space<semaphore_mem>>, %arg18: memref<!tpu.dma_semaphore, #tpu.memory_space<semaphore_mem>>, %arg19: memref<!tpu.dma_semaphore, #tpu.memory_space<semaphore_mem>>, %arg20: memref<!tpu.dma_semaphore, #tpu.memory_space<semaphore_mem>>, %arg21: memref<!tpu.dma_semaphore, #tpu.memory_space<semaphore_mem>>) attributes {dimension_semantics = [#tpu.dimension_semantics<core_parallel>, #tpu.dimension_semantics<subcore_parallel>], iteration_bounds = array<i64: 2, 16>, scalar_prefetch = 0 : i64, scratch_operands = 16 : i64, tpu.core_type = #tpu.core_type<sc_vector_subcore>, window_params = [{transform_indices = #map}, {transform_indices = #map1}, {transform_indices = #map1}, {transform_indices = #map1}]} {
    %mul3A = arith.constant 2 : i32
    %mul3A_0 = arith.muli %arg1, %mul3A : i32
    %add3A = arith.addi %mul3A_0, %arg0 : i32
    %broadcast_in_dim3A = arith.constant 0.000000e+00 : f32
    %broadcast_in_dim3A_1 = vector.broadcast %broadcast_in_dim3A : f32 to vector<16xf32>
    %scan3A = arith.constant 0 : i32
    %scan3A_2 = arith.constant 0 : i32
    %scan3A_3 = arith.constant 80 : i32
    %scan3A_4 = arith.addi %scan3A_2, %scan3A_3 : i32
    %scan3A_5 = arith.constant 1 : i32
    scf.for %scan3A_60 = %scan3A_2 to %scan3A_4 step %scan3A_5  : i32 {
      %swap3A = arith.index_cast %scan3A_60 : i32 to index
      %swap3A_61 = arith.constant 0 : index
      %swap3A_62 = tpu.vector_load %arg13[%swap3A, %swap3A_61] {strides = array<i32>} : memref<80x128xf32, #tpu.memory_space<vmem>>, vector<16xf32>,
      tpu.vector_store %arg13[%swap3A, %swap3A_61], %broadcast_in_dim3A_1 {strides = array<i32>} : memref<80x128xf32, #tpu.memory_space<vmem>>, vector<16xf32>,
      %swap3A_63 = arith.index_cast %scan3A_60 : i32 to index
      %swap3A_64 = arith.constant 16 : index
      %swap3A_65 = tpu.vector_load %arg13[%swap3A_63, %swap3A_64] {strides = array<i32>} : memref<80x128xf32, #tpu.memory_space<vmem>>, vector<16xf32>,
      tpu.vector_store %arg13[%swap3A_63, %swap3A_64], %broadcast_in_dim3A_1 {strides = array<i32>} : memref<80x128xf32, #tpu.memory_space<vmem>>, vector<16xf32>,
      %swap3A_66 = arith.index_cast %scan3A_60 : i32 to index
      %swap3A_67 = arith.constant 32 : index
      %swap3A_68 = tpu.vector_load %arg13[%swap3A_66, %swap3A_67] {strides = array<i32>} : memref<80x128xf32, #tpu.memory_space<vmem>>, vector<16xf32>,
      tpu.vector_store %arg13[%swap3A_66, %swap3A_67], %broadcast_in_dim3A_1 {strides = array<i32>} : memref<80x128xf32, #tpu.memory_space<vmem>>, vector<16xf32>,
      %swap3A_69 = arith.index_cast %scan3A_60 : i32 to index
      %swap3A_70 = arith.constant 48 : index
      %swap3A_71 = tpu.vector_load %arg13[%swap3A_69, %swap3A_70] {strides = array<i32>} : memref<80x128xf32, #tpu.memory_space<vmem>>, vector<16xf32>,
      tpu.vector_store %arg13[%swap3A_69, %swap3A_70], %broadcast_in_dim3A_1 {strides = array<i32>} : memref<80x128xf32, #tpu.memory_space<vmem>>, vector<16xf32>,
      %swap3A_72 = arith.index_cast %scan3A_60 : i32 to index
      %swap3A_73 = arith.constant 64 : index
      %swap3A_74 = tpu.vector_load %arg13[%swap3A_72, %swap3A_73] {strides = array<i32>} : memref<80x128xf32, #tpu.memory_space<vmem>>, vector<16xf32>,
      tpu.vector_store %arg13[%swap3A_72, %swap3A_73], %broadcast_in_dim3A_1 {strides = array<i32>} : memref<80x128xf32, #tpu.memory_space<vmem>>, vector<16xf32>,
      %swap3A_75 = arith.index_cast %scan3A_60 : i32 to index
      %swap3A_76 = arith.constant 80 : index
      %swap3A_77 = tpu.vector_load %arg13[%swap3A_75, %swap3A_76] {strides = array<i32>} : memref<80x128xf32, #tpu.memory_space<vmem>>, vector<16xf32>,
      tpu.vector_store %arg13[%swap3A_75, %swap3A_76], %broadcast_in_dim3A_1 {strides = array<i32>} : memref<80x128xf32, #tpu.memory_space<vmem>>, vector<16xf32>,
      %swap3A_78 = arith.index_cast %scan3A_60 : i32 to index
      %swap3A_79 = arith.constant 96 : index
      %swap3A_80 = tpu.vector_load %arg13[%swap3A_78, %swap3A_79] {strides = array<i32>} : memref<80x128xf32, #tpu.memory_space<vmem>>, vector<16xf32>,
      tpu.vector_store %arg13[%swap3A_78, %swap3A_79], %broadcast_in_dim3A_1 {strides = array<i32>} : memref<80x128xf32, #tpu.memory_space<vmem>>, vector<16xf32>,
      %swap3A_81 = arith.index_cast %scan3A_60 : i32 to index
      %swap3A_82 = arith.constant 112 : index
      %swap3A_83 = tpu.vector_load %arg13[%swap3A_81, %swap3A_82] {strides = array<i32>} : memref<80x128xf32, #tpu.memory_space<vmem>>, vector<16xf32>,
      tpu.vector_store %arg13[%swap3A_81, %swap3A_82], %broadcast_in_dim3A_1 {strides = array<i32>} : memref<80x128xf32, #tpu.memory_space<vmem>>, vector<16xf32>,
    }
    %scan3A_6 = arith.constant 80 : i32
    %mul3A_7 = arith.constant 640 : i32
    %mul3A_8 = arith.muli %arg1, %mul3A_7 : i32
    %add3A_9 = arith.constant 0 : i32
    %add3A_10 = arith.addi %mul3A_8, %add3A_9 : i32
    "tpu.region"() ({
      %run_scoped3A = tpu.sem_alloc : memref<!tpu.dma_semaphore, #tpu.memory_space<semaphore_mem>>
      %dma_start3A = arith.constant 0 : i32
      %dma_start3A_60 = tpu.memref_slice %arg6[%add3A_10, %dma_start3A] : memref<10240x128xf32, #tpu.memory_space<vmem_shared>> -> memref<80x128xf32, #tpu.memory_space<vmem_shared>>
      %dma_start3A_61 = arith.constant 0 : i32
      %dma_start3A_62 = tpu.memref_slice %arg6[%add3A_10, %dma_start3A_61] : memref<10240x128xf32, #tpu.memory_space<vmem_shared>> -> memref<80x128xf32, #tpu.memory_space<vmem_shared>>
      tpu.enqueue_dma source(%arg13 : memref<80x128xf32, #tpu.memory_space<vmem>>) target(%dma_start3A_62 : memref<80x128xf32, #tpu.memory_space<vmem_shared>>) target_semaphore(%run_scoped3A : memref<!tpu.dma_semaphore, #tpu.memory_space<semaphore_mem>>)
      %dma_wait3A_63 = arith.constant 0 : i32
      %dma_wait3A_64 = tpu.memref_slice %arg6[%add3A_10, %dma_wait3A_63] : memref<10240x128xf32, #tpu.memory_space<vmem_shared>> -> memref<80x128xf32, #tpu.memory_space<vmem_shared>>
      %dma_wait3A_65 = arith.constant 0 : i32
      %dma_wait3A_66 = tpu.memref_slice %arg6[%add3A_10, %dma_wait3A_65] : memref<10240x128xf32, #tpu.memory_space<vmem_shared>> -> memref<80x128xf32, #tpu.memory_space<vmem_shared>>
      tpu.wait_dma2 semaphore(%run_scoped3A : memref<!tpu.dma_semaphore, #tpu.memory_space<semaphore_mem>>) src(%arg13 : memref<80x128xf32, #tpu.memory_space<vmem>>) dst(%dma_wait3A_66 : memref<80x128xf32, #tpu.memory_space<vmem_shared>>)
      tpu.yield
    }) : () -> ()
    %mul3A_11 = arith.constant 640 : i32
    %mul3A_12 = arith.muli %arg1, %mul3A_11 : i32
    %add3A_13 = arith.constant 80 : i32
    %add3A_14 = arith.addi %mul3A_12, %add3A_13 : i32
    "tpu.region"() ({
      %run_scoped3A = tpu.sem_alloc : memref<!tpu.dma_semaphore, #tpu.memory_space<semaphore_mem>>
      %dma_start3A = arith.constant 0 : i32
      %dma_start3A_60 = tpu.memref_slice %arg6[%add3A_14, %dma_start3A] : memref<10240x128xf32, #tpu.memory_space<vmem_shared>> -> memref<80x128xf32, #tpu.memory_space<vmem_shared>>
      %dma_start3A_61 = arith.constant 0 : i32
      %dma_start3A_62 = tpu.memref_slice %arg6[%add3A_14, %dma_start3A_61] : memref<10240x128xf32, #tpu.memory_space<vmem_shared>> -> memref<80x128xf32, #tpu.memory_space<vmem_shared>>
      tpu.enqueue_dma source(%arg13 : memref<80x128xf32, #tpu.memory_space<vmem>>) target(%dma_start3A_62 : memref<80x128xf32, #tpu.memory_space<vmem_shared>>) target_semaphore(%run_scoped3A : memref<!tpu.dma_semaphore, #tpu.memory_space<semaphore_mem>>)
      %dma_wait3A_63 = arith.constant 0 : i32
      %dma_wait3A_64 = tpu.memref_slice %arg6[%add3A_14, %dma_wait3A_63] : memref<10240x128xf32, #tpu.memory_space<vmem_shared>> -> memref<80x128xf32, #tpu.memory_space<vmem_shared>>
      %dma_wait3A_65 = arith.constant 0 : i32
      %dma_wait3A_66 = tpu.memref_slice %arg6[%add3A_14, %dma_wait3A_65] : memref<10240x128xf32, #tpu.memory_space<vmem_shared>> -> memref<80x128xf32, #tpu.memory_space<vmem_shared>>
      tpu.wait_dma2 semaphore(%run_scoped3A : memref<!tpu.dma_semaphore, #tpu.memory_space<semaphore_mem>>) src(%arg13 : memref<80x128xf32, #tpu.memory_space<vmem>>) dst(%dma_wait3A_66 : memref<80x128xf32, #tpu.memory_space<vmem_shared>>)
      tpu.yield
    }) : () -> ()
    %mul3A_15 = arith.constant 640 : i32
    %mul3A_16 = arith.muli %arg1, %mul3A_15 : i32
    %add3A_17 = arith.constant 160 : i32
    %add3A_18 = arith.addi %mul3A_16, %add3A_17 : i32
    "tpu.region"() ({
      %run_scoped3A = tpu.sem_alloc : memref<!tpu.dma_semaphore, #tpu.memory_space<semaphore_mem>>
      %dma_start3A = arith.constant 0 : i32
      %dma_start3A_60 = tpu.memref_slice %arg6[%add3A_18, %dma_start3A] : memref<10240x128xf32, #tpu.memory_space<vmem_shared>> -> memref<80x128xf32, #tpu.memory_space<vmem_shared>>
      %dma_start3A_61 = arith.constant 0 : i32
      %dma_start3A_62 = tpu.memref_slice %arg6[%add3A_18, %dma_start3A_61] : memref<10240x128xf32, #tpu.memory_space<vmem_shared>> -> memref<80x128xf32, #tpu.memory_space<vmem_shared>>
      tpu.enqueue_dma source(%arg13 : memref<80x128xf32, #tpu.memory_space<vmem>>) target(%dma_start3A_62 : memref<80x128xf32, #tpu.memory_space<vmem_shared>>) target_semaphore(%run_scoped3A : memref<!tpu.dma_semaphore, #tpu.memory_space<semaphore_mem>>)
      %dma_wait3A_63 = arith.constant 0 : i32
      %dma_wait3A_64 = tpu.memref_slice %arg6[%add3A_18, %dma_wait3A_63] : memref<10240x128xf32, #tpu.memory_space<vmem_shared>> -> memref<80x128xf32, #tpu.memory_space<vmem_shared>>
      %dma_wait3A_65 = arith.constant 0 : i32
      %dma_wait3A_66 = tpu.memref_slice %arg6[%add3A_18, %dma_wait3A_65] : memref<10240x128xf32, #tpu.memory_space<vmem_shared>> -> memref<80x128xf32, #tpu.memory_space<vmem_shared>>
      tpu.wait_dma2 semaphore(%run_scoped3A : memref<!tpu.dma_semaphore, #tpu.memory_space<semaphore_mem>>) src(%arg13 : memref<80x128xf32, #tpu.memory_space<vmem>>) dst(%dma_wait3A_66 : memref<80x128xf32, #tpu.memory_space<vmem_shared>>)
      tpu.yield
    }) : () -> ()
    %mul3A_19 = arith.constant 640 : i32
    %mul3A_20 = arith.muli %arg1, %mul3A_19 : i32
    %add3A_21 = arith.constant 240 : i32
    %add3A_22 = arith.addi %mul3A_20, %add3A_21 : i32
    "tpu.region"() ({
      %run_scoped3A = tpu.sem_alloc : memref<!tpu.dma_semaphore, #tpu.memory_space<semaphore_mem>>
      %dma_start3A = arith.constant 0 : i32
      %dma_start3A_60 = tpu.memref_slice %arg6[%add3A_22, %dma_start3A] : memref<10240x128xf32, #tpu.memory_space<vmem_shared>> -> memref<80x128xf32, #tpu.memory_space<vmem_shared>>
      %dma_start3A_61 = arith.constant 0 : i32
      %dma_start3A_62 = tpu.memref_slice %arg6[%add3A_22, %dma_start3A_61] : memref<10240x128xf32, #tpu.memory_space<vmem_shared>> -> memref<80x128xf32, #tpu.memory_space<vmem_shared>>
      tpu.enqueue_dma source(%arg13 : memref<80x128xf32, #tpu.memory_space<vmem>>) target(%dma_start3A_62 : memref<80x128xf32, #tpu.memory_space<vmem_shared>>) target_semaphore(%run_scoped3A : memref<!tpu.dma_semaphore, #tpu.memory_space<semaphore_mem>>)
      %dma_wait3A_63 = arith.constant 0 : i32
      %dma_wait3A_64 = tpu.memref_slice %arg6[%add3A_22, %dma_wait3A_63] : memref<10240x128xf32, #tpu.memory_space<vmem_shared>> -> memref<80x128xf32, #tpu.memory_space<vmem_shared>>
      %dma_wait3A_65 = arith.constant 0 : i32
      %dma_wait3A_66 = tpu.memref_slice %arg6[%add3A_22, %dma_wait3A_65] : memref<10240x128xf32, #tpu.memory_space<vmem_shared>> -> memref<80x128xf32, #tpu.memory_space<vmem_shared>>
      tpu.wait_dma2 semaphore(%run_scoped3A : memref<!tpu.dma_semaphore, #tpu.memory_space<semaphore_mem>>) src(%arg13 : memref<80x128xf32, #tpu.memory_space<vmem>>) dst(%dma_wait3A_66 : memref<80x128xf32, #tpu.memory_space<vmem_shared>>)
      tpu.yield
    }) : () -> ()
    %mul3A_23 = arith.constant 640 : i32
    %mul3A_24 = arith.muli %arg1, %mul3A_23 : i32
    %add3A_25 = arith.constant 320 : i32
    %add3A_26 = arith.addi %mul3A_24, %add3A_25 : i32
    "tpu.region"() ({
      %run_scoped3A = tpu.sem_alloc : memref<!tpu.dma_semaphore, #tpu.memory_space<semaphore_mem>>
      %dma_start3A = arith.constant 0 : i32
      %dma_start3A_60 = tpu.memref_slice %arg6[%add3A_26, %dma_start3A] : memref<10240x128xf32, #tpu.memory_space<vmem_shared>> -> memref<80x128xf32, #tpu.memory_space<vmem_shared>>
      %dma_start3A_61 = arith.constant 0 : i32
      %dma_start3A_62 = tpu.memref_slice %arg6[%add3A_26, %dma_start3A_61] : memref<10240x128xf32, #tpu.memory_space<vmem_shared>> -> memref<80x128xf32, #tpu.memory_space<vmem_shared>>
      tpu.enqueue_dma source(%arg13 : memref<80x128xf32, #tpu.memory_space<vmem>>) target(%dma_start3A_62 : memref<80x128xf32, #tpu.memory_space<vmem_shared>>) target_semaphore(%run_scoped3A : memref<!tpu.dma_semaphore, #tpu.memory_space<semaphore_mem>>)
      %dma_wait3A_63 = arith.constant 0 : i32
      %dma_wait3A_64 = tpu.memref_slice %arg6[%add3A_26, %dma_wait3A_63] : memref<10240x128xf32, #tpu.memory_space<vmem_shared>> -> memref<80x128xf32, #tpu.memory_space<vmem_shared>>
      %dma_wait3A_65 = arith.constant 0 : i32
      %dma_wait3A_66 = tpu.memref_slice %arg6[%add3A_26, %dma_wait3A_65] : memref<10240x128xf32, #tpu.memory_space<vmem_shared>> -> memref<80x128xf32, #tpu.memory_space<vmem_shared>>
      tpu.wait_dma2 semaphore(%run_scoped3A : memref<!tpu.dma_semaphore, #tpu.memory_space<semaphore_mem>>) src(%arg13 : memref<80x128xf32, #tpu.memory_space<vmem>>) dst(%dma_wait3A_66 : memref<80x128xf32, #tpu.memory_space<vmem_shared>>)
      tpu.yield
    }) : () -> ()
    %mul3A_27 = arith.constant 640 : i32
    %mul3A_28 = arith.muli %arg1, %mul3A_27 : i32
    %add3A_29 = arith.constant 400 : i32
    %add3A_30 = arith.addi %mul3A_28, %add3A_29 : i32
    "tpu.region"() ({
      %run_scoped3A = tpu.sem_alloc : memref<!tpu.dma_semaphore, #tpu.memory_space<semaphore_mem>>
      %dma_start3A = arith.constant 0 : i32
      %dma_start3A_60 = tpu.memref_slice %arg6[%add3A_30, %dma_start3A] : memref<10240x128xf32, #tpu.memory_space<vmem_shared>> -> memref<80x128xf32, #tpu.memory_space<vmem_shared>>
      %dma_start3A_61 = arith.constant 0 : i32
      %dma_start3A_62 = tpu.memref_slice %arg6[%add3A_30, %dma_start3A_61] : memref<10240x128xf32, #tpu.memory_space<vmem_shared>> -> memref<80x128xf32, #tpu.memory_space<vmem_shared>>
      tpu.enqueue_dma source(%arg13 : memref<80x128xf32, #tpu.memory_space<vmem>>) target(%dma_start3A_62 : memref<80x128xf32, #tpu.memory_space<vmem_shared>>) target_semaphore(%run_scoped3A : memref<!tpu.dma_semaphore, #tpu.memory_space<semaphore_mem>>)
      %dma_wait3A_63 = arith.constant 0 : i32
      %dma_wait3A_64 = tpu.memref_slice %arg6[%add3A_30, %dma_wait3A_63] : memref<10240x128xf32, #tpu.memory_space<vmem_shared>> -> memref<80x128xf32, #tpu.memory_space<vmem_shared>>
      %dma_wait3A_65 = arith.constant 0 : i32
      %dma_wait3A_66 = tpu.memref_slice %arg6[%add3A_30, %dma_wait3A_65] : memref<10240x128xf32, #tpu.memory_space<vmem_shared>> -> memref<80x128xf32, #tpu.memory_space<vmem_shared>>
      tpu.wait_dma2 semaphore(%run_scoped3A : memref<!tpu.dma_semaphore, #tpu.memory_space<semaphore_mem>>) src(%arg13 : memref<80x128xf32, #tpu.memory_space<vmem>>) dst(%dma_wait3A_66 : memref<80x128xf32, #tpu.memory_space<vmem_shared>>)
      tpu.yield
    }) : () -> ()
    %mul3A_31 = arith.constant 640 : i32
    %mul3A_32 = arith.muli %arg1, %mul3A_31 : i32
    %add3A_33 = arith.constant 480 : i32
    %add3A_34 = arith.addi %mul3A_32, %add3A_33 : i32
    "tpu.region"() ({
      %run_scoped3A = tpu.sem_alloc : memref<!tpu.dma_semaphore, #tpu.memory_space<semaphore_mem>>
      %dma_start3A = arith.constant 0 : i32
      %dma_start3A_60 = tpu.memref_slice %arg6[%add3A_34, %dma_start3A] : memref<10240x128xf32, #tpu.memory_space<vmem_shared>> -> memref<80x128xf32, #tpu.memory_space<vmem_shared>>
      %dma_start3A_61 = arith.constant 0 : i32
      %dma_start3A_62 = tpu.memref_slice %arg6[%add3A_34, %dma_start3A_61] : memref<10240x128xf32, #tpu.memory_space<vmem_shared>> -> memref<80x128xf32, #tpu.memory_space<vmem_shared>>
      tpu.enqueue_dma source(%arg13 : memref<80x128xf32, #tpu.memory_space<vmem>>) target(%dma_start3A_62 : memref<80x128xf32, #tpu.memory_space<vmem_shared>>) target_semaphore(%run_scoped3A : memref<!tpu.dma_semaphore, #tpu.memory_space<semaphore_mem>>)
      %dma_wait3A_63 = arith.constant 0 : i32
      %dma_wait3A_64 = tpu.memref_slice %arg6[%add3A_34, %dma_wait3A_63] : memref<10240x128xf32, #tpu.memory_space<vmem_shared>> -> memref<80x128xf32, #tpu.memory_space<vmem_shared>>
      %dma_wait3A_65 = arith.constant 0 : i32
      %dma_wait3A_66 = tpu.memref_slice %arg6[%add3A_34, %dma_wait3A_65] : memref<10240x128xf32, #tpu.memory_space<vmem_shared>> -> memref<80x128xf32, #tpu.memory_space<vmem_shared>>
      tpu.wait_dma2 semaphore(%run_scoped3A : memref<!tpu.dma_semaphore, #tpu.memory_space<semaphore_mem>>) src(%arg13 : memref<80x128xf32, #tpu.memory_space<vmem>>) dst(%dma_wait3A_66 : memref<80x128xf32, #tpu.memory_space<vmem_shared>>)
      tpu.yield
    }) : () -> ()
    %mul3A_35 = arith.constant 640 : i32
    %mul3A_36 = arith.muli %arg1, %mul3A_35 : i32
    %add3A_37 = arith.constant 560 : i32
    %add3A_38 = arith.addi %mul3A_36, %add3A_37 : i32
    "tpu.region"() ({
      %run_scoped3A = tpu.sem_alloc : memref<!tpu.dma_semaphore, #tpu.memory_space<semaphore_mem>>
      %dma_start3A = arith.constant 0 : i32
      %dma_start3A_60 = tpu.memref_slice %arg6[%add3A_38, %dma_start3A] : memref<10240x128xf32, #tpu.memory_space<vmem_shared>> -> memref<80x128xf32, #tpu.memory_space<vmem_shared>>
      %dma_start3A_61 = arith.constant 0 : i32
      %dma_start3A_62 = tpu.memref_slice %arg6[%add3A_38, %dma_start3A_61] : memref<10240x128xf32, #tpu.memory_space<vmem_shared>> -> memref<80x128xf32, #tpu.memory_space<vmem_shared>>
      tpu.enqueue_dma source(%arg13 : memref<80x128xf32, #tpu.memory_space<vmem>>) target(%dma_start3A_62 : memref<80x128xf32, #tpu.memory_space<vmem_shared>>) target_semaphore(%run_scoped3A : memref<!tpu.dma_semaphore, #tpu.memory_space<semaphore_mem>>)
      %dma_wait3A_63 = arith.constant 0 : i32
      %dma_wait3A_64 = tpu.memref_slice %arg6[%add3A_38, %dma_wait3A_63] : memref<10240x128xf32, #tpu.memory_space<vmem_shared>> -> memref<80x128xf32, #tpu.memory_space<vmem_shared>>
      %dma_wait3A_65 = arith.constant 0 : i32
      %dma_wait3A_66 = tpu.memref_slice %arg6[%add3A_38, %dma_wait3A_65] : memref<10240x128xf32, #tpu.memory_space<vmem_shared>> -> memref<80x128xf32, #tpu.memory_space<vmem_shared>>
      tpu.wait_dma2 semaphore(%run_scoped3A : memref<!tpu.dma_semaphore, #tpu.memory_space<semaphore_mem>>) src(%arg13 : memref<80x128xf32, #tpu.memory_space<vmem>>) dst(%dma_wait3A_66 : memref<80x128xf32, #tpu.memory_space<vmem_shared>>)
      tpu.yield
    }) : () -> ()
    %barrier3A = arith.constant 0 : index
    tpu.barrier barrier_id(%barrier3A)
    %broadcast_in_dim3A_39 = arith.constant 1.000000e+00 : f32
    %broadcast_in_dim3A_40 = vector.broadcast %broadcast_in_dim3A_39 : f32 to vector<16xf32>
    %scan3A_41 = arith.constant 0 : i32
    %scan3A_42 = arith.constant 0 : i32
    %scan3A_43 = arith.constant 42 : i32
    %scan3A_44 = arith.addi %scan3A_42, %scan3A_43 : i32
    %scan3A_45 = arith.constant 1 : i32
    scf.for %scan3A_60 = %scan3A_42 to %scan3A_44 step %scan3A_45  : i32 {
      %mul3A_61 = arith.constant 3 : i32
      %mul3A_62 = arith.muli %scan3A_60, %mul3A_61 : i32
      %gt3A = arith.constant 0 : i32
      %gt3A_63 = arith.cmpi sgt, %scan3A_60, %gt3A : i32
      %convert_element_type3A = arith.extui %gt3A_63 : i1 to i32
      %cond3A = arith.constant 0 : i32
      %cond3A_64 = arith.cmpi ne, %convert_element_type3A, %cond3A : i32
      scf.if %cond3A_64 {
        %dma_wait3A_113 = arith.constant 0 : i32
        %dma_wait3A_114 = arith.constant 0 : i32
        %dma_wait3A_115 = tpu.memref_slice %arg6[%dma_wait3A_113, %dma_wait3A_114] : memref<10240x128xf32, #tpu.memory_space<vmem_shared>> -> memref<10240x128xf32, #tpu.memory_space<vmem_shared>>
        tpu.wait_indirect_dma semaphore(%arg19 : memref<!tpu.dma_semaphore, #tpu.memory_space<semaphore_mem>>) src(%arg13 : memref<80x128xf32, #tpu.memory_space<vmem>>) dst(%dma_wait3A_115 : memref<10240x128xf32, #tpu.memory_space<vmem_shared>>)
      } else {
      }
      %add3A_65 = arith.constant 0 : i32
      %add3A_66 = arith.addi %mul3A_62, %add3A_65 : i32
      "tpu.region"() ({
        %run_scoped3A = tpu.sem_alloc : memref<!tpu.dma_semaphore, #tpu.memory_space<semaphore_mem>>
        %dma_start3A_113 = arith.constant 0 : i32
        %dma_start3A_114 = tpu.memref_slice %arg3[%add3A, %add3A_66, %dma_start3A_113] : memref<32x126x80xi32, #tpu.memory_space<hbm>> -> memref<1x1x80xi32, #tpu.memory_space<hbm>>
        %dma_start3A_115 = tpu.memref_squeeze %dma_start3A_114 : memref<1x1x80xi32, #tpu.memory_space<hbm>> -> memref<80xi32, #tpu.memory_space<hbm>>
        %dma_start3A_116 = arith.constant 0 : i32
        %dma_start3A_117 = tpu.memref_slice %arg3[%add3A, %add3A_66, %dma_start3A_116] : memref<32x126x80xi32, #tpu.memory_space<hbm>> -> memref<1x1x80xi32, #tpu.memory_space<hbm>>
        %dma_start3A_118 = tpu.memref_squeeze %dma_start3A_117 : memref<1x1x80xi32, #tpu.memory_space<hbm>> -> memref<80xi32, #tpu.memory_space<hbm>>
        tpu.enqueue_dma source(%dma_start3A_118 : memref<80xi32, #tpu.memory_space<hbm>>) target(%arg7 : memref<80xi32, #tpu.memory_space<vmem>>) target_semaphore(%run_scoped3A : memref<!tpu.dma_semaphore, #tpu.memory_space<semaphore_mem>>)
        %dma_wait3A_119 = arith.constant 0 : i32
        %dma_wait3A_120 = tpu.memref_slice %arg3[%add3A, %add3A_66, %dma_wait3A_119] : memref<32x126x80xi32, #tpu.memory_space<hbm>> -> memref<1x1x80xi32, #tpu.memory_space<hbm>>
        %dma_wait3A_121 = tpu.memref_squeeze %dma_wait3A_120 : memref<1x1x80xi32, #tpu.memory_space<hbm>> -> memref<80xi32, #tpu.memory_space<hbm>>
        %dma_wait3A_122 = arith.constant 0 : i32
        %dma_wait3A_123 = tpu.memref_slice %arg3[%add3A, %add3A_66, %dma_wait3A_122] : memref<32x126x80xi32, #tpu.memory_space<hbm>> -> memref<1x1x80xi32, #tpu.memory_space<hbm>>
        %dma_wait3A_124 = tpu.memref_squeeze %dma_wait3A_123 : memref<1x1x80xi32, #tpu.memory_space<hbm>> -> memref<80xi32, #tpu.memory_space<hbm>>
        tpu.wait_dma2 semaphore(%run_scoped3A : memref<!tpu.dma_semaphore, #tpu.memory_space<semaphore_mem>>) src(%dma_wait3A_124 : memref<80xi32, #tpu.memory_space<hbm>>) dst(%arg7 : memref<80xi32, #tpu.memory_space<vmem>>)
        tpu.yield
      }) : () -> ()
      %add3A_67 = arith.constant 0 : i32
      %add3A_68 = arith.addi %mul3A_62, %add3A_67 : i32
      "tpu.region"() ({
        %run_scoped3A = tpu.sem_alloc : memref<!tpu.dma_semaphore, #tpu.memory_space<semaphore_mem>>
        %dma_start3A_113 = arith.constant 0 : i32
        %dma_start3A_114 = tpu.memref_slice %arg4[%add3A, %add3A_68, %dma_start3A_113] : memref<32x126x80xi32, #tpu.memory_space<hbm>> -> memref<1x1x80xi32, #tpu.memory_space<hbm>>
        %dma_start3A_115 = tpu.memref_squeeze %dma_start3A_114 : memref<1x1x80xi32, #tpu.memory_space<hbm>> -> memref<80xi32, #tpu.memory_space<hbm>>
        %dma_start3A_116 = arith.constant 0 : i32
        %dma_start3A_117 = tpu.memref_slice %arg4[%add3A, %add3A_68, %dma_start3A_116] : memref<32x126x80xi32, #tpu.memory_space<hbm>> -> memref<1x1x80xi32, #tpu.memory_space<hbm>>
        %dma_start3A_118 = tpu.memref_squeeze %dma_start3A_117 : memref<1x1x80xi32, #tpu.memory_space<hbm>> -> memref<80xi32, #tpu.memory_space<hbm>>
        tpu.enqueue_dma source(%dma_start3A_118 : memref<80xi32, #tpu.memory_space<hbm>>) target(%arg10 : memref<80xi32, #tpu.memory_space<vmem>>) target_semaphore(%run_scoped3A : memref<!tpu.dma_semaphore, #tpu.memory_space<semaphore_mem>>)
        %dma_wait3A_119 = arith.constant 0 : i32
        %dma_wait3A_120 = tpu.memref_slice %arg4[%add3A, %add3A_68, %dma_wait3A_119] : memref<32x126x80xi32, #tpu.memory_space<hbm>> -> memref<1x1x80xi32, #tpu.memory_space<hbm>>
        %dma_wait3A_121 = tpu.memref_squeeze %dma_wait3A_120 : memref<1x1x80xi32, #tpu.memory_space<hbm>> -> memref<80xi32, #tpu.memory_space<hbm>>
        %dma_wait3A_122 = arith.constant 0 : i32
        %dma_wait3A_123 = tpu.memref_slice %arg4[%add3A, %add3A_68, %dma_wait3A_122] : memref<32x126x80xi32, #tpu.memory_space<hbm>> -> memref<1x1x80xi32, #tpu.memory_space<hbm>>
        %dma_wait3A_124 = tpu.memref_squeeze %dma_wait3A_123 : memref<1x1x80xi32, #tpu.memory_space<hbm>> -> memref<80xi32, #tpu.memory_space<hbm>>
        tpu.wait_dma2 semaphore(%run_scoped3A : memref<!tpu.dma_semaphore, #tpu.memory_space<semaphore_mem>>) src(%dma_wait3A_124 : memref<80xi32, #tpu.memory_space<hbm>>) dst(%arg10 : memref<80xi32, #tpu.memory_space<vmem>>)
        tpu.yield
      }) : () -> ()
      %dma_start3A = arith.constant 0 : i32
      %dma_start3A_69 = arith.constant 0 : i32
      %dma_start3A_70 = tpu.memref_slice %arg2[%dma_start3A, %dma_start3A_69] : memref<10240x128xf32, #tpu.memory_space<hbm>> -> memref<10240x128xf32, #tpu.memory_space<hbm>>
      tpu.enqueue_indirect_dma source(%dma_start3A_70 : memref<10240x128xf32, #tpu.memory_space<hbm>>) target(%arg13 : memref<80x128xf32, #tpu.memory_space<vmem>>) offsets(%arg7 : memref<80xi32, #tpu.memory_space<vmem>>) semaphore(%arg16 : memref<!tpu.dma_semaphore, #tpu.memory_space<semaphore_mem>>)
      %gt3A_71 = arith.constant 0 : i32
      %gt3A_72 = arith.cmpi sgt, %scan3A_60, %gt3A_71 : i32
      %convert_element_type3A_73 = arith.extui %gt3A_72 : i1 to i32
      %cond3A_74 = arith.constant 0 : i32
      %cond3A_75 = arith.cmpi ne, %convert_element_type3A_73, %cond3A_74 : i32
      scf.if %cond3A_75 {
        %dma_wait3A_113 = arith.constant 0 : i32
        %dma_wait3A_114 = arith.constant 0 : i32
        %dma_wait3A_115 = tpu.memref_slice %arg6[%dma_wait3A_113, %dma_wait3A_114] : memref<10240x128xf32, #tpu.memory_space<vmem_shared>> -> memref<10240x128xf32, #tpu.memory_space<vmem_shared>>
        tpu.wait_indirect_dma semaphore(%arg20 : memref<!tpu.dma_semaphore, #tpu.memory_space<semaphore_mem>>) src(%arg14 : memref<80x128xf32, #tpu.memory_space<vmem>>) dst(%dma_wait3A_115 : memref<10240x128xf32, #tpu.memory_space<vmem_shared>>)
      } else {
      }
      %add3A_76 = arith.constant 1 : i32
      %add3A_77 = arith.addi %mul3A_62, %add3A_76 : i32
      "tpu.region"() ({
        %run_scoped3A = tpu.sem_alloc : memref<!tpu.dma_semaphore, #tpu.memory_space<semaphore_mem>>
        %dma_start3A_113 = arith.constant 0 : i32
        %dma_start3A_114 = tpu.memref_slice %arg3[%add3A, %add3A_77, %dma_start3A_113] : memref<32x126x80xi32, #tpu.memory_space<hbm>> -> memref<1x1x80xi32, #tpu.memory_space<hbm>>
        %dma_start3A_115 = tpu.memref_squeeze %dma_start3A_114 : memref<1x1x80xi32, #tpu.memory_space<hbm>> -> memref<80xi32, #tpu.memory_space<hbm>>
        %dma_start3A_116 = arith.constant 0 : i32
        %dma_start3A_117 = tpu.memref_slice %arg3[%add3A, %add3A_77, %dma_start3A_116] : memref<32x126x80xi32, #tpu.memory_space<hbm>> -> memref<1x1x80xi32, #tpu.memory_space<hbm>>
        %dma_start3A_118 = tpu.memref_squeeze %dma_start3A_117 : memref<1x1x80xi32, #tpu.memory_space<hbm>> -> memref<80xi32, #tpu.memory_space<hbm>>
        tpu.enqueue_dma source(%dma_start3A_118 : memref<80xi32, #tpu.memory_space<hbm>>) target(%arg8 : memref<80xi32, #tpu.memory_space<vmem>>) target_semaphore(%run_scoped3A : memref<!tpu.dma_semaphore, #tpu.memory_space<semaphore_mem>>)
        %dma_wait3A_119 = arith.constant 0 : i32
        %dma_wait3A_120 = tpu.memref_slice %arg3[%add3A, %add3A_77, %dma_wait3A_119] : memref<32x126x80xi32, #tpu.memory_space<hbm>> -> memref<1x1x80xi32, #tpu.memory_space<hbm>>
        %dma_wait3A_121 = tpu.memref_squeeze %dma_wait3A_120 : memref<1x1x80xi32, #tpu.memory_space<hbm>> -> memref<80xi32, #tpu.memory_space<hbm>>
        %dma_wait3A_122 = arith.constant 0 : i32
        %dma_wait3A_123 = tpu.memref_slice %arg3[%add3A, %add3A_77, %dma_wait3A_122] : memref<32x126x80xi32, #tpu.memory_space<hbm>> -> memref<1x1x80xi32, #tpu.memory_space<hbm>>
        %dma_wait3A_124 = tpu.memref_squeeze %dma_wait3A_123 : memref<1x1x80xi32, #tpu.memory_space<hbm>> -> memref<80xi32, #tpu.memory_space<hbm>>
        tpu.wait_dma2 semaphore(%run_scoped3A : memref<!tpu.dma_semaphore, #tpu.memory_space<semaphore_mem>>) src(%dma_wait3A_124 : memref<80xi32, #tpu.memory_space<hbm>>) dst(%arg8 : memref<80xi32, #tpu.memory_space<vmem>>)
        tpu.yield
      }) : () -> ()
      %add3A_78 = arith.constant 1 : i32
      %add3A_79 = arith.addi %mul3A_62, %add3A_78 : i32
      "tpu.region"() ({
        %run_scoped3A = tpu.sem_alloc : memref<!tpu.dma_semaphore, #tpu.memory_space<semaphore_mem>>
        %dma_start3A_113 = arith.constant 0 : i32
        %dma_start3A_114 = tpu.memref_slice %arg4[%add3A, %add3A_79, %dma_start3A_113] : memref<32x126x80xi32, #tpu.memory_space<hbm>> -> memref<1x1x80xi32, #tpu.memory_space<hbm>>
        %dma_start3A_115 = tpu.memref_squeeze %dma_start3A_114 : memref<1x1x80xi32, #tpu.memory_space<hbm>> -> memref<80xi32, #tpu.memory_space<hbm>>
        %dma_start3A_116 = arith.constant 0 : i32
        %dma_start3A_117 = tpu.memref_slice %arg4[%add3A, %add3A_79, %dma_start3A_116] : memref<32x126x80xi32, #tpu.memory_space<hbm>> -> memref<1x1x80xi32, #tpu.memory_space<hbm>>
        %dma_start3A_118 = tpu.memref_squeeze %dma_start3A_117 : memref<1x1x80xi32, #tpu.memory_space<hbm>> -> memref<80xi32, #tpu.memory_space<hbm>>
        tpu.enqueue_dma source(%dma_start3A_118 : memref<80xi32, #tpu.memory_space<hbm>>) target(%arg11 : memref<80xi32, #tpu.memory_space<vmem>>) target_semaphore(%run_scoped3A : memref<!tpu.dma_semaphore, #tpu.memory_space<semaphore_mem>>)
        %dma_wait3A_119 = arith.constant 0 : i32
        %dma_wait3A_120 = tpu.memref_slice %arg4[%add3A, %add3A_79, %dma_wait3A_119] : memref<32x126x80xi32, #tpu.memory_space<hbm>> -> memref<1x1x80xi32, #tpu.memory_space<hbm>>
        %dma_wait3A_121 = tpu.memref_squeeze %dma_wait3A_120 : memref<1x1x80xi32, #tpu.memory_space<hbm>> -> memref<80xi32, #tpu.memory_space<hbm>>
        %dma_wait3A_122 = arith.constant 0 : i32
        %dma_wait3A_123 = tpu.memref_slice %arg4[%add3A, %add3A_79, %dma_wait3A_122] : memref<32x126x80xi32, #tpu.memory_space<hbm>> -> memref<1x1x80xi32, #tpu.memory_space<hbm>>
        %dma_wait3A_124 = tpu.memref_squeeze %dma_wait3A_123 : memref<1x1x80xi32, #tpu.memory_space<hbm>> -> memref<80xi32, #tpu.memory_space<hbm>>
        tpu.wait_dma2 semaphore(%run_scoped3A : memref<!tpu.dma_semaphore, #tpu.memory_space<semaphore_mem>>) src(%dma_wait3A_124 : memref<80xi32, #tpu.memory_space<hbm>>) dst(%arg11 : memref<80xi32, #tpu.memory_space<vmem>>)
        tpu.yield
      }) : () -> ()
      %dma_start3A_80 = arith.constant 0 : i32
      %dma_start3A_81 = arith.constant 0 : i32
      %dma_start3A_82 = tpu.memref_slice %arg2[%dma_start3A_80, %dma_start3A_81] : memref<10240x128xf32, #tpu.memory_space<hbm>> -> memref<10240x128xf32, #tpu.memory_space<hbm>>
      tpu.enqueue_indirect_dma source(%dma_start3A_82 : memref<10240x128xf32, #tpu.memory_space<hbm>>) target(%arg14 : memref<80x128xf32, #tpu.memory_space<vmem>>) offsets(%arg8 : memref<80xi32, #tpu.memory_space<vmem>>) semaphore(%arg17 : memref<!tpu.dma_semaphore, #tpu.memory_space<semaphore_mem>>)
      %gt3A_83 = arith.constant 0 : i32
      %gt3A_84 = arith.cmpi sgt, %scan3A_60, %gt3A_83 : i32
      %convert_element_type3A_85 = arith.extui %gt3A_84 : i1 to i32
      %cond3A_86 = arith.constant 0 : i32
      %cond3A_87 = arith.cmpi ne, %convert_element_type3A_85, %cond3A_86 : i32
      scf.if %cond3A_87 {
        %dma_wait3A_113 = arith.constant 0 : i32
        %dma_wait3A_114 = arith.constant 0 : i32
        %dma_wait3A_115 = tpu.memref_slice %arg6[%dma_wait3A_113, %dma_wait3A_114] : memref<10240x128xf32, #tpu.memory_space<vmem_shared>> -> memref<10240x128xf32, #tpu.memory_space<vmem_shared>>
        tpu.wait_indirect_dma semaphore(%arg21 : memref<!tpu.dma_semaphore, #tpu.memory_space<semaphore_mem>>) src(%arg15 : memref<80x128xf32, #tpu.memory_space<vmem>>) dst(%dma_wait3A_115 : memref<10240x128xf32, #tpu.memory_space<vmem_shared>>)
      } else {
      }
      %add3A_88 = arith.constant 2 : i32
      %add3A_89 = arith.addi %mul3A_62, %add3A_88 : i32
      "tpu.region"() ({
        %run_scoped3A = tpu.sem_alloc : memref<!tpu.dma_semaphore, #tpu.memory_space<semaphore_mem>>
        %dma_start3A_113 = arith.constant 0 : i32
        %dma_start3A_114 = tpu.memref_slice %arg3[%add3A, %add3A_89, %dma_start3A_113] : memref<32x126x80xi32, #tpu.memory_space<hbm>> -> memref<1x1x80xi32, #tpu.memory_space<hbm>>
        %dma_start3A_115 = tpu.memref_squeeze %dma_start3A_114 : memref<1x1x80xi32, #tpu.memory_space<hbm>> -> memref<80xi32, #tpu.memory_space<hbm>>
        %dma_start3A_116 = arith.constant 0 : i32
        %dma_start3A_117 = tpu.memref_slice %arg3[%add3A, %add3A_89, %dma_start3A_116] : memref<32x126x80xi32, #tpu.memory_space<hbm>> -> memref<1x1x80xi32, #tpu.memory_space<hbm>>
        %dma_start3A_118 = tpu.memref_squeeze %dma_start3A_117 : memref<1x1x80xi32, #tpu.memory_space<hbm>> -> memref<80xi32, #tpu.memory_space<hbm>>
        tpu.enqueue_dma source(%dma_start3A_118 : memref<80xi32, #tpu.memory_space<hbm>>) target(%arg9 : memref<80xi32, #tpu.memory_space<vmem>>) target_semaphore(%run_scoped3A : memref<!tpu.dma_semaphore, #tpu.memory_space<semaphore_mem>>)
        %dma_wait3A_119 = arith.constant 0 : i32
        %dma_wait3A_120 = tpu.memref_slice %arg3[%add3A, %add3A_89, %dma_wait3A_119] : memref<32x126x80xi32, #tpu.memory_space<hbm>> -> memref<1x1x80xi32, #tpu.memory_space<hbm>>
        %dma_wait3A_121 = tpu.memref_squeeze %dma_wait3A_120 : memref<1x1x80xi32, #tpu.memory_space<hbm>> -> memref<80xi32, #tpu.memory_space<hbm>>
        %dma_wait3A_122 = arith.constant 0 : i32
        %dma_wait3A_123 = tpu.memref_slice %arg3[%add3A, %add3A_89, %dma_wait3A_122] : memref<32x126x80xi32, #tpu.memory_space<hbm>> -> memref<1x1x80xi32, #tpu.memory_space<hbm>>
        %dma_wait3A_124 = tpu.memref_squeeze %dma_wait3A_123 : memref<1x1x80xi32, #tpu.memory_space<hbm>> -> memref<80xi32, #tpu.memory_space<hbm>>
        tpu.wait_dma2 semaphore(%run_scoped3A : memref<!tpu.dma_semaphore, #tpu.memory_space<semaphore_mem>>) src(%dma_wait3A_124 : memref<80xi32, #tpu.memory_space<hbm>>) dst(%arg9 : memref<80xi32, #tpu.memory_space<vmem>>)
        tpu.yield
      }) : () -> ()
      %add3A_90 = arith.constant 2 : i32
      %add3A_91 = arith.addi %mul3A_62, %add3A_90 : i32
      "tpu.region"() ({
        %run_scoped3A = tpu.sem_alloc : memref<!tpu.dma_semaphore, #tpu.memory_space<semaphore_mem>>
        %dma_start3A_113 = arith.constant 0 : i32
        %dma_start3A_114 = tpu.memref_slice %arg4[%add3A, %add3A_91, %dma_start3A_113] : memref<32x126x80xi32, #tpu.memory_space<hbm>> -> memref<1x1x80xi32, #tpu.memory_space<hbm>>
        %dma_start3A_115 = tpu.memref_squeeze %dma_start3A_114 : memref<1x1x80xi32, #tpu.memory_space<hbm>> -> memref<80xi32, #tpu.memory_space<hbm>>
        %dma_start3A_116 = arith.constant 0 : i32
        %dma_start3A_117 = tpu.memref_slice %arg4[%add3A, %add3A_91, %dma_start3A_116] : memref<32x126x80xi32, #tpu.memory_space<hbm>> -> memref<1x1x80xi32, #tpu.memory_space<hbm>>
        %dma_start3A_118 = tpu.memref_squeeze %dma_start3A_117 : memref<1x1x80xi32, #tpu.memory_space<hbm>> -> memref<80xi32, #tpu.memory_space<hbm>>
        tpu.enqueue_dma source(%dma_start3A_118 : memref<80xi32, #tpu.memory_space<hbm>>) target(%arg12 : memref<80xi32, #tpu.memory_space<vmem>>) target_semaphore(%run_scoped3A : memref<!tpu.dma_semaphore, #tpu.memory_space<semaphore_mem>>)
        %dma_wait3A_119 = arith.constant 0 : i32
        %dma_wait3A_120 = tpu.memref_slice %arg4[%add3A, %add3A_91, %dma_wait3A_119] : memref<32x126x80xi32, #tpu.memory_space<hbm>> -> memref<1x1x80xi32, #tpu.memory_space<hbm>>
        %dma_wait3A_121 = tpu.memref_squeeze %dma_wait3A_120 : memref<1x1x80xi32, #tpu.memory_space<hbm>> -> memref<80xi32, #tpu.memory_space<hbm>>
        %dma_wait3A_122 = arith.constant 0 : i32
        %dma_wait3A_123 = tpu.memref_slice %arg4[%add3A, %add3A_91, %dma_wait3A_122] : memref<32x126x80xi32, #tpu.memory_space<hbm>> -> memref<1x1x80xi32, #tpu.memory_space<hbm>>
        %dma_wait3A_124 = tpu.memref_squeeze %dma_wait3A_123 : memref<1x1x80xi32, #tpu.memory_space<hbm>> -> memref<80xi32, #tpu.memory_space<hbm>>
        tpu.wait_dma2 semaphore(%run_scoped3A : memref<!tpu.dma_semaphore, #tpu.memory_space<semaphore_mem>>) src(%dma_wait3A_124 : memref<80xi32, #tpu.memory_space<hbm>>) dst(%arg12 : memref<80xi32, #tpu.memory_space<vmem>>)
        tpu.yield
      }) : () -> ()
      %dma_start3A_92 = arith.constant 0 : i32
      %dma_start3A_93 = arith.constant 0 : i32
      %dma_start3A_94 = tpu.memref_slice %arg2[%dma_start3A_92, %dma_start3A_93] : memref<10240x128xf32, #tpu.memory_space<hbm>> -> memref<10240x128xf32, #tpu.memory_space<hbm>>
      tpu.enqueue_indirect_dma source(%dma_start3A_94 : memref<10240x128xf32, #tpu.memory_space<hbm>>) target(%arg15 : memref<80x128xf32, #tpu.memory_space<vmem>>) offsets(%arg9 : memref<80xi32, #tpu.memory_space<vmem>>) semaphore(%arg18 : memref<!tpu.dma_semaphore, #tpu.memory_space<semaphore_mem>>)
      %dma_wait3A_95 = arith.constant 0 : i32
      %dma_wait3A_96 = arith.constant 0 : i32
      %dma_wait3A_97 = tpu.memref_slice %arg2[%dma_wait3A_95, %dma_wait3A_96] : memref<10240x128xf32, #tpu.memory_space<hbm>> -> memref<10240x128xf32, #tpu.memory_space<hbm>>
      tpu.wait_indirect_dma semaphore(%arg16 : memref<!tpu.dma_semaphore, #tpu.memory_space<semaphore_mem>>) src(%dma_wait3A_97 : memref<10240x128xf32, #tpu.memory_space<hbm>>) dst(%arg13 : memref<80x128xf32, #tpu.memory_space<vmem>>)
      %dma_start3A_98 = arith.constant 0 : i32
      %dma_start3A_99 = arith.constant 0 : i32
      %dma_start3A_100 = tpu.memref_slice %arg6[%dma_start3A_98, %dma_start3A_99] : memref<10240x128xf32, #tpu.memory_space<vmem_shared>> -> memref<10240x128xf32, #tpu.memory_space<vmem_shared>>
      tpu.enqueue_indirect_dma source(%arg13 : memref<80x128xf32, #tpu.memory_space<vmem>>) target(%dma_start3A_100 : memref<10240x128xf32, #tpu.memory_space<vmem_shared>>) offsets(%arg10 : memref<80xi32, #tpu.memory_space<vmem>>) semaphore(%arg19 : memref<!tpu.dma_semaphore, #tpu.memory_space<semaphore_mem>>) {add = true}
      %dma_wait3A_101 = arith.constant 0 : i32
      %dma_wait3A_102 = arith.constant 0 : i32
      %dma_wait3A_103 = tpu.memref_slice %arg2[%dma_wait3A_101, %dma_wait3A_102] : memref<10240x128xf32, #tpu.memory_space<hbm>> -> memref<10240x128xf32, #tpu.memory_space<hbm>>
      tpu.wait_indirect_dma semaphore(%arg17 : memref<!tpu.dma_semaphore, #tpu.memory_space<semaphore_mem>>) src(%dma_wait3A_103 : memref<10240x128xf32, #tpu.memory_space<hbm>>) dst(%arg14 : memref<80x128xf32, #tpu.memory_space<vmem>>)
      %dma_start3A_104 = arith.constant 0 : i32
      %dma_start3A_105 = arith.constant 0 : i32
      %dma_start3A_106 = tpu.memref_slice %arg6[%dma_start3A_104, %dma_start3A_105] : memref<10240x128xf32, #tpu.memory_space<vmem_shared>> -> memref<10240x128xf32, #tpu.memory_space<vmem_shared>>
      tpu.enqueue_indirect_dma source(%arg14 : memref<80x128xf32, #tpu.memory_space<vmem>>) target(%dma_start3A_106 : memref<10240x128xf32, #tpu.memory_space<vmem_shared>>) offsets(%arg11 : memref<80xi32, #tpu.memory_space<vmem>>) semaphore(%arg20 : memref<!tpu.dma_semaphore, #tpu.memory_space<semaphore_mem>>) {add = true}
      %dma_wait3A_107 = arith.constant 0 : i32
      %dma_wait3A_108 = arith.constant 0 : i32
      %dma_wait3A_109 = tpu.memref_slice %arg2[%dma_wait3A_107, %dma_wait3A_108] : memref<10240x128xf32, #tpu.memory_space<hbm>> -> memref<10240x128xf32, #tpu.memory_space<hbm>>
      tpu.wait_indirect_dma semaphore(%arg18 : memref<!tpu.dma_semaphore, #tpu.memory_space<semaphore_mem>>) src(%dma_wait3A_109 : memref<10240x128xf32, #tpu.memory_space<hbm>>) dst(%arg15 : memref<80x128xf32, #tpu.memory_space<vmem>>)
      %dma_start3A_110 = arith.constant 0 : i32
      %dma_start3A_111 = arith.constant 0 : i32
      %dma_start3A_112 = tpu.memref_slice %arg6[%dma_start3A_110, %dma_start3A_111] : memref<10240x128xf32, #tpu.memory_space<vmem_shared>> -> memref<10240x128xf32, #tpu.memory_space<vmem_shared>>
      tpu.enqueue_indirect_dma source(%arg15 : memref<80x128xf32, #tpu.memory_space<vmem>>) target(%dma_start3A_112 : memref<10240x128xf32, #tpu.memory_space<vmem_shared>>) offsets(%arg12 : memref<80xi32, #tpu.memory_space<vmem>>) semaphore(%arg21 : memref<!tpu.dma_semaphore, #tpu.memory_space<semaphore_mem>>) {add = true}
    }
    %scan3A_46 = arith.constant 42 : i32
    %dma_wait3A = arith.constant 0 : i32
    %dma_wait3A_47 = arith.constant 0 : i32
    %dma_wait3A_48 = tpu.memref_slice %arg6[%dma_wait3A, %dma_wait3A_47] : memref<10240x128xf32, #tpu.memory_space<vmem_shared>> -> memref<10240x128xf32, #tpu.memory_space<vmem_shared>>
    tpu.wait_indirect_dma semaphore(%arg19 : memref<!tpu.dma_semaphore, #tpu.memory_space<semaphore_mem>>) src(%arg13 : memref<80x128xf32, #tpu.memory_space<vmem>>) dst(%dma_wait3A_48 : memref<10240x128xf32, #tpu.memory_space<vmem_shared>>)
    %dma_wait3A_49 = arith.constant 0 : i32
    %dma_wait3A_50 = arith.constant 0 : i32
    %dma_wait3A_51 = tpu.memref_slice %arg6[%dma_wait3A_49, %dma_wait3A_50] : memref<10240x128xf32, #tpu.memory_space<vmem_shared>> -> memref<10240x128xf32, #tpu.memory_space<vmem_shared>>
    tpu.wait_indirect_dma semaphore(%arg20 : memref<!tpu.dma_semaphore, #tpu.memory_space<semaphore_mem>>) src(%arg14 : memref<80x128xf32, #tpu.memory_space<vmem>>) dst(%dma_wait3A_51 : memref<10240x128xf32, #tpu.memory_space<vmem_shared>>)
    %dma_wait3A_52 = arith.constant 0 : i32
    %dma_wait3A_53 = arith.constant 0 : i32
    %dma_wait3A_54 = tpu.memref_slice %arg6[%dma_wait3A_52, %dma_wait3A_53] : memref<10240x128xf32, #tpu.memory_space<vmem_shared>> -> memref<10240x128xf32, #tpu.memory_space<vmem_shared>>
    tpu.wait_indirect_dma semaphore(%arg21 : memref<!tpu.dma_semaphore, #tpu.memory_space<semaphore_mem>>) src(%arg15 : memref<80x128xf32, #tpu.memory_space<vmem>>) dst(%dma_wait3A_54 : memref<10240x128xf32, #tpu.memory_space<vmem_shared>>)
    %barrier3A_55 = arith.constant 0 : index
    tpu.barrier barrier_id(%barrier3A_55)
    %mul3A_56 = arith.constant 640 : i32
    %mul3A_57 = arith.muli %arg1, %mul3A_56 : i32
    %mul3A_58 = arith.constant 640 : i32
    %mul3A_59 = arith.muli %arg1, %mul3A_58 : i32
    "tpu.region"() ({
      %run_scoped3A = tpu.sem_alloc : memref<!tpu.dma_semaphore, #tpu.memory_space<semaphore_mem>>
      %dma_start3A = arith.constant 0 : i32
      %dma_start3A_60 = tpu.memref_slice %arg5[%arg0, %mul3A_59, %dma_start3A] : memref<2x10240x128xf32, #tpu.memory_space<hbm>> -> memref<1x640x128xf32, #tpu.memory_space<hbm>>
      %dma_start3A_61 = tpu.memref_squeeze %dma_start3A_60 : memref<1x640x128xf32, #tpu.memory_space<hbm>> -> memref<640x128xf32, #tpu.memory_space<hbm>>
      %dma_start3A_62 = arith.constant 0 : i32
      %dma_start3A_63 = tpu.memref_slice %arg6[%mul3A_57, %dma_start3A_62] : memref<10240x128xf32, #tpu.memory_space<vmem_shared>> -> memref<640x128xf32, #tpu.memory_space<vmem_shared>>
      tpu.enqueue_dma source(%dma_start3A_63 : memref<640x128xf32, #tpu.memory_space<vmem_shared>>) target(%dma_start3A_61 : memref<640x128xf32, #tpu.memory_space<hbm>>) target_semaphore(%run_scoped3A : memref<!tpu.dma_semaphore, #tpu.memory_space<semaphore_mem>>)
      %dma_wait3A_64 = arith.constant 0 : i32
      %dma_wait3A_65 = tpu.memref_slice %arg5[%arg0, %mul3A_59, %dma_wait3A_64] : memref<2x10240x128xf32, #tpu.memory_space<hbm>> -> memref<1x640x128xf32, #tpu.memory_space<hbm>>
      %dma_wait3A_66 = tpu.memref_squeeze %dma_wait3A_65 : memref<1x640x128xf32, #tpu.memory_space<hbm>> -> memref<640x128xf32, #tpu.memory_space<hbm>>
      %dma_wait3A_67 = arith.constant 0 : i32
      %dma_wait3A_68 = tpu.memref_slice %arg6[%mul3A_57, %dma_wait3A_67] : memref<10240x128xf32, #tpu.memory_space<vmem_shared>> -> memref<640x128xf32, #tpu.memory_space<vmem_shared>>
      tpu.wait_dma2 semaphore(%run_scoped3A : memref<!tpu.dma_semaphore, #tpu.memory_space<semaphore_mem>>) src(%dma_wait3A_68 : memref<640x128xf32, #tpu.memory_space<vmem_shared>>) dst(%dma_wait3A_66 : memref<640x128xf32, #tpu.memory_space<hbm>>)
      tpu.yield
    }) : () -> ()
    return
  }
}

module attributes {stable_mosaic.version = 14 : i64} {
  func.func @_tc_layer1(%arg0: i32, %arg1: memref<2x2048x128xf32, #tpu.memory_space<vmem>>, %arg2: memref<32x2048xf32, #tpu.memory_space<vmem>>, %arg3: memref<2048x128xf32, #tpu.memory_space<vmem>>, %arg4: memref<128x128xf32, #tpu.memory_space<vmem>>, %arg5: memref<128x128xf32, #tpu.memory_space<vmem>>, %arg6: memref<1x128xf32, #tpu.memory_space<vmem>>, %arg7: memref<2048x128xf32, #tpu.memory_space<vmem>>, %arg8: memref<2048x8xf32, #tpu.memory_space<vmem>>) attributes {dimension_semantics = [#tpu.dimension_semantics<arbitrary>], iteration_bounds = array<i64: 5>, scalar_prefetch = 0 : i64, scratch_operands = 0 : i64, tpu.core_type = #tpu.core_type<tc>, window_params = [{transform_indices = @transform_0, window_bounds = array<i64: 2, 2048, 128>}, {transform_indices = @transform_1, window_bounds = array<i64: 32, 2048>}, {transform_indices = @transform_2, window_bounds = array<i64: 2048, 128>}, {pipeline_mode = #tpu.pipeline_mode<synchronous>, transform_indices = @transform_3, window_bounds = array<i64: 128, 128>}, {pipeline_mode = #tpu.pipeline_mode<synchronous>, transform_indices = @transform_4, window_bounds = array<i64: 128, 128>}, {pipeline_mode = #tpu.pipeline_mode<synchronous>, transform_indices = @transform_5, window_bounds = array<i64: 1, 128>}, {transform_indices = @transform_6, window_bounds = array<i64: 2048, 128>}, {transform_indices = @transform_7, window_bounds = array<i64: 2048, 8>}]} {
    %get3A = arith.constant 0 : index
    %get3A_0 = arith.constant 0 : index
    %get3A_1 = arith.constant 0 : index
    %get3A_2 = vector.load %arg1[%get3A, %get3A_0, %get3A_1] : memref<2x2048x128xf32, #tpu.memory_space<vmem>>, vector<1x2048x128xf32>
    %get3A_3 = vector.shape_cast %get3A_2 : vector<1x2048x128xf32> to vector<2048x128xf32>
    %get3A_4 = arith.constant 1 : index
    %get3A_5 = arith.constant 0 : index
    %get3A_6 = arith.constant 0 : index
    %get3A_7 = vector.load %arg1[%get3A_4, %get3A_5, %get3A_6] : memref<2x2048x128xf32, #tpu.memory_space<vmem>>, vector<1x2048x128xf32>
    %get3A_8 = vector.shape_cast %get3A_7 : vector<1x2048x128xf32> to vector<2048x128xf32>
    %add3A = arith.addf %get3A_3, %get3A_8 : vector<2048x128xf32>
    %get3A_9 = arith.constant 0 : index
    %get3A_10 = arith.constant 0 : index
    %get3A_11 = vector.load %arg2[%get3A_9, %get3A_10] : memref<32x2048xf32, #tpu.memory_space<vmem>>, vector<32x2048xf32>
    %reduce_sum3A = arith.constant dense<0.000000e+00> : vector<2048xf32>
    %reduce_sum3A_12 = vector.multi_reduction <add>, %get3A_11, %reduce_sum3A [0] : vector<32x2048xf32> to vector<2048xf32>
    %reshape3A = vector.shape_cast %reduce_sum3A_12 : vector<2048xf32> to vector<2048x1xf32>
    %max3A = arith.constant 1.000000e+00 : f32
    %max3A_13 = vector.broadcast %max3A : f32 to vector<2048x1xf32>
    %max3A_14 = arith.maximumf %reshape3A, %max3A_13 : vector<2048x1xf32>
    %div3A = arith.constant 1.000000e+00 : f32
    %div3A_15 = vector.broadcast %div3A : f32 to vector<2048x1xf32>
    %div3A_16 = arith.divf %div3A_15, %max3A_14 : vector<2048x1xf32>
    %mul3A = vector.broadcast %div3A_16 : vector<2048x1xf32> to vector<2048x128xf32>
    %mul3A_17 = arith.mulf %add3A, %mul3A : vector<2048x128xf32>
    %get3A_18 = arith.constant 0 : index
    %get3A_19 = arith.constant 0 : index
    %get3A_20 = vector.load %arg4[%get3A_18, %get3A_19] : memref<128x128xf32, #tpu.memory_space<vmem>>, vector<128x128xf32>
    %dot_general3A = arith.constant dense<0.000000e+00> : vector<2048x128xf32>
    %dot_general3A_21 = tpu.matmul %mul3A_17, %get3A_20, %dot_general3A {dimension_numbers = #tpu.dot_dimension_numbers<[1], [1], [0], [0], [0, 0, 1, 0], [], []>, transpose_lhs_hint = false} : vector<2048x128xf32>, vector<128x128xf32>, vector<2048x128xf32> -> vector<2048x128xf32>
    %get3A_22 = arith.constant 0 : index
    %get3A_23 = arith.constant 0 : index
    %get3A_24 = vector.load %arg3[%get3A_22, %get3A_23] : memref<2048x128xf32, #tpu.memory_space<vmem>>, vector<2048x128xf32>
    %get3A_25 = arith.constant 0 : index
    %get3A_26 = arith.constant 0 : index
    %get3A_27 = vector.load %arg5[%get3A_25, %get3A_26] : memref<128x128xf32, #tpu.memory_space<vmem>>, vector<128x128xf32>
    %dot_general3A_28 = arith.constant dense<0.000000e+00> : vector<2048x128xf32>
    %dot_general3A_29 = tpu.matmul %get3A_24, %get3A_27, %dot_general3A_28 {dimension_numbers = #tpu.dot_dimension_numbers<[1], [1], [0], [0], [0, 0, 1, 0], [], []>, transpose_lhs_hint = false} : vector<2048x128xf32>, vector<128x128xf32>, vector<2048x128xf32> -> vector<2048x128xf32>
    %add3A_30 = arith.addf %dot_general3A_21, %dot_general3A_29 : vector<2048x128xf32>
    %get3A_31 = arith.constant 0 : index
    %get3A_32 = arith.constant 0 : index
    %get3A_33 = vector.load %arg6[%get3A_31, %get3A_32] : memref<1x128xf32, #tpu.memory_space<vmem>>, vector<1x128xf32>
    %add3A_34 = vector.broadcast %get3A_33 : vector<1x128xf32> to vector<2048x128xf32>
    %add3A_35 = arith.addf %add3A_30, %add3A_34 : vector<2048x128xf32>
    %max3A_36 = arith.constant 0.000000e+00 : f32
    %max3A_37 = vector.broadcast %max3A_36 : f32 to vector<2048x128xf32>
    %max3A_38 = arith.maximumf %add3A_35, %max3A_37 : vector<2048x128xf32>
    %swap3A = arith.constant 0 : index
    %swap3A_39 = arith.constant 0 : index
    %swap3A_40 = vector.load %arg7[%swap3A, %swap3A_39] : memref<2048x128xf32, #tpu.memory_space<vmem>>, vector<2048x128xf32>
    tpu.vector_store %arg7[%swap3A, %swap3A_39], %max3A_38 {strides = array<i32>} : memref<2048x128xf32, #tpu.memory_space<vmem>>, vector<2048x128xf32>,
    %broadcast_in_dim3A = vector.shape_cast %div3A_16 : vector<2048x1xf32> to vector<2048x1xf32>
    %broadcast_in_dim3A_41 = vector.broadcast %broadcast_in_dim3A : vector<2048x1xf32> to vector<2048x8xf32>
    %swap3A_42 = arith.constant 0 : index
    %swap3A_43 = arith.constant 0 : index
    %swap3A_44 = vector.load %arg8[%swap3A_42, %swap3A_43] : memref<2048x8xf32, #tpu.memory_space<vmem>>, vector<2048x8xf32>
    tpu.vector_store %arg8[%swap3A_42, %swap3A_43], %broadcast_in_dim3A_41 {strides = array<i32>} : memref<2048x8xf32, #tpu.memory_space<vmem>>, vector<2048x8xf32>,
    return
  }
  func.func @transform_0(%arg0: i32) -> (i32, i32, i32) {
    %c0_i32 = arith.constant 0 : i32
    %c0_i32_0 = arith.constant 0 : i32
    %c0_i32_1 = arith.constant 0 : i32
    return %c0_i32, %arg0, %c0_i32_0 : i32, i32, i32
  }
  func.func @transform_1(%arg0: i32) -> (i32, i32) {
    %c0_i32 = arith.constant 0 : i32
    %c0_i32_0 = arith.constant 0 : i32
    return %c0_i32, %arg0 : i32, i32
  }
  func.func @transform_2(%arg0: i32) -> (i32, i32) {
    %c0_i32 = arith.constant 0 : i32
    %c0_i32_0 = arith.constant 0 : i32
    return %arg0, %c0_i32 : i32, i32
  }
  func.func @transform_3(%arg0: i32) -> (i32, i32) {
    %c0_i32 = arith.constant 0 : i32
    %c0_i32_0 = arith.constant 0 : i32
    %c0_i32_1 = arith.constant 0 : i32
    return %c0_i32, %c0_i32_0 : i32, i32
  }
  func.func @transform_4(%arg0: i32) -> (i32, i32) {
    %c0_i32 = arith.constant 0 : i32
    %c0_i32_0 = arith.constant 0 : i32
    %c0_i32_1 = arith.constant 0 : i32
    return %c0_i32, %c0_i32_0 : i32, i32
  }
  func.func @transform_5(%arg0: i32) -> (i32, i32) {
    %c0_i32 = arith.constant 0 : i32
    %c0_i32_0 = arith.constant 0 : i32
    %c0_i32_1 = arith.constant 0 : i32
    return %c0_i32, %c0_i32_0 : i32, i32
  }
  func.func @transform_6(%arg0: i32) -> (i32, i32) {
    %c0_i32 = arith.constant 0 : i32
    %c0_i32_0 = arith.constant 0 : i32
    return %arg0, %c0_i32 : i32, i32
  }
  func.func @transform_7(%arg0: i32) -> (i32, i32) {
    %c0_i32 = arith.constant 0 : i32
    %c0_i32_0 = arith.constant 0 : i32
    return %arg0, %c0_i32 : i32, i32
  }
}

module attributes {stable_mosaic.version = 14 : i64} {
  func.func @_tc_layer2(%arg0: i32, %arg1: memref<2x2048x128xf32, #tpu.memory_space<vmem>>, %arg2: memref<2048x8xf32, #tpu.memory_space<vmem>>, %arg3: memref<2048x128xf32, #tpu.memory_space<vmem>>, %arg4: memref<128x128xf32, #tpu.memory_space<vmem>>, %arg5: memref<128x128xf32, #tpu.memory_space<vmem>>, %arg6: memref<1x128xf32, #tpu.memory_space<vmem>>, %arg7: memref<128x2xf32, #tpu.memory_space<vmem>>, %arg8: memref<1x2xf32, #tpu.memory_space<vmem>>, %arg9: memref<2048x2xf32, #tpu.memory_space<vmem>>) attributes {dimension_semantics = [#tpu.dimension_semantics<arbitrary>], iteration_bounds = array<i64: 5>, scalar_prefetch = 0 : i64, scratch_operands = 0 : i64, tpu.core_type = #tpu.core_type<tc>, window_params = [{transform_indices = @transform_0, window_bounds = array<i64: 2, 2048, 128>}, {transform_indices = @transform_1, window_bounds = array<i64: 2048, 8>}, {transform_indices = @transform_2, window_bounds = array<i64: 2048, 128>}, {pipeline_mode = #tpu.pipeline_mode<synchronous>, transform_indices = @transform_3, window_bounds = array<i64: 128, 128>}, {pipeline_mode = #tpu.pipeline_mode<synchronous>, transform_indices = @transform_4, window_bounds = array<i64: 128, 128>}, {pipeline_mode = #tpu.pipeline_mode<synchronous>, transform_indices = @transform_5, window_bounds = array<i64: 1, 128>}, {pipeline_mode = #tpu.pipeline_mode<synchronous>, transform_indices = @transform_6, window_bounds = array<i64: 128, 2>}, {pipeline_mode = #tpu.pipeline_mode<synchronous>, transform_indices = @transform_7, window_bounds = array<i64: 1, 2>}, {transform_indices = @transform_8, window_bounds = array<i64: 2048, 2>}]} {
    %get3A = arith.constant 0 : index
    %get3A_0 = arith.constant 0 : index
    %get3A_1 = arith.constant 0 : index
    %get3A_2 = vector.load %arg1[%get3A, %get3A_0, %get3A_1] : memref<2x2048x128xf32, #tpu.memory_space<vmem>>, vector<1x2048x128xf32>
    %get3A_3 = vector.shape_cast %get3A_2 : vector<1x2048x128xf32> to vector<2048x128xf32>
    %get3A_4 = arith.constant 1 : index
    %get3A_5 = arith.constant 0 : index
    %get3A_6 = arith.constant 0 : index
    %get3A_7 = vector.load %arg1[%get3A_4, %get3A_5, %get3A_6] : memref<2x2048x128xf32, #tpu.memory_space<vmem>>, vector<1x2048x128xf32>
    %get3A_8 = vector.shape_cast %get3A_7 : vector<1x2048x128xf32> to vector<2048x128xf32>
    %add3A = arith.addf %get3A_3, %get3A_8 : vector<2048x128xf32>
    %get3A_9 = arith.constant 0 : index
    %get3A_10 = arith.constant 0 : index
    %get3A_11 = vector.load %arg2[%get3A_9, %get3A_10] : memref<2048x8xf32, #tpu.memory_space<vmem>>, vector<2048x1xf32>
    %mul3A = vector.broadcast %get3A_11 : vector<2048x1xf32> to vector<2048x128xf32>
    %mul3A_12 = arith.mulf %add3A, %mul3A : vector<2048x128xf32>
    %get3A_13 = arith.constant 0 : index
    %get3A_14 = arith.constant 0 : index
    %get3A_15 = vector.load %arg4[%get3A_13, %get3A_14] : memref<128x128xf32, #tpu.memory_space<vmem>>, vector<128x128xf32>
    %dot_general3A = arith.constant dense<0.000000e+00> : vector<2048x128xf32>
    %dot_general3A_16 = tpu.matmul %mul3A_12, %get3A_15, %dot_general3A {dimension_numbers = #tpu.dot_dimension_numbers<[1], [1], [0], [0], [0, 0, 1, 0], [], []>, transpose_lhs_hint = false} : vector<2048x128xf32>, vector<128x128xf32>, vector<2048x128xf32> -> vector<2048x128xf32>
    %get3A_17 = arith.constant 0 : index
    %get3A_18 = arith.constant 0 : index
    %get3A_19 = vector.load %arg3[%get3A_17, %get3A_18] : memref<2048x128xf32, #tpu.memory_space<vmem>>, vector<2048x128xf32>
    %get3A_20 = arith.constant 0 : index
    %get3A_21 = arith.constant 0 : index
    %get3A_22 = vector.load %arg5[%get3A_20, %get3A_21] : memref<128x128xf32, #tpu.memory_space<vmem>>, vector<128x128xf32>
    %dot_general3A_23 = arith.constant dense<0.000000e+00> : vector<2048x128xf32>
    %dot_general3A_24 = tpu.matmul %get3A_19, %get3A_22, %dot_general3A_23 {dimension_numbers = #tpu.dot_dimension_numbers<[1], [1], [0], [0], [0, 0, 1, 0], [], []>, transpose_lhs_hint = false} : vector<2048x128xf32>, vector<128x128xf32>, vector<2048x128xf32> -> vector<2048x128xf32>
    %add3A_25 = arith.addf %dot_general3A_16, %dot_general3A_24 : vector<2048x128xf32>
    %get3A_26 = arith.constant 0 : index
    %get3A_27 = arith.constant 0 : index
    %get3A_28 = vector.load %arg6[%get3A_26, %get3A_27] : memref<1x128xf32, #tpu.memory_space<vmem>>, vector<1x128xf32>
    %add3A_29 = vector.broadcast %get3A_28 : vector<1x128xf32> to vector<2048x128xf32>
    %add3A_30 = arith.addf %add3A_25, %add3A_29 : vector<2048x128xf32>
    %get3A_31 = arith.constant 0 : index
    %get3A_32 = arith.constant 0 : index
    %get3A_33 = vector.load %arg7[%get3A_31, %get3A_32] : memref<128x2xf32, #tpu.memory_space<vmem>>, vector<128x2xf32>
    %dot_general3A_34 = arith.constant dense<0.000000e+00> : vector<2048x2xf32>
    %dot_general3A_35 = tpu.matmul %add3A_30, %get3A_33, %dot_general3A_34 {dimension_numbers = #tpu.dot_dimension_numbers<[1], [0], [0], [1], [0, 0, 1, 1], [], []>, transpose_lhs_hint = false} : vector<2048x128xf32>, vector<128x2xf32>, vector<2048x2xf32> -> vector<2048x2xf32>
    %get3A_36 = arith.constant 0 : index
    %get3A_37 = arith.constant 0 : index
    %get3A_38 = vector.load %arg8[%get3A_36, %get3A_37] : memref<1x2xf32, #tpu.memory_space<vmem>>, vector<1x2xf32>
    %add3A_39 = vector.broadcast %get3A_38 : vector<1x2xf32> to vector<2048x2xf32>
    %add3A_40 = arith.addf %dot_general3A_35, %add3A_39 : vector<2048x2xf32>
    %swap3A = arith.constant 0 : index
    %swap3A_41 = arith.constant 0 : index
    %swap3A_42 = vector.load %arg9[%swap3A, %swap3A_41] : memref<2048x2xf32, #tpu.memory_space<vmem>>, vector<2048x2xf32>
    tpu.vector_store %arg9[%swap3A, %swap3A_41], %add3A_40 {strides = array<i32>} : memref<2048x2xf32, #tpu.memory_space<vmem>>, vector<2048x2xf32>,
    return
  }
  func.func @transform_0(%arg0: i32) -> (i32, i32, i32) {
    %c0_i32 = arith.constant 0 : i32
    %c0_i32_0 = arith.constant 0 : i32
    %c0_i32_1 = arith.constant 0 : i32
    return %c0_i32, %arg0, %c0_i32_0 : i32, i32, i32
  }
  func.func @transform_1(%arg0: i32) -> (i32, i32) {
    %c0_i32 = arith.constant 0 : i32
    %c0_i32_0 = arith.constant 0 : i32
    return %arg0, %c0_i32 : i32, i32
  }
  func.func @transform_2(%arg0: i32) -> (i32, i32) {
    %c0_i32 = arith.constant 0 : i32
    %c0_i32_0 = arith.constant 0 : i32
    return %arg0, %c0_i32 : i32, i32
  }
  func.func @transform_3(%arg0: i32) -> (i32, i32) {
    %c0_i32 = arith.constant 0 : i32
    %c0_i32_0 = arith.constant 0 : i32
    %c0_i32_1 = arith.constant 0 : i32
    return %c0_i32, %c0_i32_0 : i32, i32
  }
  func.func @transform_4(%arg0: i32) -> (i32, i32) {
    %c0_i32 = arith.constant 0 : i32
    %c0_i32_0 = arith.constant 0 : i32
    %c0_i32_1 = arith.constant 0 : i32
    return %c0_i32, %c0_i32_0 : i32, i32
  }
  func.func @transform_5(%arg0: i32) -> (i32, i32) {
    %c0_i32 = arith.constant 0 : i32
    %c0_i32_0 = arith.constant 0 : i32
    %c0_i32_1 = arith.constant 0 : i32
    return %c0_i32, %c0_i32_0 : i32, i32
  }
  func.func @transform_6(%arg0: i32) -> (i32, i32) {
    %c0_i32 = arith.constant 0 : i32
    %c0_i32_0 = arith.constant 0 : i32
    %c0_i32_1 = arith.constant 0 : i32
    return %c0_i32, %c0_i32_0 : i32, i32
  }
  func.func @transform_7(%arg0: i32) -> (i32, i32) {
    %c0_i32 = arith.constant 0 : i32
    %c0_i32_0 = arith.constant 0 : i32
    %c0_i32_1 = arith.constant 0 : i32
    return %c0_i32, %c0_i32_0 : i32, i32
  }
  func.func @transform_8(%arg0: i32) -> (i32, i32) {
    %c0_i32 = arith.constant 0 : i32
    %c0_i32_0 = arith.constant 0 : i32
    return %arg0, %c0_i32 : i32, i32
  }
}

</mosaic_0001>

<sc_bundles>
// kernel: kernel.10.cloned.1.call-start
scs
__scs_entry_jumppad:
0x0: {  	(pc) =	sbr.rel $0x88, $3  }
0x1: {  	(tag) =	ssettag $0x0;
	lr =	simm.s32 $0x1  }
0x2: {  	[smem:$0x3F96] =	sst lr;
	_ =	strace $0xD0000000  }
0x3: {  	_ = 	snop  }
0x4: {  	_ = 	snop  }
0x5: {  	_ = 	snop  }
0x6: {  	_ = 	snop  }
0x7: {  	_ = 	snop  }
__scs_overlays_trampoline_lowered:
0x8: {  	[smem:$0x3FA5] =	sst s0  }
0x9: {  	[smem:$0x3FA6] =	sst s1  }
0xa: {  	[smem:$0x3FA7] =	sst s2  }
0xb: {  	[smem:$0x3FA8] =	sst s3  }
0xc: {  	[smem:$0x3FA9] =	sst s4  }
0xd: {  	[smem:$0x3FAA] =	sst s5  }
0xe: {  	[smem:$0x3FAB] =	sst s6  }
0xf: {  	[smem:$0x3FAC] =	sst s7  }
0x10: {  	[smem:$0x3FAD] =	sst s8  }
0x11: {  	[smem:$0x3FAE] =	sst s9;
	s0 =	simm.s32 @!p0 $0x0  }
0x12: {  	s1 =	sld [smem:$0x3F94];
	s0 =	simm.s32 @p0 $0x1  }
0x13: {  	[smem:$0x3FAF] =	sst s0;
	s0 =	simm.s32 @!p1 $0x0  }
0x14: {  	s2 =	sld [smem:$0x3F93];
	s0 =	simm.s32 @p1 $0x1  }
0x15: {  	[smem:$0x3FB0] =	sst s0;
	s0 =	simm.s32 @!p2 $0x0  }
0x16: {  	s3 =	sld [smem:$0x3FDB];
	s0 =	simm.s32 @p2 $0x1  }
0x17: {  	s4 =	simm.s32 $0x1BF5;
	[smem:$0x3FB2] =	sst s0  }
0x18: {  	s0 =	sld [smem:$0x3F95];
	_ =	swait.ge [sflag:s4], $0x0  }
0x19: {  	s7 =	sld [smem:$0x3F96]  }
0x1a: {  	s8 =	sadd.s32 $0xFFFFE003, lr  }
0x1b: {  	s9 =	sadd.s32 $0xFFFFFEF7, lr;
	s5 =	simm.s32 $0xFFFFFFFF;
	p2 =	slt.u32 s8, $0xFFFFF086  }
0x1c: {  	p1 =	slt.u32 s9, $0xF7A;
	s5 =	simm.s32 @!p2 $0x0  }
0x1d: {  	s5 =	simm.s32 @p1 $0x1;
	p0 =	seq.s32 s7, s2  }
0x1e: {  	s7 =	smul.u32 @!p0 $0xF7A, s2;
	p2 =	seq.s32 @!p0 s5, $0x0  }
0x1f: {  	s9 =	smul.u32 $0xF7A, s1;
	s8 =	simm.s32 @!p0 $0x1BF5;
	p2 =	por !p2, p0  }
0x20: {  	[sflag:s8] =	ssyncset.s32 @!p0 $0xFFFFF086;
	s6 =	sadd.s32 @!p0 s3, s7;
	s7 =	simm.s32 @!p0 $0x108  }
0x21: {  	s3 =	sadd.s32 s3, s9;
	s6 =	sadd.s32 @!p0 $0x88, s6;
	s7 =	simm.s32 @p2 $0x1082  }
0x22: {  	[simem:s7], [sflag:s8] =	dma.local @!p0 [hbm:s6], $0xF7A  }
0x23: {  	s9 =	sor.u32 $0xD0000000, s2;
	s6 =	simm.s32 $0x108;
	_ =	swait.ge @!p0 [sflag:s8], $0x0  }
0x24: {  	s3 =	sadd.s32 $0x88, s3;
	s6 =	simm.s32 @!p1 $0x1082;
	[sflag:s4] =	ssyncset.s32 $0xFFFFF086  }
0x25: {  	[simem:s6], [sflag:s4] =	dma.local [hbm:s3], $0xF7A  }
0x26: {  	[smem:$0x3F96] =	sst s1;
	(tag) =	ssettag s2;
	_ =	strace s9  }
0x27: {  	s1 =	sld [smem:$0x3FA6]  }
0x28: {  	s2 =	sld [smem:$0x3FA7]  }
0x29: {  	s4 =	sld [smem:$0x3FA9]  }
0x2a: {  	p0 =	seq.s32 s5, $0x0;
	s5 =	sld [smem:$0x3FAA]  }
0x2b: {  	s6 =	sld [smem:$0x3FAB]  }
0x2c: {  	s7 =	sld [smem:$0x3FAC]  }
0x2d: {  	s3 =	simm.s32 $0x108;
	s8 =	sld [smem:$0x3FAD]  }
0x2e: {  	s3 =	simm.s32 @!p0 $0x1082;
	s9 =	sld [smem:$0x3FAE]  }
0x2f: {  	lr =	sadd.s32 s0, s3;
	s0 =	sld [smem:$0x3FA5]  }
0x30: {  	s3 =	sld [smem:$0x3FA8]  }
0x31: {  	[smem:$0x3FB1] =	sst s10  }
0x32: {  	s10 =	sld [smem:$0x3FAF];
	_ =	sdelay $0x3  }
0x33: {  	p0 =	seq.s32 s10, $0x1;
	s10 =	sld [smem:$0x3FB1];
	_ =	sdelay $0x3  }
0x34: {  	[smem:$0x3FB1] =	sst s10  }
0x35: {  	s10 =	sld [smem:$0x3FB0];
	_ =	sdelay $0x3  }
0x36: {  	p1 =	seq.s32 s10, $0x1;
	s10 =	sld [smem:$0x3FB1];
	_ =	sdelay $0x3  }
0x37: {  	[smem:$0x3FB1] =	sst s10  }
0x38: {  	s10 =	sld [smem:$0x3FB2]  }
0x39: {  	_ = 	snop;
	(pc) =	sbr.ind lr, $3  }
0x3a: {  	_ = 	snop  }
0x3b: {  	_ = 	snop  }
0x3c: {  	p2 =	seq.s32 s10, $0x1;
	s10 =	sld [smem:$0x3FB1]  }
0x3d: {  	_ =	shalt  }
0x3e: {  	_ =	shalt  }
0x3f: {  	_ =	shalt  }
0x40: {  	_ =	shalt  }
0x41: {  	_ =	shalt  }
0x42: {  	_ =	shalt  }
0x43: {  	_ =	shalt  }
0x44: {  	_ =	shalt  }
0x45: {  	_ =	shalt  }
0x46: {  	_ =	shalt  }
0x47: {  	_ =	shalt  }
0x48: {  	_ =	shalt  }
0x49: {  	_ =	shalt  }
0x4a: {  	_ =	shalt  }
0x4b: {  	_ =	shalt  }
0x4c: {  	_ =	shalt  }
0x4d: {  	_ =	shalt  }
0x4e: {  	_ =	shalt  }
0x4f: {  	_ =	shalt  }
0x50: {  	_ =	shalt  }
0x51: {  	_ =	shalt  }
0x52: {  	_ =	shalt  }
0x53: {  	_ =	shalt  }
0x54: {  	_ =	shalt  }
0x55: {  	_ =	shalt  }
0x56: {  	_ =	shalt  }
0x57: {  	_ =	shalt  }
0x58: {  	_ =	shalt  }
0x59: {  	_ =	shalt  }
0x5a: {  	_ =	shalt  }
0x5b: {  	_ =	shalt  }
0x5c: {  	_ =	shalt  }
0x5d: {  	_ =	shalt  }
0x5e: {  	_ =	shalt  }
0x5f: {  	_ =	shalt  }
0x60: {  	_ =	shalt  }
0x61: {  	_ =	shalt  }
0x62: {  	_ =	shalt  }
0x63: {  	_ =	shalt  }
0x64: {  	_ =	shalt  }
0x65: {  	_ =	shalt  }
0x66: {  	_ =	shalt  }
0x67: {  	_ =	shalt  }
0x68: {  	_ =	shalt  }
0x69: {  	_ =	shalt  }
0x6a: {  	_ =	shalt  }
0x6b: {  	_ =	shalt  }
0x6c: {  	_ =	shalt  }
0x6d: {  	_ =	shalt  }
0x6e: {  	_ =	shalt  }
0x6f: {  	_ =	shalt  }
0x70: {  	_ =	shalt  }
0x71: {  	_ =	shalt  }
0x72: {  	_ =	shalt  }
0x73: {  	_ =	shalt  }
0x74: {  	_ =	shalt  }
0x75: {  	_ =	shalt  }
0x76: {  	_ =	shalt  }
0x77: {  	_ =	shalt  }
0x78: {  	_ =	shalt  }
0x79: {  	_ =	shalt  }
0x7a: {  	_ =	shalt  }
0x7b: {  	_ =	shalt  }
0x7c: {  	_ =	shalt  }
0x7d: {  	_ =	shalt  }
0x7e: {  	_ =	shalt  }
0x7f: {  	_ =	shalt  }
0x80: {  	_ =	shalt  }
0x81: {  	_ =	shalt  }
0x82: {  	_ =	shalt  }
0x83: {  	_ =	shalt  }
0x84: {  	_ =	shalt  }
0x85: {  	_ =	shalt  }
0x86: {  	_ =	shalt  }
0x87: {  	_ =	shalt  }
.Lfunc_end0:
.L_simem_size_0:
called_computation.1_lowered:
.L_overlay_start_0:
0x88: {  	s2 =	sld [smem:$0x3FD9]  }
0x89: {  	s3 =	sld [smem:$0x3FFE];
	_ =	sdelay $0x1  }
0x8a: {  	s1 =	srdreg.scid  }
0x8b: {  	s0 =	sand.u32 $0x1, s1  }
0x8c: {  	s16 =	sshll.u32 s0, $0xA;
	s2 =	sadd.s32 s3, s2  }
0x8d: {  	s2 =	sadd.s32 s2, s16  }
0x8e: {  	[smem:$0x3FBD] =	sst s2  }
0x8f: {  	_ = 	snop  }
0x90: {  	(tm) =	ssettm $0x1  }
0x91: {  	s17 =	sld [smem:$0x3FFB];
	_ =	sdelay $0x3  }
0x92: {  	_ =	strace s17  }
0x93: {  	s2 =	sld [smem:$0x3FFC];
	_ =	sdelay $0x3  }
0x94: {  	_ =	strace s2  }
0x95: {  	s2 =	sld [smem:$0x3FFD];
	_ =	sdelay $0x3  }
0x96: {  	_ =	strace s2  }
0x97: {  	_ =	strace $0x8FFFFFFF  }
0x98: {  	s18 =	sld [smem:$0x3FDB];
	_ =	sdelay $0x1  }
0x99: {  	s19 =	simm.s32 $_scs_section_size  }
0x9a: {  	s4 =	simm.s32 $_size__tile_overlayer_lowered;
	s5 =	simm.s32 $_tile_overlayer_lowered  }
0x9b: {  	s22 =	simm.s32 $0x1BFF;
	s21 =	sshll.u32 s5, $0x1;
	s2 =	sadd.s32 s19, s18  }
0x9c: {  	s6 =	simm.s32 $0x0;
	s20 =	sshll.u32 s4, $0x1;
	s4 =	sadd.s32 s21, s2  }
0x9d: {  	[timem:s6], [sflag:s22] =	dma.local [hbm:s4], s20  }
0x9e: {  	_ =	swait.ge [sflag:s22], s20  }
0x9f: {  	s3 =	ssub.s32 $0x0, s20;
	[sflag:s22] =	ssyncset.done $0x0  }
0xa0: {  	[sflag:s22] =	ssyncadd.s32 s3;
	_ =	sdelay $0x1  }
0xa1: {  	s23 =	simm.s32 $0x1B8B  }
0xa2: {  	_ =	swait.ge [sflag:s23], $0x1  }
0xa3: {  	[sflag:s23] =	ssyncset.done $0x0  }
0xa4: {  	s25 =	simm.s32 $0x1B8E;
	s24 =	sld [smem:$0x3FFE];
	[sflag:s23] =	ssyncadd.s32 $0xFFFFFFFF  }
0xa5: {  	s26 =	simm.s32 $execute0_lowered;
	[smem:$0x3FD2] =	sst s25  }
0xa6: {  	s4 =	sshll.u32 s26, $0x1;
	_ =	strace $0x80000049;
	[dreg:$0x1] =	wrdreg $0xFFFFFFFF  }
0xa7: {  	s28 =	simm.s32 $_size_execute0_lowered;
	s2 =	sadd.s32 s2, s4;
	[dreg:$0x0] =	wrdreg $0x0  }
0xa8: {  	s4 =	sshll.u32 s28, $0x1;
	[dreg:$0x2] =	wrdreg s2  }
0xa9: {  	[dreg:$0x3] =	wrdreg s4  }
0xaa: {  	[dreg:$0x4] =	wrdreg $0xC0  }
0xab: {  	_ =	task [dreg:s6], $0x5FFFF  }
0xac: {  	[dreg:$0x1] =	wrdreg $0xFFFFFFFF  }
0xad: {  	[dreg:$0x0] =	wrdreg $0x60  }
0xae: {  	[dreg:$0x2] =	wrdreg s24  }
0xaf: {  	[dreg:$0x3] =	wrdreg $0x0  }
0xb0: {  	[dreg:$0x4] =	wrdreg $0x9  }
0xb1: {  	_ =	task.clear_ibuf [dreg:s6], $0x5FFFF;
	_ =	strace $0x90000049  }
0xb2: {  	s29 =	simm.s32 $0x9;
	_ =	strace $0x8000004B  }
0xb3: {  	_ =	swait.ge [sflag:s29], $0x1  }
0xb4: {  	[sflag:s29] =	ssyncadd.s32 $0xFFFFFFFF  }
0xb5: {  	_ =	strace $0x9000004B  }
0xb6: {  	_ =	sfence  }
0xb7: {  	s30 =	sld [smem:$0x0];
	_ =	sdelay $0x2  }
0xb8: {  	s31 =	sshll.u32 s1, $0xD;
	s1 =	sshrl.u32 s1, $0x2  }
0xb9: {  	s3 =	sand.u32 $0x4000, s31;
	s1 =	sadd.s32 s1, s30  }
0xba: {  	s0 =	sor.u32 s3, s0;
	s1 =	sshll.u32 s1, $0x11  }
0xbb: {  	s0 =	sor.u32 s1, s0  }
0xbc: {  	s0 =	sadd.s32 $0x8F2B, s0  }
0xbd: {  	[sflag:s0] =	ssyncadd.remote.s32 $0x1  }
0xbe: {  	_ =	sfence.sel $0xFFFF  }
0xbf: {  	[dreg:$0x0] =	wrdreg $0xFFFFFFFF;
	(pc) =	sbr.abs _section_cstart, $3  }
0xc0: {  	[dreg:$0x1] =	wrdreg $0xFFFFFFFF  }
0xc1: {  	_ =	task.clear_ibuf [dreg:s6], $0x2FFFF;
	_ =	strace $0x9FFFFFFF  }
0xc2: {  	(tm) =	ssettm $0x7FFFFFFF  }
0xc3: {  	_ =	shalt  }
tec
execute0_lowered:
.L_overlay_start_1:
0x0: {  	(tag) =	ssettag $0x1  }
0x1: {  	s0 =	rddreg [dreg:$0x0]  }
0x2: {  	s1 =	rddreg [dreg:$0x1];
	s3 =	simm.s32 $0x0  }
0x3: {  	s2 =	srdreg.scid;
	s11 =	stileid.u32;
	s28 =	simm.s32 $0x14280  }
0x4: {  	s29 =	simm.s32 $0x19300;
	s30 =	simm.s32 $0x1;
	s31 =	simm.s32 $0x2  }
0x5: {  	[smem:$0x7FF] =	sst s3;
	s2 =	sand.u32 $0x1, s2;
	s8 =	smul.u32 $0x14000, s11  }
0x6: {  	s4 =	sadd.s32 $0x22E00, s0;
	s5 =	sadd.s32 $0x2E00, s0;
	s7 =	smul.u32 $0x140000, s2  }
0x7: {  	s9 =	smul.u32 $0x50000, s11;
	s6 =	sadd.s32 $0x12E00, s0;
	s18 =	ssub.s32 $0x2, s2  }
0x8: {  	s25 =	sshll.u32 s11, $0xF;
	s10 =	sshrl.u32 s18, $0x1;
	s7 =	sadd.s32 s8, s7  }
0x9: {  	s9 =	sshrl.u32 s9, $0x2;
	s8 =	ssub.s32 s18, s10;
	s7 =	sshrl.u32 s7, $0x3  }
0xa: {  	s26 =	smax.u32 s8, $0x1;
	s0 =	sadd.s32 s7, s0;
	s7 =	sadd.s32 s9, s1  }
0xb: {  	_ =	strace $0x8000004A;
	[dreg:$0xb] =	wrdreg s26;
	s9 =	sadd.s32 $0x2800, s7  }
0xc: {  	s2 =	sshll.u32 s2, $0xE;
	s19 =	sadd.s32 $0x5000, s7;
	[dreg:$0x3] =	wrdreg s9  }
0xd: {  	s15 =	sor.u32 s2, s25;
	s20 =	sadd.s32 $0x7800, s7;
	[dreg:$0x4] =	wrdreg s19  }
0xe: {  	s25 =	simm.s32 $0x16B00;
	s21 =	sadd.s32 $0xA000, s7;
	[dreg:$0x5] =	wrdreg s20  }
0xf: {  	s18 =	simm.s32 $0x14300;
	s22 =	sadd.s32 $0xC800, s7;
	[dreg:$0x6] =	wrdreg s21  }
0x10: {  	s10 =	simm.s32 $0x0;
	s23 =	sadd.s32 $0xF000, s7;
	[dreg:$0x7] =	wrdreg s22  }
0x11: {  	s8 =	simm.s32 $0x5;
	s24 =	sadd.s32 $0x11800, s7;
	[dreg:$0x8] =	wrdreg s23  }
0x12: {  	s26 =	simm.s32 $0x14100;
	s0 =	sadd.s32 $0x4AE00, s0;
	[dreg:$0x9] =	wrdreg s24  }
0x13: {  	[dreg:$0xa] =	wrdreg s0;
	s19 =	simm.s32 $0x7;
	s20 =	simm.s32 $0x14000  }
0x14: {  	s21 =	simm.s32 $0x14180;
	s22 =	simm.s32 $0x50;
	s23 =	simm.s32 $0x14080  }
0x15: {  	v0 =	vimm.f32 $0.0e+00;
	s24 =	simm.s32 $0x14200;
	s0 =	simm.s32 $0x3;
	s9 =	simm.s32 $0x6  }
.LBB2_1:
0x16: {  	s11 =	simm.s32 $0x0;
	s12 =	simm.s32 $0x200  }
.LBB2_2:
0x17: {  	p0 =	sne.s32 s12, $0x9E00;
	[tilespmem:s11+$0x14370] =	vst v0  }
0x18: {  	[tilespmem:s11+$0x14300] =	vst v0  }
0x19: {  	[tilespmem:s11+$0x14310] =	vst v0  }
.Ltmp0:
0x1a: {  	[tilespmem:s11+$0x14320] =	vst v0;
	(pc) =	sbr.rel @p0 .LBB2_2-.Ltmp0, $4  }
0x1b: {  	[tilespmem:s11+$0x14330] =	vst v0  }
0x1c: {  	[tilespmem:s11+$0x14340] =	vst v0  }
0x1d: {  	[tilespmem:s11+$0x14350] =	vst v0  }
0x1e: {  	[tilespmem:s11+$0x14360] =	vst v0;
	s11 =	sshra.s32 s12, $0x2;
	s12 =	sadd.s32 $0x200, s12  }
0x1f: {  	[tilespmem:s11+$0x14370] =	vst v0  }
0x20: {  	[tilespmem:s11+$0x14300] =	vst v0  }
0x21: {  	[tilespmem:s11+$0x14310] =	vst v0  }
0x22: {  	[tilespmem:s11+$0x14320] =	vst v0  }
0x23: {  	[tilespmem:s11+$0x14330] =	vst v0  }
0x24: {  	[tilespmem:s11+$0x14340] =	vst v0  }
0x25: {  	[tilespmem:s11+$0x14350] =	vst v0  }
0x26: {  	[tilespmem:s11+$0x14360] =	vst v0  }
0x27: {  	[spmem:s7] =	stream.linear.scatter [tilespmem:s18], [sflag:$0x7], $0x2800, $0x38;
	[tilespmem:$0x1BB00] =	vst v63  }
0x28: {  	_ =	swait.ge [sflag:s19], $0x2800  }
0x29: {  	[sflag:s19] =	ssyncset.done $0x0  }
0x2a: {  	s2 =	rddreg [dreg:$0x3];
	[sflag:s19] =	ssyncadd.s32 $0xFFFFD800  }
0x2b: {  	[spmem:s2] =	stream.linear.scatter [tilespmem:s18], [sflag:$0x7], $0x2800, $0x38;
	[tilespmem:$0x1BB00] =	vst v63  }
0x2c: {  	_ =	swait.ge [sflag:s19], $0x2800  }
0x2d: {  	[sflag:s19] =	ssyncset.done $0x0  }
0x2e: {  	s14 =	rddreg [dreg:$0x4];
	[sflag:s19] =	ssyncadd.s32 $0xFFFFD800  }
0x2f: {  	[spmem:s14] =	stream.linear.scatter [tilespmem:s18], [sflag:$0x7], $0x2800, $0x38;
	[tilespmem:$0x1BB00] =	vst v63  }
0x30: {  	_ =	swait.ge [sflag:s19], $0x2800  }
0x31: {  	[sflag:s19] =	ssyncset.done $0x0  }
0x32: {  	s16 =	rddreg [dreg:$0x5];
	[sflag:s19] =	ssyncadd.s32 $0xFFFFD800  }
0x33: {  	[spmem:s16] =	stream.linear.scatter [tilespmem:s18], [sflag:$0x7], $0x2800, $0x38;
	[tilespmem:$0x1BB00] =	vst v63  }
0x34: {  	_ =	swait.ge [sflag:s19], $0x2800  }
0x35: {  	[sflag:s19] =	ssyncset.done $0x0  }
0x36: {  	s17 =	rddreg [dreg:$0x6];
	[sflag:s19] =	ssyncadd.s32 $0xFFFFD800  }
0x37: {  	[spmem:s17] =	stream.linear.scatter [tilespmem:s18], [sflag:$0x7], $0x2800, $0x38;
	[tilespmem:$0x1BB00] =	vst v63  }
0x38: {  	_ =	swait.ge [sflag:s19], $0x2800  }
0x39: {  	[sflag:s19] =	ssyncset.done $0x0  }
0x3a: {  	s11 =	rddreg [dreg:$0x7];
	[sflag:s19] =	ssyncadd.s32 $0xFFFFD800  }
0x3b: {  	[spmem:s11] =	stream.linear.scatter [tilespmem:s18], [sflag:$0x7], $0x2800, $0x38;
	[tilespmem:$0x1BB00] =	vst v63  }
0x3c: {  	_ =	swait.ge [sflag:s19], $0x2800  }
0x3d: {  	[sflag:s19] =	ssyncset.done $0x0  }
0x3e: {  	s12 =	rddreg [dreg:$0x8];
	[sflag:s19] =	ssyncadd.s32 $0xFFFFD800  }
0x3f: {  	[spmem:s12] =	stream.linear.scatter [tilespmem:s18], [sflag:$0x7], $0x2800, $0x38;
	[tilespmem:$0x1BB00] =	vst v63  }
0x40: {  	_ =	swait.ge [sflag:s19], $0x2800  }
0x41: {  	[sflag:s19] =	ssyncset.done $0x0  }
0x42: {  	s13 =	rddreg [dreg:$0x9];
	[sflag:s19] =	ssyncadd.s32 $0xFFFFD800  }
0x43: {  	[spmem:s13] =	stream.linear.scatter [tilespmem:s18], [sflag:$0x7], $0x2800, $0x38;
	[tilespmem:$0x1BB00] =	vst v63  }
0x44: {  	_ =	swait.ge [sflag:s19], $0x2800  }
0x45: {  	p0 =	por $0x1, $0x1;
	s14 =	simm.s32 $0x0;
	[sflag:s19] =	ssyncset.done $0x0  }
0x46: {  	s11 =	sand.u32 $0x380, s14;
	s12 =	sand.u32 $0x7C00, s14;
	[sflag:s19] =	ssyncadd.s32 $0xFFFFD800  }
0x47: {  	s12 =	sadd.s32 s15, s12;
	s13 =	simm.s32 @!p0 $0x4;
	[bflag:$0x0] =	sbarrier.arrive $0xFFFF  }
0x48: {  	s11 =	sor.u32 s11, s12;
	_ =	swait.ge @!p0 [sflag:s13], $0x2800  }
0x49: {  	s11 =	sshrl.u32 s11, $0x3;
	[sflag:s13] =	ssyncset.done @!p0 $0x0  }
0x4a: {  	s16 =	sadd.s32 s5, s11;
	[sflag:s13] =	ssyncadd.s32 @!p0 $0xFFFFD800  }
0x4b: {  	[tilespmem:s20], [sflag:$0x7] =	stream.linear.gather [hbm4b:s16+s3], $0x80, $0x38;
	[tilespmem:$0x1BB00] =	vst v63  }
0x4c: {  	_ =	swait.ge [sflag:s19], $0x80  }
0x4d: {  	[sflag:s19] =	ssyncset.done $0x0  }
0x4e: {  	s11 =	sadd.s32 s6, s11;
	[sflag:s19] =	ssyncadd.s32 $0xFFFFFF80  }
0x4f: {  	[tilespmem:s21], [sflag:$0x7] =	stream.linear.gather [hbm4b:s11+s3], $0x80, $0x38;
	[tilespmem:$0x1BB00] =	vst v63  }
0x50: {  	s17 =	simm.s32 $0x80;
	_ =	swait.ge [sflag:s19], $0x80  }
0x51: {  	s2 =	sand.u32 $0xFC00, s17;
	s12 =	sand.u32 $0x380, s17;
	[sflag:s19] =	ssyncset.done $0x0  }
0x52: {  	s13 =	simm.s32 @!p0 $0x5;
	s11 =	sadd.s32 s15, s2;
	[sflag:s19] =	ssyncadd.s32 $0xFFFFFF80  }
0x53: {  	[tilespmem:s18], [sflag:$0x1] =	stream.indirect.gather [hbm4b:s4+s22], $0x80, s20, s22, $0xb8;
	[tilespmem:$0x1BB00] =	vst v63  }
0x54: {  	s11 =	sor.u32 s12, s11;
	_ =	swait.ge @!p0 [sflag:s13], $0x2800  }
0x55: {  	s11 =	sshrl.u32 s11, $0x3;
	[sflag:s13] =	ssyncset.done @!p0 $0x0  }
0x56: {  	[sflag:s13] =	ssyncadd.s32 @!p0 $0xFFFFD800;
	s13 =	sadd.s32 s5, s11  }
0x57: {  	[tilespmem:s23], [sflag:$0x7] =	stream.linear.gather [hbm4b:s13+s3], $0x80, $0x38;
	[tilespmem:$0x1BB00] =	vst v63  }
0x58: {  	_ =	swait.ge [sflag:s19], $0x80  }
0x59: {  	[sflag:s19] =	ssyncset.done $0x0  }
0x5a: {  	s14 =	simm.s32 $0x100;
	s11 =	sadd.s32 s6, s11;
	[sflag:s19] =	ssyncadd.s32 $0xFFFFFF80  }
0x5b: {  	[tilespmem:s24], [sflag:$0x7] =	stream.linear.gather [hbm4b:s11+s3], $0x80, $0x38;
	[tilespmem:$0x1BB00] =	vst v63  }
0x5c: {  	s16 =	sand.u32 $0xFC00, s14;
	_ =	swait.ge [sflag:s19], $0x80  }
0x5d: {  	s12 =	sadd.s32 s15, s16;
	[sflag:s19] =	ssyncset.done $0x0  }
0x5e: {  	s13 =	simm.s32 @!p0 $0x6;
	s11 =	sand.u32 $0x380, s14;
	[sflag:s19] =	ssyncadd.s32 $0xFFFFFF80  }
0x5f: {  	[tilespmem:s25], [sflag:$0x2] =	stream.indirect.gather [hbm4b:s4+s22], $0x80, s23, s22, $0xb8;
	[tilespmem:$0x1BB00] =	vst v63  }
0x60: {  	s11 =	sor.u32 s11, s12;
	_ =	swait.ge @!p0 [sflag:s13], $0x2800  }
0x61: {  	s11 =	sshrl.u32 s11, $0x3;
	[sflag:s13] =	ssyncset.done @!p0 $0x0  }
0x62: {  	s17 =	sadd.s32 s5, s11;
	[sflag:s13] =	ssyncadd.s32 @!p0 $0xFFFFD800  }
0x63: {  	[tilespmem:s26], [sflag:$0x7] =	stream.linear.gather [hbm4b:s17+s3], $0x80, $0x38;
	[tilespmem:$0x1BB00] =	vst v63  }
0x64: {  	_ =	swait.ge [sflag:s19], $0x80  }
0x65: {  	[sflag:s19] =	ssyncset.done $0x0  }
0x66: {  	s11 =	sadd.s32 s6, s11;
	[sflag:s19] =	ssyncadd.s32 $0xFFFFFF80  }
0x67: {  	[tilespmem:s28], [sflag:$0x7] =	stream.linear.gather [hbm4b:s11+s3], $0x80, $0x38;
	[tilespmem:$0x1BB00] =	vst v63  }
0x68: {  	_ =	swait.ge [sflag:s19], $0x80  }
0x69: {  	[sflag:s19] =	ssyncset.done $0x0  }
0x6a: {  	[sflag:s19] =	ssyncadd.s32 $0xFFFFFF80  }
0x6b: {  	[tilespmem:s29], [sflag:$0x3] =	stream.indirect.gather [hbm4b:s4+s22], $0x80, s26, s22, $0xb8;
	[tilespmem:$0x1BB00] =	vst v63  }
0x6c: {  	_ =	swait.ge [sflag:s30], $0x2800  }
0x6d: {  	[sflag:s30] =	ssyncset.done $0x0  }
0x6e: {  	[sflag:s30] =	ssyncadd.s32 $0xFFFFD800  }
0x6f: {  	[spmem:s1] =	stream.indirect.scatter.add.f32 [tilespmem:s18], [sflag:$0x4], $0x80, s21, s22, $0xb8;
	[tilespmem:$0x1BB00] =	vst v63  }
0x70: {  	_ =	swait.ge [sflag:s31], $0x2800  }
0x71: {  	s12 =	simm.s32 $0x300;
	s11 =	simm.s32 $0x180;
	[sflag:s31] =	ssyncset.done $0x0  }
0x72: {  	p0 =	por $0x0, $0x0;
	s13 =	sand.u32 $0x7C00, s11;
	[sflag:s31] =	ssyncadd.s32 $0xFFFFD800  }
.LBB2_4:
0x73: {  	[spmem:s1] =	stream.indirect.scatter.add.f32 [tilespmem:s25], [sflag:$0x5], $0x80, s24, s22, $0xb8;
	[tilespmem:$0x1BB00] =	vst v63  }
0x74: {  	s14 =	smov.u32 s12  }
0x75: {  	s13 =	sadd.s32 s15, s13;
	s16 =	sand.u32 $0x380, s11;
	_ =	swait.ge [sflag:s0], $0x2800  }
0x76: {  	s12 =	sadd.s32 $0x180, s12;
	s13 =	sor.u32 s16, s13;
	[sflag:s0] =	ssyncset.done $0x0  }
0x77: {  	s16 =	simm.s32 @!p0 $0x4;
	s17 =	sshrl.u32 s13, $0x3;
	[sflag:s0] =	ssyncadd.s32 $0xFFFFD800  }
0x78: {  	[spmem:s1] =	stream.indirect.scatter.add.f32 [tilespmem:s29], [sflag:$0x6], $0x80, s28, s22, $0xb8;
	[tilespmem:$0x1BB00] =	vst v63  }
0x79: {  	p1 =	sne.s32 s12, $0x3F00;
	s13 =	sand.u32 $0x7C00, s14;
	_ =	swait.ge @!p0 [sflag:s16], $0x2800  }
0x7a: {  	[sflag:s16] =	ssyncset.done @!p0 $0x0  }
0x7b: {  	[sflag:s16] =	ssyncadd.s32 @!p0 $0xFFFFD800;
	s16 =	sadd.s32 s5, s17  }
0x7c: {  	[tilespmem:s20], [sflag:$0x7] =	stream.linear.gather [hbm4b:s16+s3], $0x80, $0x38;
	[tilespmem:$0x1BB00] =	vst v63  }
0x7d: {  	_ =	swait.ge [sflag:s19], $0x80  }
0x7e: {  	[sflag:s19] =	ssyncset.done $0x0  }
0x7f: {  	s16 =	sadd.s32 s6, s17;
	s17 =	sadd.s32 $0x80, s11;
	[sflag:s19] =	ssyncadd.s32 $0xFFFFFF80  }
0x80: {  	[tilespmem:s21], [sflag:$0x7] =	stream.linear.gather [hbm4b:s16+s3], $0x80, $0x38;
	[tilespmem:$0x1BB00] =	vst v63  }
0x81: {  	s16 =	sand.u32 $0xFC00, s17;
	_ =	swait.ge [sflag:s19], $0x80  }
0x82: {  	s17 =	sand.u32 $0x380, s17;
	s16 =	sadd.s32 s15, s16;
	[sflag:s19] =	ssyncset.done $0x0  }
0x83: {  	s2 =	simm.s32 @!p0 $0x5;
	s16 =	sor.u32 s17, s16;
	[sflag:s19] =	ssyncadd.s32 $0xFFFFFF80  }
0x84: {  	[tilespmem:s18], [sflag:$0x1] =	stream.indirect.gather [hbm4b:s4+s22], $0x80, s20, s22, $0xb8;
	[tilespmem:$0x1BB00] =	vst v63  }
0x85: {  	s16 =	sshrl.u32 s16, $0x3;
	_ =	swait.ge @!p0 [sflag:s2], $0x2800  }
0x86: {  	[sflag:s2] =	ssyncset.done @!p0 $0x0  }
0x87: {  	[sflag:s2] =	ssyncadd.s32 @!p0 $0xFFFFD800;
	s2 =	sadd.s32 s5, s16  }
0x88: {  	[tilespmem:s23], [sflag:$0x7] =	stream.linear.gather [hbm4b:s2+s3], $0x80, $0x38;
	[tilespmem:$0x1BB00] =	vst v63  }
0x89: {  	_ =	swait.ge [sflag:s19], $0x80  }
0x8a: {  	[sflag:s19] =	ssyncset.done $0x0  }
0x8b: {  	s2 =	sadd.s32 s6, s16;
	[sflag:s19] =	ssyncadd.s32 $0xFFFFFF80  }
0x8c: {  	[tilespmem:s24], [sflag:$0x7] =	stream.linear.gather [hbm4b:s2+s3], $0x80, $0x38;
	[tilespmem:$0x1BB00] =	vst v63  }
0x8d: {  	_ =	swait.ge [sflag:s19], $0x80  }
0x8e: {  	s2 =	sadd.s32 $0x100, s11;
	s11 =	smov.u32 s14;
	[sflag:s19] =	ssyncset.done $0x0  }
0x8f: {  	s14 =	simm.s32 @!p0 $0x6;
	s16 =	sand.u32 $0xFC00, s2;
	[sflag:s19] =	ssyncadd.s32 $0xFFFFFF80  }
0x90: {  	[tilespmem:s25], [sflag:$0x2] =	stream.indirect.gather [hbm4b:s4+s22], $0x80, s23, s22, $0xb8;
	[tilespmem:$0x1BB00] =	vst v63  }
0x91: {  	s2 =	sand.u32 $0x380, s2;
	s16 =	sadd.s32 s15, s16;
	_ =	swait.ge @!p0 [sflag:s14], $0x2800  }
0x92: {  	s2 =	sor.u32 s2, s16;
	[sflag:s14] =	ssyncset.done @!p0 $0x0  }
0x93: {  	s2 =	sshrl.u32 s2, $0x3;
	[sflag:s14] =	ssyncadd.s32 @!p0 $0xFFFFD800  }
0x94: {  	s14 =	sadd.s32 s5, s2  }
0x95: {  	[tilespmem:s26], [sflag:$0x7] =	stream.linear.gather [hbm4b:s14+s3], $0x80, $0x38;
	[tilespmem:$0x1BB00] =	vst v63  }
0x96: {  	_ =	swait.ge [sflag:s19], $0x80  }
0x97: {  	[sflag:s19] =	ssyncset.done $0x0  }
0x98: {  	s2 =	sadd.s32 s6, s2;
	[sflag:s19] =	ssyncadd.s32 $0xFFFFFF80  }
0x99: {  	[tilespmem:s28], [sflag:$0x7] =	stream.linear.gather [hbm4b:s2+s3], $0x80, $0x38;
	[tilespmem:$0x1BB00] =	vst v63  }
0x9a: {  	_ =	swait.ge [sflag:s19], $0x80  }
0x9b: {  	[sflag:s19] =	ssyncset.done $0x0  }
0x9c: {  	[sflag:s19] =	ssyncadd.s32 $0xFFFFFF80  }
0x9d: {  	[tilespmem:s29], [sflag:$0x3] =	stream.indirect.gather [hbm4b:s4+s22], $0x80, s26, s22, $0xb8;
	[tilespmem:$0x1BB00] =	vst v63  }
0x9e: {  	_ =	swait.ge [sflag:s30], $0x2800  }
0x9f: {  	[sflag:s30] =	ssyncset.done $0x0  }
.Ltmp1:
0xa0: {  	[sflag:s30] =	ssyncadd.s32 $0xFFFFD800;
	(pc) =	sbr.rel @p1 .LBB2_4-.Ltmp1, $4  }
0xa1: {  	[spmem:s1] =	stream.indirect.scatter.add.f32 [tilespmem:s18], [sflag:$0x4], $0x80, s21, s22, $0xb8;
	[tilespmem:$0x1BB00] =	vst v63  }
0xa2: {  	_ =	swait.ge [sflag:s31], $0x2800  }
0xa3: {  	p0 =	seq.s32 s11, $0x0;
	[sflag:s31] =	ssyncset.done $0x0  }
0xa4: {  	[sflag:s31] =	ssyncadd.s32 $0xFFFFD800  }
0xa5: {  	[spmem:s1] =	stream.indirect.scatter.add.f32 [tilespmem:s25], [sflag:$0x5], $0x80, s24, s22, $0xb8;
	[tilespmem:$0x1BB00] =	vst v63  }
0xa6: {  	_ =	swait.ge [sflag:s0], $0x2800  }
0xa7: {  	s2 =	sadd.s32 s15, s13;
	[sflag:s0] =	ssyncset.done $0x0  }
0xa8: {  	s12 =	sand.u32 $0x380, s11;
	s13 =	simm.s32 @!p0 $0x4;
	[sflag:s0] =	ssyncadd.s32 $0xFFFFD800  }
0xa9: {  	[spmem:s1] =	stream.indirect.scatter.add.f32 [tilespmem:s29], [sflag:$0x6], $0x80, s28, s22, $0xb8;
	[tilespmem:$0x1BB00] =	vst v63  }
0xaa: {  	s2 =	sor.u32 s12, s2;
	_ =	swait.ge @!p0 [sflag:s13], $0x2800  }
0xab: {  	s2 =	sshrl.u32 s2, $0x3;
	[sflag:s13] =	ssyncset.done @!p0 $0x0  }
0xac: {  	s16 =	sadd.s32 s5, s2;
	[sflag:s13] =	ssyncadd.s32 @!p0 $0xFFFFD800  }
0xad: {  	[tilespmem:s20], [sflag:$0x7] =	stream.linear.gather [hbm4b:s16+s3], $0x80, $0x38;
	[tilespmem:$0x1BB00] =	vst v63  }
0xae: {  	_ =	swait.ge [sflag:s19], $0x80  }
0xaf: {  	[sflag:s19] =	ssyncset.done $0x0  }
0xb0: {  	s2 =	sadd.s32 s6, s2;
	[sflag:s19] =	ssyncadd.s32 $0xFFFFFF80  }
0xb1: {  	[tilespmem:s21], [sflag:$0x7] =	stream.linear.gather [hbm4b:s2+s3], $0x80, $0x38;
	[tilespmem:$0x1BB00] =	vst v63  }
0xb2: {  	s17 =	sadd.s32 $0x80, s11;
	_ =	swait.ge [sflag:s19], $0x80  }
0xb3: {  	s12 =	sand.u32 $0x380, s17;
	s13 =	sand.u32 $0xFC00, s17;
	[sflag:s19] =	ssyncset.done $0x0  }
0xb4: {  	s2 =	sadd.s32 s15, s13;
	s13 =	simm.s32 @!p0 $0x5;
	[sflag:s19] =	ssyncadd.s32 $0xFFFFFF80  }
0xb5: {  	[tilespmem:s18], [sflag:$0x1] =	stream.indirect.gather [hbm4b:s4+s22], $0x80, s20, s22, $0xb8;
	[tilespmem:$0x1BB00] =	vst v63  }
0xb6: {  	s2 =	sor.u32 s12, s2;
	_ =	swait.ge @!p0 [sflag:s13], $0x2800  }
0xb7: {  	s2 =	sshrl.u32 s2, $0x3;
	[sflag:s13] =	ssyncset.done @!p0 $0x0  }
0xb8: {  	s14 =	sadd.s32 s5, s2;
	[sflag:s13] =	ssyncadd.s32 @!p0 $0xFFFFD800  }
0xb9: {  	[tilespmem:s23], [sflag:$0x7] =	stream.linear.gather [hbm4b:s14+s3], $0x80, $0x38;
	[tilespmem:$0x1BB00] =	vst v63  }
0xba: {  	_ =	swait.ge [sflag:s19], $0x80  }
0xbb: {  	[sflag:s19] =	ssyncset.done $0x0  }
0xbc: {  	s16 =	sadd.s32 $0x100, s11;
	s2 =	sadd.s32 s6, s2;
	[sflag:s19] =	ssyncadd.s32 $0xFFFFFF80  }
0xbd: {  	[tilespmem:s24], [sflag:$0x7] =	stream.linear.gather [hbm4b:s2+s3], $0x80, $0x38;
	[tilespmem:$0x1BB00] =	vst v63  }
0xbe: {  	s11 =	sand.u32 $0xFC00, s16;
	_ =	swait.ge [sflag:s19], $0x80  }
0xbf: {  	s11 =	sadd.s32 s15, s11;
	[sflag:s19] =	ssyncset.done $0x0  }
0xc0: {  	s12 =	simm.s32 @!p0 $0x6;
	s2 =	sand.u32 $0x380, s16;
	[sflag:s19] =	ssyncadd.s32 $0xFFFFFF80  }
0xc1: {  	[tilespmem:s25], [sflag:$0x2] =	stream.indirect.gather [hbm4b:s4+s22], $0x80, s23, s22, $0xb8;
	[tilespmem:$0x1BB00] =	vst v63  }
0xc2: {  	s2 =	sor.u32 s2, s11;
	_ =	swait.ge @!p0 [sflag:s12], $0x2800  }
0xc3: {  	s2 =	sshrl.u32 s2, $0x3;
	[sflag:s12] =	ssyncset.done @!p0 $0x0  }
0xc4: {  	s17 =	sadd.s32 s5, s2;
	[sflag:s12] =	ssyncadd.s32 @!p0 $0xFFFFD800  }
0xc5: {  	[tilespmem:s26], [sflag:$0x7] =	stream.linear.gather [hbm4b:s17+s3], $0x80, $0x38;
	[tilespmem:$0x1BB00] =	vst v63  }
0xc6: {  	_ =	swait.ge [sflag:s19], $0x80  }
0xc7: {  	[sflag:s19] =	ssyncset.done $0x0  }
0xc8: {  	s2 =	sadd.s32 s6, s2;
	[sflag:s19] =	ssyncadd.s32 $0xFFFFFF80  }
0xc9: {  	[tilespmem:s28], [sflag:$0x7] =	stream.linear.gather [hbm4b:s2+s3], $0x80, $0x38;
	[tilespmem:$0x1BB00] =	vst v63  }
0xca: {  	_ =	swait.ge [sflag:s19], $0x80  }
0xcb: {  	[sflag:s19] =	ssyncset.done $0x0  }
0xcc: {  	[sflag:s19] =	ssyncadd.s32 $0xFFFFFF80  }
0xcd: {  	[tilespmem:s29], [sflag:$0x3] =	stream.indirect.gather [hbm4b:s4+s22], $0x80, s26, s22, $0xb8;
	[tilespmem:$0x1BB00] =	vst v63  }
0xce: {  	_ =	swait.ge [sflag:s30], $0x2800  }
0xcf: {  	[sflag:s30] =	ssyncset.done $0x0  }
0xd0: {  	[sflag:s30] =	ssyncadd.s32 $0xFFFFD800  }
0xd1: {  	[spmem:s1] =	stream.indirect.scatter.add.f32 [tilespmem:s18], [sflag:$0x4], $0x80, s21, s22, $0xb8;
	[tilespmem:$0x1BB00] =	vst v63  }
0xd2: {  	_ =	swait.ge [sflag:s31], $0x2800  }
0xd3: {  	[sflag:s31] =	ssyncset.done $0x0  }
0xd4: {  	[sflag:s31] =	ssyncadd.s32 $0xFFFFD800  }
0xd5: {  	[spmem:s1] =	stream.indirect.scatter.add.f32 [tilespmem:s25], [sflag:$0x5], $0x80, s24, s22, $0xb8;
	[tilespmem:$0x1BB00] =	vst v63  }
0xd6: {  	_ =	swait.ge [sflag:s0], $0x2800  }
0xd7: {  	[sflag:s0] =	ssyncset.done $0x0  }
0xd8: {  	s12 =	simm.s32 $0x4;
	[sflag:s0] =	ssyncadd.s32 $0xFFFFD800  }
0xd9: {  	[spmem:s1] =	stream.indirect.scatter.add.f32 [tilespmem:s29], [sflag:$0x6], $0x80, s28, s22, $0xb8;
	[tilespmem:$0x1BB00] =	vst v63  }
0xda: {  	_ =	swait.ge [sflag:s12], $0x2800  }
0xdb: {  	[sflag:s12] =	ssyncset.done $0x0  }
0xdc: {  	[sflag:s12] =	ssyncadd.s32 $0xFFFFD800  }
0xdd: {  	_ =	swait.ge [sflag:s8], $0x2800  }
0xde: {  	[sflag:s8] =	ssyncset.done $0x0  }
0xdf: {  	[sflag:s8] =	ssyncadd.s32 $0xFFFFD800  }
0xe0: {  	_ =	swait.ge [sflag:s9], $0x2800  }
0xe1: {  	[sflag:s9] =	ssyncset.done $0x0  }
0xe2: {  	s13 =	stileid.u32;
	[sflag:s9] =	ssyncadd.s32 $0xFFFFD800  }
0xe3: {  	s2 =	sshll.u32 s13, $0x6;
	[bflag:$0x0] =	sbarrier.arrive $0xFFFF  }
0xe4: {  	s14 =	sshrl.u32 s7, $0x3;
	s2 =	sor.u32 $0x1C07, s2;
	s16 =	rddreg [dreg:$0xa]  }
0xe5: {  	[hbm:s16], [sflag:s2] =	dma.local [spmem:s14], $0x2800  }
0xe6: {  	_ =	swait.ge [sflag:s19], $0x2800  }
0xe7: {  	s10 =	sadd.s32 $0x1, s10;
	s17 =	rddreg [dreg:$0xb]  }
0xe8: {  	p0 =	sne.s32 s10, s17  }
.Ltmp2:
0xe9: {  	_ = 	snop;
	(pc) =	sbr.rel @p0 .LBB2_1-.Ltmp2, $3  }
0xea: {  	_ =	sdelay $0x1  }
0xeb: {  	[sflag:s19] =	ssyncset.done $0x0  }
0xec: {  	[sflag:s19] =	ssyncadd.s32 $0xFFFFD800  }
0xed: {  	_ =	sfence.sel $0x180000  }
0xee: {  	[bflag:$0x0] =	sbarrier.arrive $0xFFFF  }
0xef: {  	_ =	strace $0x9000004A  }
0xf0: {  	s0 =	stileid.u32;
	[bflag:$0x2] =	sbarrier.arrive $0xFFFF  }
0xf1: {  	p0 =	sne.s32 s0, $0x0;
	s0 =	rddreg [dreg:$0x2]  }
0xf2: {  	s0 =	sadd.s32 @!p0 $0x100000, s0  }
0xf3: {  	[sflag:s0] =	ssyncadd.tile.s32 @!p0 $0x1;
	_ =	shalt  }
.Lfunc_end2:
_tile_overlayer_lowered:
.L_overlay_start_2:
0xf4: {  	(tag) =	ssettag $0x2  }
0xf5: {  	s0 =	rddreg [dreg:$0x0];
	s2 =	stileid.u32  }
0xf6: {  	s1 =	rddreg [dreg:$0x1];
	p0 =	sne.s32 s2, $0x0  }
0xf7: {  	s3 =	rddreg [dreg:$0x2];
	[bflag:$0x3] =	sbarrier.arrive $0xFFFF;
	s2 =	simm.s32 @!p0 $0x1C07  }
0xf8: {  	[timem:s3], [sflag:s2] =	dma.local @!p0 [hbm:s0], s1  }
0xf9: {  	s0 =	simm.s32 @!p0 $0x7  }
0xfa: {  	_ =	swait.ge @!p0 [sflag:s0], s1  }
0xfb: {  	s1 =	ssub.s32 @!p0 $0x0, s1;
	[sflag:s0] =	ssyncset.done @!p0 $0x0  }
0xfc: {  	[sflag:s0] =	ssyncadd.s32 @!p0 s1  }
0xfd: {  	[bflag:$0x3] =	sbarrier.arrive $0xFFFF  }
0xfe: {  	_ =	shalt  }

// kernel: kernel.13.cloned.1.call-start
scs
__scs_entry_jumppad:
0x0: {  	(pc) =	sbr.rel $0x88, $3  }
0x1: {  	(tag) =	ssettag $0x0;
	lr =	simm.s32 $0x1  }
0x2: {  	[smem:$0x3F96] =	sst lr;
	_ =	strace $0xD0000000  }
0x3: {  	_ = 	snop  }
0x4: {  	_ = 	snop  }
0x5: {  	_ = 	snop  }
0x6: {  	_ = 	snop  }
0x7: {  	_ = 	snop  }
__scs_overlays_trampoline_lowered:
0x8: {  	[smem:$0x3FA5] =	sst s0  }
0x9: {  	[smem:$0x3FA6] =	sst s1  }
0xa: {  	[smem:$0x3FA7] =	sst s2  }
0xb: {  	[smem:$0x3FA8] =	sst s3  }
0xc: {  	[smem:$0x3FA9] =	sst s4  }
0xd: {  	[smem:$0x3FAA] =	sst s5  }
0xe: {  	[smem:$0x3FAB] =	sst s6  }
0xf: {  	[smem:$0x3FAC] =	sst s7  }
0x10: {  	[smem:$0x3FAD] =	sst s8  }
0x11: {  	[smem:$0x3FAE] =	sst s9;
	s0 =	simm.s32 @!p0 $0x0  }
0x12: {  	s1 =	sld [smem:$0x3F94];
	s0 =	simm.s32 @p0 $0x1  }
0x13: {  	[smem:$0x3FAF] =	sst s0;
	s0 =	simm.s32 @!p1 $0x0  }
0x14: {  	s2 =	sld [smem:$0x3F93];
	s0 =	simm.s32 @p1 $0x1  }
0x15: {  	[smem:$0x3FB0] =	sst s0;
	s0 =	simm.s32 @!p2 $0x0  }
0x16: {  	s3 =	sld [smem:$0x3FDB];
	s0 =	simm.s32 @p2 $0x1  }
0x17: {  	s4 =	simm.s32 $0x1BF5;
	[smem:$0x3FB2] =	sst s0  }
0x18: {  	s0 =	sld [smem:$0x3F95];
	_ =	swait.ge [sflag:s4], $0x0  }
0x19: {  	s7 =	sld [smem:$0x3F96]  }
0x1a: {  	s8 =	sadd.s32 $0xFFFFE003, lr  }
0x1b: {  	s9 =	sadd.s32 $0xFFFFFEF7, lr;
	s5 =	simm.s32 $0xFFFFFFFF;
	p2 =	slt.u32 s8, $0xFFFFF086  }
0x1c: {  	p1 =	slt.u32 s9, $0xF7A;
	s5 =	simm.s32 @!p2 $0x0  }
0x1d: {  	s5 =	simm.s32 @p1 $0x1;
	p0 =	seq.s32 s7, s2  }
0x1e: {  	s7 =	smul.u32 @!p0 $0xF7A, s2;
	p2 =	seq.s32 @!p0 s5, $0x0  }
0x1f: {  	s9 =	smul.u32 $0xF7A, s1;
	s8 =	simm.s32 @!p0 $0x1BF5;
	p2 =	por !p2, p0  }
0x20: {  	[sflag:s8] =	ssyncset.s32 @!p0 $0xFFFFF086;
	s6 =	sadd.s32 @!p0 s3, s7;
	s7 =	simm.s32 @!p0 $0x108  }
0x21: {  	s3 =	sadd.s32 s3, s9;
	s6 =	sadd.s32 @!p0 $0x88, s6;
	s7 =	simm.s32 @p2 $0x1082  }
0x22: {  	[simem:s7], [sflag:s8] =	dma.local @!p0 [hbm:s6], $0xF7A  }
0x23: {  	s9 =	sor.u32 $0xD0000000, s2;
	s6 =	simm.s32 $0x108;
	_ =	swait.ge @!p0 [sflag:s8], $0x0  }
0x24: {  	s3 =	sadd.s32 $0x88, s3;
	s6 =	simm.s32 @!p1 $0x1082;
	[sflag:s4] =	ssyncset.s32 $0xFFFFF086  }
0x25: {  	[simem:s6], [sflag:s4] =	dma.local [hbm:s3], $0xF7A  }
0x26: {  	[smem:$0x3F96] =	sst s1;
	(tag) =	ssettag s2;
	_ =	strace s9  }
0x27: {  	s1 =	sld [smem:$0x3FA6]  }
0x28: {  	s2 =	sld [smem:$0x3FA7]  }
0x29: {  	s4 =	sld [smem:$0x3FA9]  }
0x2a: {  	p0 =	seq.s32 s5, $0x0;
	s5 =	sld [smem:$0x3FAA]  }
0x2b: {  	s6 =	sld [smem:$0x3FAB]  }
0x2c: {  	s7 =	sld [smem:$0x3FAC]  }
0x2d: {  	s3 =	simm.s32 $0x108;
	s8 =	sld [smem:$0x3FAD]  }
0x2e: {  	s3 =	simm.s32 @!p0 $0x1082;
	s9 =	sld [smem:$0x3FAE]  }
0x2f: {  	lr =	sadd.s32 s0, s3;
	s0 =	sld [smem:$0x3FA5]  }
0x30: {  	s3 =	sld [smem:$0x3FA8]  }
0x31: {  	[smem:$0x3FB1] =	sst s10  }
0x32: {  	s10 =	sld [smem:$0x3FAF];
	_ =	sdelay $0x3  }
0x33: {  	p0 =	seq.s32 s10, $0x1;
	s10 =	sld [smem:$0x3FB1];
	_ =	sdelay $0x3  }
0x34: {  	[smem:$0x3FB1] =	sst s10  }
0x35: {  	s10 =	sld [smem:$0x3FB0];
	_ =	sdelay $0x3  }
0x36: {  	p1 =	seq.s32 s10, $0x1;
	s10 =	sld [smem:$0x3FB1];
	_ =	sdelay $0x3  }
0x37: {  	[smem:$0x3FB1] =	sst s10  }
0x38: {  	s10 =	sld [smem:$0x3FB2]  }
0x39: {  	_ = 	snop;
	(pc) =	sbr.ind lr, $3  }
0x3a: {  	_ = 	snop  }
0x3b: {  	_ = 	snop  }
0x3c: {  	p2 =	seq.s32 s10, $0x1;
	s10 =	sld [smem:$0x3FB1]  }
0x3d: {  	_ =	shalt  }
0x3e: {  	_ =	shalt  }
0x3f: {  	_ =	shalt  }
0x40: {  	_ =	shalt  }
0x41: {  	_ =	shalt  }
0x42: {  	_ =	shalt  }
0x43: {  	_ =	shalt  }
0x44: {  	_ =	shalt  }
0x45: {  	_ =	shalt  }
0x46: {  	_ =	shalt  }
0x47: {  	_ =	shalt  }
0x48: {  	_ =	shalt  }
0x49: {  	_ =	shalt  }
0x4a: {  	_ =	shalt  }
0x4b: {  	_ =	shalt  }
0x4c: {  	_ =	shalt  }
0x4d: {  	_ =	shalt  }
0x4e: {  	_ =	shalt  }
0x4f: {  	_ =	shalt  }
0x50: {  	_ =	shalt  }
0x51: {  	_ =	shalt  }
0x52: {  	_ =	shalt  }
0x53: {  	_ =	shalt  }
0x54: {  	_ =	shalt  }
0x55: {  	_ =	shalt  }
0x56: {  	_ =	shalt  }
0x57: {  	_ =	shalt  }
0x58: {  	_ =	shalt  }
0x59: {  	_ =	shalt  }
0x5a: {  	_ =	shalt  }
0x5b: {  	_ =	shalt  }
0x5c: {  	_ =	shalt  }
0x5d: {  	_ =	shalt  }
0x5e: {  	_ =	shalt  }
0x5f: {  	_ =	shalt  }
0x60: {  	_ =	shalt  }
0x61: {  	_ =	shalt  }
0x62: {  	_ =	shalt  }
0x63: {  	_ =	shalt  }
0x64: {  	_ =	shalt  }
0x65: {  	_ =	shalt  }
0x66: {  	_ =	shalt  }
0x67: {  	_ =	shalt  }
0x68: {  	_ =	shalt  }
0x69: {  	_ =	shalt  }
0x6a: {  	_ =	shalt  }
0x6b: {  	_ =	shalt  }
0x6c: {  	_ =	shalt  }
0x6d: {  	_ =	shalt  }
0x6e: {  	_ =	shalt  }
0x6f: {  	_ =	shalt  }
0x70: {  	_ =	shalt  }
0x71: {  	_ =	shalt  }
0x72: {  	_ =	shalt  }
0x73: {  	_ =	shalt  }
0x74: {  	_ =	shalt  }
0x75: {  	_ =	shalt  }
0x76: {  	_ =	shalt  }
0x77: {  	_ =	shalt  }
0x78: {  	_ =	shalt  }
0x79: {  	_ =	shalt  }
0x7a: {  	_ =	shalt  }
0x7b: {  	_ =	shalt  }
0x7c: {  	_ =	shalt  }
0x7d: {  	_ =	shalt  }
0x7e: {  	_ =	shalt  }
0x7f: {  	_ =	shalt  }
0x80: {  	_ =	shalt  }
0x81: {  	_ =	shalt  }
0x82: {  	_ =	shalt  }
0x83: {  	_ =	shalt  }
0x84: {  	_ =	shalt  }
0x85: {  	_ =	shalt  }
0x86: {  	_ =	shalt  }
0x87: {  	_ =	shalt  }
.Lfunc_end0:
.L_simem_size_0:
called_computation.2_lowered:
.L_overlay_start_0:
0x88: {  	s2 =	sld [smem:$0x3FD9]  }
0x89: {  	s3 =	sld [smem:$0x3FFE];
	_ =	sdelay $0x1  }
0x8a: {  	s1 =	srdreg.scid  }
0x8b: {  	s0 =	sand.u32 $0x1, s1  }
0x8c: {  	s17 =	sshll.u32 s0, $0xA;
	s2 =	sadd.s32 s3, s2  }
0x8d: {  	s2 =	sadd.s32 s2, s17  }
0x8e: {  	[smem:$0x3FBD] =	sst s2  }
0x8f: {  	_ = 	snop  }
0x90: {  	s2 =	sld [smem:$0x3FD0];
	(tm) =	ssettm $0x1  }
0x91: {  	s18 =	sld [smem:$0x3FFB];
	_ =	sdelay $0x3  }
0x92: {  	_ =	strace s18  }
0x93: {  	s3 =	sld [smem:$0x3FFC];
	_ =	sdelay $0x3  }
0x94: {  	_ =	strace s3  }
0x95: {  	s3 =	sld [smem:$0x3FFD];
	_ =	sdelay $0x3  }
0x96: {  	_ =	strace s3  }
0x97: {  	_ =	strace $0x8FFFFFFF  }
0x98: {  	s19 =	sld [smem:$0x3FDB];
	_ =	sdelay $0x1  }
0x99: {  	s4 =	simm.s32 $_scs_section_size  }
0x9a: {  	s5 =	simm.s32 $_size__tile_overlayer_lowered;
	s6 =	simm.s32 $_tile_overlayer_lowered  }
0x9b: {  	s22 =	simm.s32 $0x1BFF;
	s21 =	sshll.u32 s6, $0x1;
	s3 =	sadd.s32 s4, s19  }
0x9c: {  	s7 =	simm.s32 $0x0;
	s20 =	sshll.u32 s5, $0x1;
	s5 =	sadd.s32 s21, s3  }
0x9d: {  	[timem:s7], [sflag:s22] =	dma.local [hbm:s5], s20  }
0x9e: {  	_ =	swait.ge [sflag:s22], s20  }
0x9f: {  	s4 =	ssub.s32 $0x0, s20;
	[sflag:s22] =	ssyncset.done $0x0  }
0xa0: {  	[sflag:s22] =	ssyncadd.s32 s4;
	_ =	sdelay $0x1  }
0xa1: {  	s23 =	simm.s32 $0x1B8B  }
0xa2: {  	_ =	swait.ge [sflag:s23], $0x1  }
0xa3: {  	[sflag:s23] =	ssyncset.done $0x0  }
0xa4: {  	s25 =	simm.s32 $0x1B8E;
	s24 =	sld [smem:$0x3FFE];
	[sflag:s23] =	ssyncadd.s32 $0xFFFFFFFF  }
0xa5: {  	s26 =	simm.s32 $execute0_lowered;
	[smem:$0x3FD2] =	sst s25  }
0xa6: {  	s5 =	sshll.u32 s26, $0x1;
	_ =	strace $0x8000004C;
	[dreg:$0x1] =	wrdreg $0xFFFFFFFF  }
0xa7: {  	s28 =	simm.s32 $_size_execute0_lowered;
	s3 =	sadd.s32 s3, s5;
	[dreg:$0x0] =	wrdreg $0x0  }
0xa8: {  	s5 =	sshll.u32 s28, $0x1;
	[dreg:$0x2] =	wrdreg s3  }
0xa9: {  	[dreg:$0x3] =	wrdreg s5  }
0xaa: {  	[dreg:$0x4] =	wrdreg $0xC0  }
0xab: {  	_ =	task [dreg:s7], $0x5FFFF  }
0xac: {  	[dreg:$0x1] =	wrdreg $0xFFFFFFFF  }
0xad: {  	[dreg:$0x0] =	wrdreg $0x60  }
0xae: {  	[dreg:$0x2] =	wrdreg s24  }
0xaf: {  	[dreg:$0x3] =	wrdreg s2  }
0xb0: {  	[dreg:$0x4] =	wrdreg $0x9  }
0xb1: {  	_ =	task.clear_ibuf [dreg:s7], $0x5FFFF;
	_ =	strace $0x9000004C  }
0xb2: {  	s29 =	simm.s32 $0x9;
	_ =	strace $0x8000004E  }
0xb3: {  	_ =	swait.ge [sflag:s29], $0x1  }
0xb4: {  	[sflag:s29] =	ssyncadd.s32 $0xFFFFFFFF  }
0xb5: {  	_ =	strace $0x9000004E  }
0xb6: {  	_ =	sfence  }
0xb7: {  	s30 =	sld [smem:$0x0];
	_ =	sdelay $0x2  }
0xb8: {  	s31 =	sshll.u32 s1, $0xD;
	s1 =	sshrl.u32 s1, $0x2  }
0xb9: {  	s3 =	sand.u32 $0x4000, s31;
	s1 =	sadd.s32 s1, s30  }
0xba: {  	s0 =	sor.u32 s3, s0;
	s1 =	sshll.u32 s1, $0x11  }
0xbb: {  	s0 =	sor.u32 s1, s0  }
0xbc: {  	s0 =	sadd.s32 $0x8F2B, s0  }
0xbd: {  	[sflag:s0] =	ssyncadd.remote.s32 $0x1  }
0xbe: {  	_ =	sfence.sel $0xFFFF  }
0xbf: {  	[dreg:$0x0] =	wrdreg $0xFFFFFFFF;
	(pc) =	sbr.abs _section_cstart, $3  }
0xc0: {  	[dreg:$0x1] =	wrdreg $0xFFFFFFFF  }
0xc1: {  	_ =	task.clear_ibuf [dreg:s7], $0x2FFFF;
	_ =	strace $0x9FFFFFFF  }
0xc2: {  	(tm) =	ssettm $0x7FFFFFFF  }
0xc3: {  	_ =	shalt  }
tec
execute0_lowered:
.L_overlay_start_1:
0x0: {  	(tag) =	ssettag $0x1  }
0x1: {  	s5 =	rddreg [dreg:$0x0]  }
0x2: {  	s7 =	rddreg [dreg:$0x1]  }
0x3: {  	s0 =	rddreg [dreg:$0x2]  }
0x4: {  	s2 =	simm.s32 $0x0;
	s3 =	srdreg.scid;
	s1 =	stileid.u32  }
0x5: {  	s11 =	simm.s32 $0x5000;
	s12 =	simm.s32 $0x5080;
	s13 =	simm.s32 $0x5100  }
0x6: {  	[smem:$0x7FF] =	sst s2;
	s3 =	sand.u32 $0x1, s3;
	s4 =	sshll.u32 s1, $0x5  }
0x7: {  	_ =	strace $0x8000004D;
	s6 =	sshll.u32 s3, $0x4;
	s8 =	ssub.s32 $0x2, s3  }
0x8: {  	s3 =	sadd.s32 $0x3400, s5;
	s9 =	sor.u32 s6, s4;
	s31 =	sshrl.u32 s8, $0x1  }
0x9: {  	s4 =	sadd.s32 $0x2E00, s5;
	s10 =	sadd.s32 s9, s5;
	s8 =	ssub.s32 s8, s31  }
0xa: {  	s7 =	sadd.s32 s7, s9;
	s9 =	simm.s32 $0x1;
	s5 =	sadd.s32 $0x9B000, s10  }
0xb: {  	s6 =	sadd.s32 $0x9AE00, s10;
	s8 =	smax.u32 s8, $0x1;
	s10 =	simm.s32 $0x2800  }
.LBB2_1:
0xc: {  	[tilespmem:s2], [sflag:$0x1] =	stream.linear.gather [hbm4b:s3+s2], $0x2800, $0x38;
	[tilespmem:$0x5180] =	vst v63  }
0xd: {  	_ =	swait.ge [sflag:s9], $0x2800  }
0xe: {  	[sflag:s9] =	ssyncset.done $0x0  }
0xf: {  	[sflag:s9] =	ssyncadd.s32 $0xFFFFD800  }
0x10: {  	[tilespmem:s10], [sflag:$0x1] =	stream.linear.gather [hbm4b:s4+s2], $0x2800, $0x38;
	[tilespmem:$0x5180] =	vst v63  }
0x11: {  	_ =	swait.ge [sflag:s9], $0x2800  }
0x12: {  	[sflag:s9] =	ssyncset.done $0x0  }
0x13: {  	[sflag:s9] =	ssyncadd.s32 $0xFFFFD800  }
0x14: {  	[tilespmem:s11], [sflag:$0x1] =	stream.linear.gather [hbm4b:s5+s2], $0x80, $0x38;
	[tilespmem:$0x5180] =	vst v63  }
0x15: {  	_ =	swait.ge [sflag:s9], $0x80  }
0x16: {  	[sflag:s9] =	ssyncset.done $0x0  }
0x17: {  	[sflag:s9] =	ssyncadd.s32 $0xFFFFFF80  }
0x18: {  	[tilespmem:s12], [sflag:$0x1] =	stream.linear.gather [hbm4b:s6+s2], $0x80, $0x38;
	[tilespmem:$0x5180] =	vst v63  }
0x19: {  	_ =	swait.ge [sflag:s9], $0x80  }
0x1a: {  	[sflag:s9] =	ssyncset.done $0x0  }
0x1b: {  	[sflag:s9] =	ssyncadd.s32 $0xFFFFFF80  }
0x1c: {  	v0 =	vld [tilespmem:$0x5000]  }
0x1d: {  	v1 =	vld [tilespmem:$0x5080];
	_ =	sdelay $0x6  }
0x1e: {  	v0 =	vld.idx.msk [tilespmem:v0+s2+$0x0], $0xffff  }
0x1f: {  	v1 =	vld.idx.msk [tilespmem:v1+s10+$0x0], $0xffff;
	_ =	sdelay $0x4  }
0x20: {  	v0 =	vadd.f32 v1, v0;
	_ =	sdelay $0x1  }
0x21: {  	v0 =	vsub.f32 $0.0e+00, v0;
	_ =	sdelay $0x1  }
0x22: {  	v0 =	vmul.f32 $1.442695020e+00, v0;
	_ =	sdelay $0x1  }
0x23: {  	(erf) = vpow2.f32 v0;
	_ =	sdelay $0x8  }
0x24: {  	v0 =	vpop (erf)  }
0x25: {  	v0 =	vadd.f32 $1.000000000e+00, v0;
	_ =	sdelay $0x1  }
0x26: {  	(erf) = vrcp.f32 v0;
	_ =	sdelay $0x2  }
0x27: {  	v44 =	vld [tilespmem:$0x5010]  }
0x28: {  	v45 =	vld [tilespmem:$0x5090];
	_ =	sdelay $0x4  }
0x29: {  	v2 =	vpop (erf)  }
0x2a: {  	[tilespmem:$0x5100] =	vst v2  }
0x2b: {  	v0 =	vld.idx.msk [tilespmem:v44+s2+$0x0], $0xffff  }
0x2c: {  	v1 =	vld.idx.msk [tilespmem:v45+s10+$0x0], $0xffff;
	_ =	sdelay $0x4  }
0x2d: {  	v0 =	vadd.f32 v1, v0;
	_ =	sdelay $0x1  }
0x2e: {  	v0 =	vsub.f32 $0.0e+00, v0;
	_ =	sdelay $0x1  }
0x2f: {  	v0 =	vmul.f32 $1.442695020e+00, v0;
	_ =	sdelay $0x1  }
0x30: {  	(erf) = vpow2.f32 v0;
	_ =	sdelay $0x8  }
0x31: {  	v0 =	vpop (erf)  }
0x32: {  	v0 =	vadd.f32 $1.000000000e+00, v0;
	_ =	sdelay $0x1  }
0x33: {  	(erf) = vrcp.f32 v0;
	_ =	sdelay $0x2  }
0x34: {  	v46 =	vld [tilespmem:$0x5020]  }
0x35: {  	v47 =	vld [tilespmem:$0x50A0];
	_ =	sdelay $0x4  }
0x36: {  	v48 =	vpop (erf)  }
0x37: {  	[tilespmem:$0x5110] =	vst v48  }
0x38: {  	v0 =	vld.idx.msk [tilespmem:v46+s2+$0x0], $0xffff  }
0x39: {  	v1 =	vld.idx.msk [tilespmem:v47+s10+$0x0], $0xffff;
	_ =	sdelay $0x4  }
0x3a: {  	v0 =	vadd.f32 v1, v0;
	_ =	sdelay $0x1  }
0x3b: {  	v0 =	vsub.f32 $0.0e+00, v0;
	_ =	sdelay $0x1  }
0x3c: {  	v0 =	vmul.f32 $1.442695020e+00, v0;
	_ =	sdelay $0x1  }
0x3d: {  	(erf) = vpow2.f32 v0;
	_ =	sdelay $0x8  }
0x3e: {  	v0 =	vpop (erf)  }
0x3f: {  	v0 =	vadd.f32 $1.000000000e+00, v0;
	_ =	sdelay $0x1  }
0x40: {  	(erf) = vrcp.f32 v0;
	_ =	sdelay $0x2  }
0x41: {  	v49 =	vld [tilespmem:$0x5030]  }
0x42: {  	v50 =	vld [tilespmem:$0x50B0];
	_ =	sdelay $0x4  }
0x43: {  	v51 =	vpop (erf)  }
0x44: {  	[tilespmem:$0x5120] =	vst v51  }
0x45: {  	v0 =	vld.idx.msk [tilespmem:v49+s2+$0x0], $0xffff  }
0x46: {  	v1 =	vld.idx.msk [tilespmem:v50+s10+$0x0], $0xffff;
	_ =	sdelay $0x4  }
0x47: {  	v0 =	vadd.f32 v1, v0;
	_ =	sdelay $0x1  }
0x48: {  	v0 =	vsub.f32 $0.0e+00, v0;
	_ =	sdelay $0x1  }
0x49: {  	v0 =	vmul.f32 $1.442695020e+00, v0;
	_ =	sdelay $0x1  }
0x4a: {  	(erf) = vpow2.f32 v0;
	_ =	sdelay $0x8  }
0x4b: {  	v0 =	vpop (erf)  }
0x4c: {  	v0 =	vadd.f32 $1.000000000e+00, v0;
	_ =	sdelay $0x1  }
0x4d: {  	(erf) = vrcp.f32 v0;
	_ =	sdelay $0x2  }
0x4e: {  	v52 =	vld [tilespmem:$0x5040]  }
0x4f: {  	v53 =	vld [tilespmem:$0x50C0];
	_ =	sdelay $0x4  }
0x50: {  	v54 =	vpop (erf)  }
0x51: {  	[tilespmem:$0x5130] =	vst v54  }
0x52: {  	v0 =	vld.idx.msk [tilespmem:v52+s2+$0x0], $0xffff  }
0x53: {  	v1 =	vld.idx.msk [tilespmem:v53+s10+$0x0], $0xffff;
	_ =	sdelay $0x4  }
0x54: {  	v0 =	vadd.f32 v1, v0;
	_ =	sdelay $0x1  }
0x55: {  	v0 =	vsub.f32 $0.0e+00, v0;
	_ =	sdelay $0x1  }
0x56: {  	v0 =	vmul.f32 $1.442695020e+00, v0;
	_ =	sdelay $0x1  }
0x57: {  	(erf) = vpow2.f32 v0;
	_ =	sdelay $0x8  }
0x58: {  	v0 =	vpop (erf)  }
0x59: {  	v0 =	vadd.f32 $1.000000000e+00, v0;
	_ =	sdelay $0x1  }
0x5a: {  	(erf) = vrcp.f32 v0;
	_ =	sdelay $0x2  }
0x5b: {  	v55 =	vld [tilespmem:$0x5050]  }
0x5c: {  	v56 =	vld [tilespmem:$0x50D0];
	_ =	sdelay $0x4  }
0x5d: {  	v57 =	vpop (erf)  }
0x5e: {  	[tilespmem:$0x5140] =	vst v57  }
0x5f: {  	v0 =	vld.idx.msk [tilespmem:v55+s2+$0x0], $0xffff  }
0x60: {  	v1 =	vld.idx.msk [tilespmem:v56+s10+$0x0], $0xffff;
	_ =	sdelay $0x4  }
0x61: {  	v0 =	vadd.f32 v1, v0;
	_ =	sdelay $0x1  }
0x62: {  	v0 =	vsub.f32 $0.0e+00, v0;
	_ =	sdelay $0x1  }
0x63: {  	v0 =	vmul.f32 $1.442695020e+00, v0;
	_ =	sdelay $0x1  }
0x64: {  	(erf) = vpow2.f32 v0;
	_ =	sdelay $0x8  }
0x65: {  	v0 =	vpop (erf)  }
0x66: {  	v0 =	vadd.f32 $1.000000000e+00, v0;
	_ =	sdelay $0x1  }
0x67: {  	(erf) = vrcp.f32 v0;
	_ =	sdelay $0x2  }
0x68: {  	v58 =	vld [tilespmem:$0x5060]  }
0x69: {  	v59 =	vld [tilespmem:$0x50E0];
	_ =	sdelay $0x4  }
0x6a: {  	v60 =	vpop (erf)  }
0x6b: {  	[tilespmem:$0x5150] =	vst v60  }
0x6c: {  	v0 =	vld.idx.msk [tilespmem:v58+s2+$0x0], $0xffff  }
0x6d: {  	v1 =	vld.idx.msk [tilespmem:v59+s10+$0x0], $0xffff;
	_ =	sdelay $0x4  }
0x6e: {  	v0 =	vadd.f32 v1, v0;
	_ =	sdelay $0x1  }
0x6f: {  	v0 =	vsub.f32 $0.0e+00, v0;
	_ =	sdelay $0x1  }
0x70: {  	v0 =	vmul.f32 $1.442695020e+00, v0;
	_ =	sdelay $0x1  }
0x71: {  	(erf) = vpow2.f32 v0;
	_ =	sdelay $0x8  }
0x72: {  	v0 =	vpop (erf)  }
0x73: {  	v0 =	vadd.f32 $1.000000000e+00, v0;
	_ =	sdelay $0x1  }
0x74: {  	(erf) = vrcp.f32 v0;
	_ =	sdelay $0x2  }
0x75: {  	v61 =	vld [tilespmem:$0x5070]  }
0x76: {  	v62 =	vld [tilespmem:$0x50F0];
	_ =	sdelay $0x4  }
0x77: {  	v63 =	vpop (erf)  }
0x78: {  	[tilespmem:$0x5160] =	vst v63  }
0x79: {  	v0 =	vld.idx.msk [tilespmem:v61+s2+$0x0], $0xffff  }
0x7a: {  	v1 =	vld.idx.msk [tilespmem:v62+s10+$0x0], $0xffff;
	_ =	sdelay $0x4  }
0x7b: {  	v0 =	vadd.f32 v1, v0;
	_ =	sdelay $0x1  }
0x7c: {  	v0 =	vsub.f32 $0.0e+00, v0;
	_ =	sdelay $0x1  }
0x7d: {  	v0 =	vmul.f32 $1.442695020e+00, v0;
	_ =	sdelay $0x1  }
0x7e: {  	(erf) = vpow2.f32 v0;
	_ =	sdelay $0x8  }
0x7f: {  	v0 =	vpop (erf)  }
0x80: {  	v0 =	vadd.f32 $1.000000000e+00, v0;
	_ =	sdelay $0x1  }
0x81: {  	(erf) = vrcp.f32 v0;
	_ =	sdelay $0x8  }
0x82: {  	p0 =	sne.s32 s8, $0x1;
	v0 =	vpop (erf)  }
.Ltmp0:
0x83: {  	[tilespmem:$0x5170] =	vst v0;
	(pc) =	sbr.rel @p0 .LBB2_1-.Ltmp0, $4  }
0x84: {  	[hbm4b:s7+s2] =	stream.linear.scatter [tilespmem:s13], [sflag:$0x1], $0x80, $0x38;
	[tilespmem:$0x5180] =	vst v63  }
0x85: {  	_ =	swait.ge [sflag:s9], $0x80  }
0x86: {  	[sflag:s9] =	ssyncset.done $0x0  }
0x87: {  	s8 =	sadd.s32 $0xFFFFFFFF, s8;
	[sflag:s9] =	ssyncadd.s32 $0xFFFFFF80  }
0x88: {  	_ =	sfence.sel $0x180000  }
0x89: {  	[bflag:$0x0] =	sbarrier.arrive $0xFFFF  }
0x8a: {  	p0 =	sne.s32 s1, $0x0;
	_ =	strace $0x9000004D  }
0x8b: {  	s0 =	sadd.s32 @!p0 $0x100000, s0;
	[bflag:$0x2] =	sbarrier.arrive $0xFFFF  }
0x8c: {  	[sflag:s0] =	ssyncadd.tile.s32 @!p0 $0x1;
	_ =	shalt  }
.Lfunc_end2:
_tile_overlayer_lowered:
.L_overlay_start_2:
0x8d: {  	(tag) =	ssettag $0x2  }
0x8e: {  	s0 =	rddreg [dreg:$0x0];
	s2 =	stileid.u32  }
0x8f: {  	s1 =	rddreg [dreg:$0x1];
	p0 =	sne.s32 s2, $0x0  }
0x90: {  	s3 =	rddreg [dreg:$0x2];
	[bflag:$0x3] =	sbarrier.arrive $0xFFFF;
	s2 =	simm.s32 @!p0 $0x1C01  }
0x91: {  	[timem:s3], [sflag:s2] =	dma.local @!p0 [hbm:s0], s1  }
0x92: {  	s0 =	simm.s32 @!p0 $0x1  }
0x93: {  	_ =	swait.ge @!p0 [sflag:s0], s1  }
0x94: {  	s1 =	ssub.s32 @!p0 $0x0, s1;
	[sflag:s0] =	ssyncset.done @!p0 $0x0  }
0x95: {  	[sflag:s0] =	ssyncadd.s32 @!p0 s1  }
0x96: {  	[bflag:$0x3] =	sbarrier.arrive $0xFFFF  }
0x97: {  	_ =	shalt  }

// kernel: kernel.7.cloned.1.call-start
scs
__scs_entry_jumppad:
0x0: {  	(pc) =	sbr.rel $0x88, $3  }
0x1: {  	(tag) =	ssettag $0x0;
	lr =	simm.s32 $0x1  }
0x2: {  	[smem:$0x3F96] =	sst lr;
	_ =	strace $0xD0000000  }
0x3: {  	_ = 	snop  }
0x4: {  	_ = 	snop  }
0x5: {  	_ = 	snop  }
0x6: {  	_ = 	snop  }
0x7: {  	_ = 	snop  }
__scs_overlays_trampoline_lowered:
0x8: {  	[smem:$0x3FA5] =	sst s0  }
0x9: {  	[smem:$0x3FA6] =	sst s1  }
0xa: {  	[smem:$0x3FA7] =	sst s2  }
0xb: {  	[smem:$0x3FA8] =	sst s3  }
0xc: {  	[smem:$0x3FA9] =	sst s4  }
0xd: {  	[smem:$0x3FAA] =	sst s5  }
0xe: {  	[smem:$0x3FAB] =	sst s6  }
0xf: {  	[smem:$0x3FAC] =	sst s7  }
0x10: {  	[smem:$0x3FAD] =	sst s8  }
0x11: {  	[smem:$0x3FAE] =	sst s9;
	s0 =	simm.s32 @!p0 $0x0  }
0x12: {  	s1 =	sld [smem:$0x3F94];
	s0 =	simm.s32 @p0 $0x1  }
0x13: {  	[smem:$0x3FAF] =	sst s0;
	s0 =	simm.s32 @!p1 $0x0  }
0x14: {  	s2 =	sld [smem:$0x3F93];
	s0 =	simm.s32 @p1 $0x1  }
0x15: {  	[smem:$0x3FB0] =	sst s0;
	s0 =	simm.s32 @!p2 $0x0  }
0x16: {  	s3 =	sld [smem:$0x3FDB];
	s0 =	simm.s32 @p2 $0x1  }
0x17: {  	s4 =	simm.s32 $0x1BF5;
	[smem:$0x3FB2] =	sst s0  }
0x18: {  	s0 =	sld [smem:$0x3F95];
	_ =	swait.ge [sflag:s4], $0x0  }
0x19: {  	s7 =	sld [smem:$0x3F96]  }
0x1a: {  	s8 =	sadd.s32 $0xFFFFE003, lr  }
0x1b: {  	s9 =	sadd.s32 $0xFFFFFEF7, lr;
	s5 =	simm.s32 $0xFFFFFFFF;
	p2 =	slt.u32 s8, $0xFFFFF086  }
0x1c: {  	p1 =	slt.u32 s9, $0xF7A;
	s5 =	simm.s32 @!p2 $0x0  }
0x1d: {  	s5 =	simm.s32 @p1 $0x1;
	p0 =	seq.s32 s7, s2  }
0x1e: {  	s7 =	smul.u32 @!p0 $0xF7A, s2;
	p2 =	seq.s32 @!p0 s5, $0x0  }
0x1f: {  	s9 =	smul.u32 $0xF7A, s1;
	s8 =	simm.s32 @!p0 $0x1BF5;
	p2 =	por !p2, p0  }
0x20: {  	[sflag:s8] =	ssyncset.s32 @!p0 $0xFFFFF086;
	s6 =	sadd.s32 @!p0 s3, s7;
	s7 =	simm.s32 @!p0 $0x108  }
0x21: {  	s3 =	sadd.s32 s3, s9;
	s6 =	sadd.s32 @!p0 $0x88, s6;
	s7 =	simm.s32 @p2 $0x1082  }
0x22: {  	[simem:s7], [sflag:s8] =	dma.local @!p0 [hbm:s6], $0xF7A  }
0x23: {  	s9 =	sor.u32 $0xD0000000, s2;
	s6 =	simm.s32 $0x108;
	_ =	swait.ge @!p0 [sflag:s8], $0x0  }
0x24: {  	s3 =	sadd.s32 $0x88, s3;
	s6 =	simm.s32 @!p1 $0x1082;
	[sflag:s4] =	ssyncset.s32 $0xFFFFF086  }
0x25: {  	[simem:s6], [sflag:s4] =	dma.local [hbm:s3], $0xF7A  }
0x26: {  	[smem:$0x3F96] =	sst s1;
	(tag) =	ssettag s2;
	_ =	strace s9  }
0x27: {  	s1 =	sld [smem:$0x3FA6]  }
0x28: {  	s2 =	sld [smem:$0x3FA7]  }
0x29: {  	s4 =	sld [smem:$0x3FA9]  }
0x2a: {  	p0 =	seq.s32 s5, $0x0;
	s5 =	sld [smem:$0x3FAA]  }
0x2b: {  	s6 =	sld [smem:$0x3FAB]  }
0x2c: {  	s7 =	sld [smem:$0x3FAC]  }
0x2d: {  	s3 =	simm.s32 $0x108;
	s8 =	sld [smem:$0x3FAD]  }
0x2e: {  	s3 =	simm.s32 @!p0 $0x1082;
	s9 =	sld [smem:$0x3FAE]  }
0x2f: {  	lr =	sadd.s32 s0, s3;
	s0 =	sld [smem:$0x3FA5]  }
0x30: {  	s3 =	sld [smem:$0x3FA8]  }
0x31: {  	[smem:$0x3FB1] =	sst s10  }
0x32: {  	s10 =	sld [smem:$0x3FAF];
	_ =	sdelay $0x3  }
0x33: {  	p0 =	seq.s32 s10, $0x1;
	s10 =	sld [smem:$0x3FB1];
	_ =	sdelay $0x3  }
0x34: {  	[smem:$0x3FB1] =	sst s10  }
0x35: {  	s10 =	sld [smem:$0x3FB0];
	_ =	sdelay $0x3  }
0x36: {  	p1 =	seq.s32 s10, $0x1;
	s10 =	sld [smem:$0x3FB1];
	_ =	sdelay $0x3  }
0x37: {  	[smem:$0x3FB1] =	sst s10  }
0x38: {  	s10 =	sld [smem:$0x3FB2]  }
0x39: {  	_ = 	snop;
	(pc) =	sbr.ind lr, $3  }
0x3a: {  	_ = 	snop  }
0x3b: {  	_ = 	snop  }
0x3c: {  	p2 =	seq.s32 s10, $0x1;
	s10 =	sld [smem:$0x3FB1]  }
0x3d: {  	_ =	shalt  }
0x3e: {  	_ =	shalt  }
0x3f: {  	_ =	shalt  }
0x40: {  	_ =	shalt  }
0x41: {  	_ =	shalt  }
0x42: {  	_ =	shalt  }
0x43: {  	_ =	shalt  }
0x44: {  	_ =	shalt  }
0x45: {  	_ =	shalt  }
0x46: {  	_ =	shalt  }
0x47: {  	_ =	shalt  }
0x48: {  	_ =	shalt  }
0x49: {  	_ =	shalt  }
0x4a: {  	_ =	shalt  }
0x4b: {  	_ =	shalt  }
0x4c: {  	_ =	shalt  }
0x4d: {  	_ =	shalt  }
0x4e: {  	_ =	shalt  }
0x4f: {  	_ =	shalt  }
0x50: {  	_ =	shalt  }
0x51: {  	_ =	shalt  }
0x52: {  	_ =	shalt  }
0x53: {  	_ =	shalt  }
0x54: {  	_ =	shalt  }
0x55: {  	_ =	shalt  }
0x56: {  	_ =	shalt  }
0x57: {  	_ =	shalt  }
0x58: {  	_ =	shalt  }
0x59: {  	_ =	shalt  }
0x5a: {  	_ =	shalt  }
0x5b: {  	_ =	shalt  }
0x5c: {  	_ =	shalt  }
0x5d: {  	_ =	shalt  }
0x5e: {  	_ =	shalt  }
0x5f: {  	_ =	shalt  }
0x60: {  	_ =	shalt  }
0x61: {  	_ =	shalt  }
0x62: {  	_ =	shalt  }
0x63: {  	_ =	shalt  }
0x64: {  	_ =	shalt  }
0x65: {  	_ =	shalt  }
0x66: {  	_ =	shalt  }
0x67: {  	_ =	shalt  }
0x68: {  	_ =	shalt  }
0x69: {  	_ =	shalt  }
0x6a: {  	_ =	shalt  }
0x6b: {  	_ =	shalt  }
0x6c: {  	_ =	shalt  }
0x6d: {  	_ =	shalt  }
0x6e: {  	_ =	shalt  }
0x6f: {  	_ =	shalt  }
0x70: {  	_ =	shalt  }
0x71: {  	_ =	shalt  }
0x72: {  	_ =	shalt  }
0x73: {  	_ =	shalt  }
0x74: {  	_ =	shalt  }
0x75: {  	_ =	shalt  }
0x76: {  	_ =	shalt  }
0x77: {  	_ =	shalt  }
0x78: {  	_ =	shalt  }
0x79: {  	_ =	shalt  }
0x7a: {  	_ =	shalt  }
0x7b: {  	_ =	shalt  }
0x7c: {  	_ =	shalt  }
0x7d: {  	_ =	shalt  }
0x7e: {  	_ =	shalt  }
0x7f: {  	_ =	shalt  }
0x80: {  	_ =	shalt  }
0x81: {  	_ =	shalt  }
0x82: {  	_ =	shalt  }
0x83: {  	_ =	shalt  }
0x84: {  	_ =	shalt  }
0x85: {  	_ =	shalt  }
0x86: {  	_ =	shalt  }
0x87: {  	_ =	shalt  }
.Lfunc_end0:
.L_simem_size_0:
called_computation_lowered:
.L_overlay_start_0:
0x88: {  	s2 =	sld [smem:$0x3FD9]  }
0x89: {  	s3 =	sld [smem:$0x3FFE];
	_ =	sdelay $0x1  }
0x8a: {  	s1 =	srdreg.scid  }
0x8b: {  	s0 =	sand.u32 $0x1, s1  }
0x8c: {  	s16 =	sshll.u32 s0, $0xA;
	s2 =	sadd.s32 s3, s2  }
0x8d: {  	s2 =	sadd.s32 s2, s16  }
0x8e: {  	[smem:$0x3FBD] =	sst s2  }
0x8f: {  	_ = 	snop  }
0x90: {  	(tm) =	ssettm $0x1  }
0x91: {  	s17 =	sld [smem:$0x3FFB];
	_ =	sdelay $0x3  }
0x92: {  	_ =	strace s17  }
0x93: {  	s2 =	sld [smem:$0x3FFC];
	_ =	sdelay $0x3  }
0x94: {  	_ =	strace s2  }
0x95: {  	s2 =	sld [smem:$0x3FFD];
	_ =	sdelay $0x3  }
0x96: {  	_ =	strace s2  }
0x97: {  	_ =	strace $0x8FFFFFFF  }
0x98: {  	s18 =	sld [smem:$0x3FDB];
	_ =	sdelay $0x1  }
0x99: {  	s19 =	simm.s32 $_scs_section_size  }
0x9a: {  	s4 =	simm.s32 $_size__tile_overlayer_lowered;
	s5 =	simm.s32 $_tile_overlayer_lowered  }
0x9b: {  	s22 =	simm.s32 $0x1BFF;
	s21 =	sshll.u32 s5, $0x1;
	s2 =	sadd.s32 s19, s18  }
0x9c: {  	s6 =	simm.s32 $0x0;
	s20 =	sshll.u32 s4, $0x1;
	s4 =	sadd.s32 s21, s2  }
0x9d: {  	[timem:s6], [sflag:s22] =	dma.local [hbm:s4], s20  }
0x9e: {  	_ =	swait.ge [sflag:s22], s20  }
0x9f: {  	s3 =	ssub.s32 $0x0, s20;
	[sflag:s22] =	ssyncset.done $0x0  }
0xa0: {  	[sflag:s22] =	ssyncadd.s32 s3;
	_ =	sdelay $0x1  }
0xa1: {  	s23 =	simm.s32 $0x1B8B  }
0xa2: {  	_ =	swait.ge [sflag:s23], $0x1  }
0xa3: {  	[sflag:s23] =	ssyncset.done $0x0  }
0xa4: {  	s25 =	simm.s32 $0x1B8E;
	s24 =	sld [smem:$0x3FFE];
	[sflag:s23] =	ssyncadd.s32 $0xFFFFFFFF  }
0xa5: {  	s26 =	simm.s32 $execute0_lowered;
	[smem:$0x3FD2] =	sst s25  }
0xa6: {  	s4 =	sshll.u32 s26, $0x1;
	_ =	strace $0x80000046;
	[dreg:$0x1] =	wrdreg $0xFFFFFFFF  }
0xa7: {  	s28 =	simm.s32 $_size_execute0_lowered;
	s2 =	sadd.s32 s2, s4;
	[dreg:$0x0] =	wrdreg $0x0  }
0xa8: {  	s4 =	sshll.u32 s28, $0x1;
	[dreg:$0x2] =	wrdreg s2  }
0xa9: {  	[dreg:$0x3] =	wrdreg s4  }
0xaa: {  	[dreg:$0x4] =	wrdreg $0xC0  }
0xab: {  	_ =	task [dreg:s6], $0x5FFFF  }
0xac: {  	[dreg:$0x1] =	wrdreg $0xFFFFFFFF  }
0xad: {  	[dreg:$0x0] =	wrdreg $0x60  }
0xae: {  	[dreg:$0x2] =	wrdreg s24  }
0xaf: {  	[dreg:$0x3] =	wrdreg $0x0  }
0xb0: {  	[dreg:$0x4] =	wrdreg $0x9  }
0xb1: {  	_ =	task.clear_ibuf [dreg:s6], $0x5FFFF;
	_ =	strace $0x90000046  }
0xb2: {  	s29 =	simm.s32 $0x9;
	_ =	strace $0x80000048  }
0xb3: {  	_ =	swait.ge [sflag:s29], $0x1  }
0xb4: {  	[sflag:s29] =	ssyncadd.s32 $0xFFFFFFFF  }
0xb5: {  	_ =	strace $0x90000048  }
0xb6: {  	_ =	sfence  }
0xb7: {  	s30 =	sld [smem:$0x0];
	_ =	sdelay $0x2  }
0xb8: {  	s31 =	sshll.u32 s1, $0xD;
	s1 =	sshrl.u32 s1, $0x2  }
0xb9: {  	s3 =	sand.u32 $0x4000, s31;
	s1 =	sadd.s32 s1, s30  }
0xba: {  	s0 =	sor.u32 s3, s0;
	s1 =	sshll.u32 s1, $0x11  }
0xbb: {  	s0 =	sor.u32 s1, s0  }
0xbc: {  	s0 =	sadd.s32 $0x8F2B, s0  }
0xbd: {  	[sflag:s0] =	ssyncadd.remote.s32 $0x1  }
0xbe: {  	_ =	sfence.sel $0xFFFF  }
0xbf: {  	[dreg:$0x0] =	wrdreg $0xFFFFFFFF;
	(pc) =	sbr.abs _section_cstart, $3  }
0xc0: {  	[dreg:$0x1] =	wrdreg $0xFFFFFFFF  }
0xc1: {  	_ =	task.clear_ibuf [dreg:s6], $0x2FFFF;
	_ =	strace $0x9FFFFFFF  }
0xc2: {  	(tm) =	ssettm $0x7FFFFFFF  }
0xc3: {  	_ =	shalt  }
tec
execute0_lowered:
.L_overlay_start_1:
0x0: {  	(tag) =	ssettag $0x1  }
0x1: {  	s0 =	rddreg [dreg:$0x0]  }
0x2: {  	s1 =	rddreg [dreg:$0x1];
	s2 =	simm.s32 $0x0;
	s3 =	srdreg.scid  }
0x3: {  	s11 =	stileid.u32;
	s28 =	simm.s32 $0x16B00;
	s29 =	simm.s32 $0x14100  }
0x4: {  	s30 =	simm.s32 $0x14280;
	s31 =	simm.s32 $0x19300;
	s12 =	simm.s32 $0x0  }
0x5: {  	[smem:$0x7FF] =	sst s2;
	s3 =	sand.u32 $0x1, s3;
	s7 =	smul.u32 $0x14000, s11  }
0x6: {  	s8 =	sshll.u32 s11, $0x1;
	s9 =	sshrl.u32 s11, $0x2;
	s11 =	smul.u32 $0x50000, s11  }
0x7: {  	s4 =	sadd.s32 $0x22E00, s0;
	s5 =	sadd.s32 $0x2E00, s0;
	s6 =	smul.u32 $0x140000, s3  }
0x8: {  	_ =	strace $0x80000047;
	s8 =	sor.u32 s3, s8;
	s16 =	smul.u32 $0x14000, s9  }
0x9: {  	s3 =	ssub.s32 $0x2, s3;
	s17 =	sshll.u32 s8, $0x7;
	s18 =	sshrl.u32 s11, $0x2  }
0xa: {  	s19 =	sshrl.u32 s3, $0x1;
	s6 =	sadd.s32 s7, s6;
	s9 =	sand.u32 $0x380, s17  }
0xb: {  	s15 =	sshll.u32 s8, $0xE;
	s10 =	sshrl.u32 s6, $0x3;
	s7 =	sor.u32 s16, s9  }
0xc: {  	s6 =	sadd.s32 $0x12E00, s0;
	s10 =	sadd.s32 s10, s0;
	s7 =	sshrl.u32 s7, $0x3  }
0xd: {  	s0 =	sadd.s32 s7, s0;
	s7 =	sadd.s32 s18, s1;
	s26 =	sadd.s32 $0x54E00, s10  }
0xe: {  	s8 =	simm.s32 $0x3;
	s9 =	sadd.s32 $0x2800, s7;
	[dreg:$0xb] =	wrdreg s26  }
0xf: {  	s11 =	simm.s32 $0x6;
	s20 =	sadd.s32 $0x5000, s7;
	[dreg:$0x3] =	wrdreg s9  }
0x10: {  	s3 =	ssub.s32 s3, s19;
	s21 =	sadd.s32 $0x7800, s7;
	[dreg:$0x4] =	wrdreg s20  }
0x11: {  	s19 =	simm.s32 $0x14300;
	s22 =	sadd.s32 $0xA000, s7;
	[dreg:$0x5] =	wrdreg s21  }
0x12: {  	s18 =	smax.u32 s3, $0x1;
	s23 =	sadd.s32 $0xC800, s7;
	[dreg:$0x6] =	wrdreg s22  }
0x13: {  	s3 =	simm.s32 $0x2;
	s24 =	sadd.s32 $0xF000, s7;
	[dreg:$0x7] =	wrdreg s23  }
0x14: {  	s10 =	simm.s32 $0x5;
	s25 =	sadd.s32 $0x11800, s7;
	[dreg:$0x8] =	wrdreg s24  }
0x15: {  	s0 =	sadd.s32 $0x4AE00, s0;
	s26 =	simm.s32 $0x14200;
	[dreg:$0x9] =	wrdreg s25  }
0x16: {  	[dreg:$0xa] =	wrdreg s0;
	s20 =	simm.s32 $0x7;
	s21 =	simm.s32 $0x14000  }
0x17: {  	s22 =	simm.s32 $0x14180;
	s23 =	simm.s32 $0x50;
	s24 =	simm.s32 $0x1BB00  }
0x18: {  	v0 =	vimm.f32 $0.0e+00;
	v1 =	vimm.f32 $1.000000000e+00;
	s25 =	simm.s32 $0x14080;
	s0 =	simm.s32 $0x1;
	s9 =	simm.s32 $0x4  }
.LBB2_1:
0x19: {  	s13 =	simm.s32 $0x0  }
.LBB2_2:
0x1a: {  	p0 =	sne.s32 s13, $0x9FC0  }
.Ltmp0:
0x1b: {  	_ = 	snop;
	(pc) =	sbr.rel @p0 .LBB2_2-.Ltmp0, $3  }
0x1c: {  	_ =	sdelay $0x1  }
0x1d: {  	s14 =	sshra.s32 s13, $0x2  }
0x1e: {  	s13 =	sadd.s32 $0x40, s13;
	[tilespmem:s14+$0x1BB00] =	vst v0  }
0x1f: {  	s13 =	simm.s32 $0x0;
	s14 =	simm.s32 $0x200  }
.LBB2_4:
0x20: {  	p0 =	sne.s32 s14, $0x9E00;
	[tilespmem:s13+$0x14370] =	vst v0  }
0x21: {  	[tilespmem:s13+$0x14300] =	vst v0  }
0x22: {  	[tilespmem:s13+$0x14310] =	vst v0  }
.Ltmp1:
0x23: {  	[tilespmem:s13+$0x14320] =	vst v0;
	(pc) =	sbr.rel @p0 .LBB2_4-.Ltmp1, $4  }
0x24: {  	[tilespmem:s13+$0x14330] =	vst v0  }
0x25: {  	[tilespmem:s13+$0x14340] =	vst v0  }
0x26: {  	[tilespmem:s13+$0x14350] =	vst v0  }
0x27: {  	[tilespmem:s13+$0x14360] =	vst v0;
	s13 =	sshra.s32 s14, $0x2;
	s14 =	sadd.s32 $0x200, s14  }
0x28: {  	[tilespmem:s13+$0x14370] =	vst v0  }
0x29: {  	[tilespmem:s13+$0x14300] =	vst v0  }
0x2a: {  	[tilespmem:s13+$0x14310] =	vst v0  }
0x2b: {  	[tilespmem:s13+$0x14320] =	vst v0  }
0x2c: {  	[tilespmem:s13+$0x14330] =	vst v0  }
0x2d: {  	[tilespmem:s13+$0x14340] =	vst v0  }
0x2e: {  	[tilespmem:s13+$0x14350] =	vst v0  }
0x2f: {  	[tilespmem:s13+$0x14360] =	vst v0  }
0x30: {  	[spmem:s7] =	stream.linear.scatter [tilespmem:s19], [sflag:$0x7], $0x2800, $0x38;
	[tilespmem:$0x1E300] =	vst v63  }
0x31: {  	_ =	swait.ge [sflag:s20], $0x2800  }
0x32: {  	[sflag:s20] =	ssyncset.done $0x0  }
0x33: {  	s17 =	rddreg [dreg:$0x3];
	[sflag:s20] =	ssyncadd.s32 $0xFFFFD800  }
0x34: {  	[spmem:s17] =	stream.linear.scatter [tilespmem:s19], [sflag:$0x7], $0x2800, $0x38;
	[tilespmem:$0x1E300] =	vst v63  }
0x35: {  	_ =	swait.ge [sflag:s20], $0x2800  }
0x36: {  	[sflag:s20] =	ssyncset.done $0x0  }
0x37: {  	s14 =	rddreg [dreg:$0x4];
	[sflag:s20] =	ssyncadd.s32 $0xFFFFD800  }
0x38: {  	[spmem:s14] =	stream.linear.scatter [tilespmem:s19], [sflag:$0x7], $0x2800, $0x38;
	[tilespmem:$0x1E300] =	vst v63  }
0x39: {  	_ =	swait.ge [sflag:s20], $0x2800  }
0x3a: {  	[sflag:s20] =	ssyncset.done $0x0  }
0x3b: {  	s16 =	rddreg [dreg:$0x5];
	[sflag:s20] =	ssyncadd.s32 $0xFFFFD800  }
0x3c: {  	[spmem:s16] =	stream.linear.scatter [tilespmem:s19], [sflag:$0x7], $0x2800, $0x38;
	[tilespmem:$0x1E300] =	vst v63  }
0x3d: {  	_ =	swait.ge [sflag:s20], $0x2800  }
0x3e: {  	[sflag:s20] =	ssyncset.done $0x0  }
0x3f: {  	s17 =	rddreg [dreg:$0x6];
	[sflag:s20] =	ssyncadd.s32 $0xFFFFD800  }
0x40: {  	[spmem:s17] =	stream.linear.scatter [tilespmem:s19], [sflag:$0x7], $0x2800, $0x38;
	[tilespmem:$0x1E300] =	vst v63  }
0x41: {  	_ =	swait.ge [sflag:s20], $0x2800  }
0x42: {  	[sflag:s20] =	ssyncset.done $0x0  }
0x43: {  	s14 =	rddreg [dreg:$0x7];
	[sflag:s20] =	ssyncadd.s32 $0xFFFFD800  }
0x44: {  	[spmem:s14] =	stream.linear.scatter [tilespmem:s19], [sflag:$0x7], $0x2800, $0x38;
	[tilespmem:$0x1E300] =	vst v63  }
0x45: {  	_ =	swait.ge [sflag:s20], $0x2800  }
0x46: {  	[sflag:s20] =	ssyncset.done $0x0  }
0x47: {  	s16 =	rddreg [dreg:$0x8];
	[sflag:s20] =	ssyncadd.s32 $0xFFFFD800  }
0x48: {  	[spmem:s16] =	stream.linear.scatter [tilespmem:s19], [sflag:$0x7], $0x2800, $0x38;
	[tilespmem:$0x1E300] =	vst v63  }
0x49: {  	_ =	swait.ge [sflag:s20], $0x2800  }
0x4a: {  	[sflag:s20] =	ssyncset.done $0x0  }
0x4b: {  	s17 =	rddreg [dreg:$0x9];
	[sflag:s20] =	ssyncadd.s32 $0xFFFFD800  }
0x4c: {  	[spmem:s17] =	stream.linear.scatter [tilespmem:s19], [sflag:$0x7], $0x2800, $0x38;
	[tilespmem:$0x1E300] =	vst v63  }
0x4d: {  	_ =	swait.ge [sflag:s20], $0x2800  }
0x4e: {  	[sflag:s20] =	ssyncset.done $0x0  }
0x4f: {  	[sflag:s20] =	ssyncadd.s32 $0xFFFFD800  }
0x50: {  	s13 =	simm.s32 $0x0;
	[bflag:$0x0] =	sbarrier.arrive $0xFFFF  }
.LBB2_6:
0x51: {  	p0 =	seq.s32 s13, $0x0;
	s14 =	sand.u32 $0x7C00, s13  }
0x52: {  	s17 =	sand.u32 $0x380, s13;
	s16 =	simm.s32 @!p0 $0x4;
	s14 =	sadd.s32 s15, s14  }
0x53: {  	_ =	swait.ge @!p0 [sflag:s16], $0x2800;
	s14 =	sor.u32 s17, s14  }
0x54: {  	[sflag:s16] =	ssyncset.done @!p0 $0x0;
	s14 =	sshrl.u32 s14, $0x3  }
0x55: {  	[sflag:s16] =	ssyncadd.s32 @!p0 $0xFFFFD800;
	s17 =	sadd.s32 s5, s14  }
0x56: {  	[tilespmem:s21], [sflag:$0x7] =	stream.linear.gather [hbm4b:s17+s2], $0x80, $0x38;
	[tilespmem:$0x1E300] =	vst v63  }
0x57: {  	_ =	swait.ge [sflag:s20], $0x80  }
0x58: {  	[sflag:s20] =	ssyncset.done $0x0  }
0x59: {  	s14 =	sadd.s32 s6, s14;
	[sflag:s20] =	ssyncadd.s32 $0xFFFFFF80  }
0x5a: {  	[tilespmem:s22], [sflag:$0x7] =	stream.linear.gather [hbm4b:s14+s2], $0x80, $0x38;
	[tilespmem:$0x1E300] =	vst v63  }
0x5b: {  	_ =	swait.ge [sflag:s20], $0x80  }
0x5c: {  	[sflag:s20] =	ssyncset.done $0x0  }
0x5d: {  	[sflag:s20] =	ssyncadd.s32 $0xFFFFFF80  }
0x5e: {  	[tilespmem:s19], [sflag:$0x1] =	stream.indirect.gather [hbm4b:s4+s23], $0x80, s21, s23, $0xb8;
	[tilespmem:$0x1E300] =	vst v63  }
0x5f: {  	v2 =	vld [tilespmem:$0x14180];
	_ =	sdelay $0x7  }
0x60: {  	[tilespmem:v2+s24+$0x0] =	vst.idx.add.f32.msk $0xffff, v1  }
0x61: {  	v2 =	vld [tilespmem:$0x14190];
	_ =	sdelay $0x7  }
0x62: {  	[tilespmem:v2+s24+$0x0] =	vst.idx.add.f32.msk $0xffff, v1  }
0x63: {  	v2 =	vld [tilespmem:$0x141A0];
	_ =	sdelay $0x7  }
0x64: {  	[tilespmem:v2+s24+$0x0] =	vst.idx.add.f32.msk $0xffff, v1  }
0x65: {  	v2 =	vld [tilespmem:$0x141B0];
	_ =	sdelay $0x7  }
0x66: {  	[tilespmem:v2+s24+$0x0] =	vst.idx.add.f32.msk $0xffff, v1  }
0x67: {  	v2 =	vld [tilespmem:$0x141C0];
	_ =	sdelay $0x5  }
0x68: {  	s14 =	sadd.s32 $0x80, s13  }
0x69: {  	s16 =	sand.u32 $0xFC00, s14  }
0x6a: {  	s17 =	simm.s32 @!p0 $0x5;
	s14 =	sand.u32 $0x380, s14;
	s16 =	sadd.s32 s15, s16;
	[tilespmem:v2+s24+$0x0] =	vst.idx.add.f32.msk $0xffff, v1  }
0x6b: {  	s14 =	sor.u32 s14, s16;
	_ =	swait.ge @!p0 [sflag:s17], $0x2800  }
0x6c: {  	s14 =	sshrl.u32 s14, $0x3;
	[sflag:s17] =	ssyncset.done @!p0 $0x0  }
0x6d: {  	[sflag:s17] =	ssyncadd.s32 @!p0 $0xFFFFD800;
	s17 =	sadd.s32 s5, s14  }
0x6e: {  	[tilespmem:s25], [sflag:$0x7] =	stream.linear.gather [hbm4b:s17+s2], $0x80, $0x38;
	[tilespmem:$0x1E300] =	vst v63  }
0x6f: {  	_ =	swait.ge [sflag:s20], $0x80  }
0x70: {  	[sflag:s20] =	ssyncset.done $0x0  }
0x71: {  	s14 =	sadd.s32 s6, s14;
	[sflag:s20] =	ssyncadd.s32 $0xFFFFFF80  }
0x72: {  	[tilespmem:s26], [sflag:$0x7] =	stream.linear.gather [hbm4b:s14+s2], $0x80, $0x38;
	[tilespmem:$0x1E300] =	vst v63  }
0x73: {  	_ =	swait.ge [sflag:s20], $0x80  }
0x74: {  	[sflag:s20] =	ssyncset.done $0x0  }
0x75: {  	[sflag:s20] =	ssyncadd.s32 $0xFFFFFF80  }
0x76: {  	[tilespmem:s28], [sflag:$0x2] =	stream.indirect.gather [hbm4b:s4+s23], $0x80, s25, s23, $0xb8;
	[tilespmem:$0x1E300] =	vst v63  }
0x77: {  	v2 =	vld [tilespmem:$0x14200];
	_ =	sdelay $0x7  }
0x78: {  	[tilespmem:v2+s24+$0x0] =	vst.idx.add.f32.msk $0xffff, v1  }
0x79: {  	v2 =	vld [tilespmem:$0x14210];
	_ =	sdelay $0x7  }
0x7a: {  	[tilespmem:v2+s24+$0x0] =	vst.idx.add.f32.msk $0xffff, v1  }
0x7b: {  	v2 =	vld [tilespmem:$0x14220];
	_ =	sdelay $0x7  }
0x7c: {  	[tilespmem:v2+s24+$0x0] =	vst.idx.add.f32.msk $0xffff, v1  }
0x7d: {  	v2 =	vld [tilespmem:$0x14230];
	_ =	sdelay $0x7  }
0x7e: {  	[tilespmem:v2+s24+$0x0] =	vst.idx.add.f32.msk $0xffff, v1  }
0x7f: {  	v2 =	vld [tilespmem:$0x14240];
	_ =	sdelay $0x5  }
0x80: {  	s14 =	sadd.s32 $0x100, s13  }
0x81: {  	s16 =	sand.u32 $0xFC00, s14  }
0x82: {  	s17 =	simm.s32 @!p0 $0x6;
	s14 =	sand.u32 $0x380, s14;
	s16 =	sadd.s32 s15, s16;
	[tilespmem:v2+s24+$0x0] =	vst.idx.add.f32.msk $0xffff, v1  }
0x83: {  	s14 =	sor.u32 s14, s16;
	_ =	swait.ge @!p0 [sflag:s17], $0x2800  }
0x84: {  	s14 =	sshrl.u32 s14, $0x3;
	[sflag:s17] =	ssyncset.done @!p0 $0x0  }
0x85: {  	[sflag:s17] =	ssyncadd.s32 @!p0 $0xFFFFD800;
	s17 =	sadd.s32 s5, s14  }
0x86: {  	[tilespmem:s29], [sflag:$0x7] =	stream.linear.gather [hbm4b:s17+s2], $0x80, $0x38;
	[tilespmem:$0x1E300] =	vst v63  }
0x87: {  	_ =	swait.ge [sflag:s20], $0x80  }
0x88: {  	[sflag:s20] =	ssyncset.done $0x0  }
0x89: {  	s14 =	sadd.s32 s6, s14;
	[sflag:s20] =	ssyncadd.s32 $0xFFFFFF80  }
0x8a: {  	[tilespmem:s30], [sflag:$0x7] =	stream.linear.gather [hbm4b:s14+s2], $0x80, $0x38;
	[tilespmem:$0x1E300] =	vst v63  }
0x8b: {  	_ =	swait.ge [sflag:s20], $0x80  }
0x8c: {  	[sflag:s20] =	ssyncset.done $0x0  }
0x8d: {  	[sflag:s20] =	ssyncadd.s32 $0xFFFFFF80  }
0x8e: {  	[tilespmem:s31], [sflag:$0x3] =	stream.indirect.gather [hbm4b:s4+s23], $0x80, s29, s23, $0xb8;
	[tilespmem:$0x1E300] =	vst v63  }
0x8f: {  	v2 =	vld [tilespmem:$0x14280];
	_ =	sdelay $0x7  }
0x90: {  	[tilespmem:v2+s24+$0x0] =	vst.idx.add.f32.msk $0xffff, v1  }
0x91: {  	v2 =	vld [tilespmem:$0x14290];
	_ =	sdelay $0x7  }
0x92: {  	[tilespmem:v2+s24+$0x0] =	vst.idx.add.f32.msk $0xffff, v1  }
0x93: {  	v2 =	vld [tilespmem:$0x142A0];
	_ =	sdelay $0x7  }
0x94: {  	[tilespmem:v2+s24+$0x0] =	vst.idx.add.f32.msk $0xffff, v1  }
0x95: {  	v2 =	vld [tilespmem:$0x142B0];
	_ =	sdelay $0x7  }
0x96: {  	[tilespmem:v2+s24+$0x0] =	vst.idx.add.f32.msk $0xffff, v1  }
0x97: {  	v2 =	vld [tilespmem:$0x142C0];
	_ =	sdelay $0x7  }
0x98: {  	[tilespmem:v2+s24+$0x0] =	vst.idx.add.f32.msk $0xffff, v1  }
0x99: {  	_ =	swait.ge [sflag:s0], $0x2800  }
0x9a: {  	[sflag:s0] =	ssyncset.done $0x0  }
0x9b: {  	[sflag:s0] =	ssyncadd.s32 $0xFFFFD800  }
0x9c: {  	[spmem:s1] =	stream.indirect.scatter.add.f32 [tilespmem:s19], [sflag:$0x4], $0x80, s22, s23, $0xb8;
	[tilespmem:$0x1E300] =	vst v63  }
0x9d: {  	_ =	swait.ge [sflag:s3], $0x2800  }
0x9e: {  	s13 =	sadd.s32 $0x180, s13;
	[sflag:s3] =	ssyncset.done $0x0  }
0x9f: {  	p0 =	sne.s32 s13, $0x3F00;
	[sflag:s3] =	ssyncadd.s32 $0xFFFFD800  }
0xa0: {  	[spmem:s1] =	stream.indirect.scatter.add.f32 [tilespmem:s28], [sflag:$0x5], $0x80, s26, s23, $0xb8;
	[tilespmem:$0x1E300] =	vst v63  }
.Ltmp2:
0xa1: {  	_ = 	snop;
	(pc) =	sbr.rel @p0 .LBB2_6-.Ltmp2, $4  }
0xa2: {  	_ =	swait.ge [sflag:s8], $0x2800  }
0xa3: {  	[sflag:s8] =	ssyncset.done $0x0  }
0xa4: {  	[sflag:s8] =	ssyncadd.s32 $0xFFFFD800  }
0xa5: {  	[spmem:s1] =	stream.indirect.scatter.add.f32 [tilespmem:s31], [sflag:$0x6], $0x80, s30, s23, $0xb8;
	[tilespmem:$0x1E300] =	vst v63  }
0xa6: {  	_ =	swait.ge [sflag:s9], $0x2800  }
0xa7: {  	[sflag:s9] =	ssyncset.done $0x0  }
0xa8: {  	[sflag:s9] =	ssyncadd.s32 $0xFFFFD800  }
0xa9: {  	_ =	swait.ge [sflag:s10], $0x2800  }
0xaa: {  	[sflag:s10] =	ssyncset.done $0x0  }
0xab: {  	[sflag:s10] =	ssyncadd.s32 $0xFFFFD800  }
0xac: {  	_ =	swait.ge [sflag:s11], $0x2800  }
0xad: {  	s14 =	simm.s32 $0x80;
	[sflag:s11] =	ssyncset.done $0x0  }
0xae: {  	s16 =	simm.s32 $0x400;
	s13 =	rddreg [dreg:$0xa];
	[sflag:s11] =	ssyncadd.s32 $0xFFFFD800  }
0xaf: {  	[hbm4b:s13+s14] =	stream.strided.scatter [tilespmem:s24], [sflag:$0x7], $0x2800, s16, s14, $0x38;
	[tilespmem:$0x1E300] =	vst v63  }
0xb0: {  	_ =	swait.ge [sflag:s20], $0x2800  }
0xb1: {  	s12 =	sadd.s32 $0x1, s12;
	[sflag:s20] =	ssyncset.done $0x0  }
0xb2: {  	p0 =	sne.s32 s12, s18;
	s14 =	stileid.u32;
	[sflag:s20] =	ssyncadd.s32 $0xFFFFD800  }
0xb3: {  	s16 =	sshrl.u32 s7, $0x3;
	s13 =	sshll.u32 s14, $0x6;
	[bflag:$0x0] =	sbarrier.arrive $0xFFFF  }
.Ltmp3:
0xb4: {  	s13 =	sor.u32 $0x1C07, s13;
	s17 =	rddreg [dreg:$0xb];
	(pc) =	sbr.rel @p0 .LBB2_1-.Ltmp3, $4  }
0xb5: {  	[hbm:s17], [sflag:s13] =	dma.local [spmem:s16], $0x2800  }
0xb6: {  	_ =	swait.ge [sflag:s20], $0x2800  }
0xb7: {  	[sflag:s20] =	ssyncset.done $0x0  }
0xb8: {  	[sflag:s20] =	ssyncadd.s32 $0xFFFFD800  }
0xb9: {  	_ =	sfence.sel $0x180000  }
0xba: {  	[bflag:$0x0] =	sbarrier.arrive $0xFFFF  }
0xbb: {  	_ =	strace $0x90000047  }
0xbc: {  	s0 =	stileid.u32;
	[bflag:$0x2] =	sbarrier.arrive $0xFFFF  }
0xbd: {  	p0 =	sne.s32 s0, $0x0;
	s0 =	rddreg [dreg:$0x2]  }
0xbe: {  	s0 =	sadd.s32 @!p0 $0x100000, s0  }
0xbf: {  	[sflag:s0] =	ssyncadd.tile.s32 @!p0 $0x1;
	_ =	shalt  }
.Lfunc_end2:
_tile_overlayer_lowered:
.L_overlay_start_2:
0xc0: {  	(tag) =	ssettag $0x2  }
0xc1: {  	s0 =	rddreg [dreg:$0x0];
	s2 =	stileid.u32  }
0xc2: {  	s1 =	rddreg [dreg:$0x1];
	p0 =	sne.s32 s2, $0x0  }
0xc3: {  	s3 =	rddreg [dreg:$0x2];
	[bflag:$0x3] =	sbarrier.arrive $0xFFFF;
	s2 =	simm.s32 @!p0 $0x1C07  }
0xc4: {  	[timem:s3], [sflag:s2] =	dma.local @!p0 [hbm:s0], s1  }
0xc5: {  	s0 =	simm.s32 @!p0 $0x7  }
0xc6: {  	_ =	swait.ge @!p0 [sflag:s0], s1  }
0xc7: {  	s1 =	ssub.s32 @!p0 $0x0, s1;
	[sflag:s0] =	ssyncset.done @!p0 $0x0  }
0xc8: {  	[sflag:s0] =	ssyncadd.s32 @!p0 s1  }
0xc9: {  	[bflag:$0x3] =	sbarrier.arrive $0xFFFF  }
0xca: {  	_ =	shalt  }

</sc_bundles>
